<compile_context>
chip_gen: v7x
topology: tpu7x:2x2x1
jax: 0.10.2.dev20260603
libtpu: 0.0.44.dev20260713+nightly
codegen_flags: <defaults>
</compile_context>

<pallas_src>
import jax
import jax.numpy as jnp
from jax import lax
from jax.experimental import pallas as pl
from jax.experimental.pallas import tpu as pltpu
from jax.experimental.pallas import tpu_sc as plsc

N = 10000
E = 320000
D = 128
H = 64
NC = 2
NS = 16
C = 128
NB = 4
NI = 2 * NB
TCH = E // C
BASE = TCH // NS
REM = TCH - BASE * NS
NACC = ((N + 127) // 128) * 128
ZR = NACC // NS
XR = N // NS


def _sc_body(x, ei2, zacc, zdeg, ones_h,
             acc_out, deg_out,
             shared_x, shared_acc, shared_deg,
             src_i, dst_i, rows, ones_v, zdeg_v, zacc_v,
             gsem, isem):
    cid = lax.axis_index("c")
    sid = lax.axis_index("s")
    steps = BASE + jnp.where(sid < REM, 1, 0)

    for b in range(NI):
        pltpu.async_copy(ei2.at[0, pl.ds(sid + NS * b, 1)],
                         src_i.at[pl.ds(b, 1)], isem.at[b])
        pltpu.async_copy(ei2.at[1, pl.ds(sid + NS * b, 1)],
                         dst_i.at[pl.ds(b, 1)], isem.at[b])

    pltpu.sync_copy(x.at[pl.ds(sid * XR, XR), pl.ds(cid * H, H)],
                    shared_x.at[pl.ds(sid * XR, XR)])
    pltpu.sync_copy(zacc, zacc_v)
    pltpu.sync_copy(zdeg, zdeg_v)
    zbase = sid * ZR
    for i, sz in ((0, 128), (128, 128), (256, 128), (384, 128), (512, 120)):
        pltpu.sync_copy(zacc_v.at[pl.ds(0, sz)],
                        shared_acc.at[pl.ds(zbase + i, sz)])
        pltpu.sync_copy(zdeg_v.at[pl.ds(0, sz)],
                        shared_deg.at[pl.ds(zbase + i, sz)])
    pltpu.sync_copy(ones_h, ones_v)

    plsc.subcore_barrier()

    def group(k, carry):
        for b in range(NB):
            j = k * NB + b

            @pl.when(jnp.logical_and(j >= NB, j - NB < steps))
            def _():
                jp = j - NB
                ip = jp % NI
                pltpu.make_async_copy(
                    shared_x.at[src_i.at[ip]], rows.at[b],
                    gsem.at[b]).wait()
                pltpu.sync_copy(rows.at[b], shared_acc.at[dst_i.at[ip]],
                                add=True)
                if b % 2 == 0:
                    @pl.when(cid == 0)
                    def _():
                        pltpu.sync_copy(ones_v, shared_deg.at[dst_i.at[ip]],
                                        add=True)
                else:
                    @pl.when(cid == 1)
                    def _():
                        pltpu.sync_copy(ones_v, shared_deg.at[dst_i.at[ip]],
                                        add=True)

                @pl.when(j + NB < steps)
                def _():
                    jn = j + NB
                    inx = jn % NI
                    pltpu.async_copy(ei2.at[0, pl.ds(sid + NS * jn, 1)],
                                     src_i.at[pl.ds(inx, 1)], isem.at[inx])
                    pltpu.async_copy(ei2.at[1, pl.ds(sid + NS * jn, 1)],
                                     dst_i.at[pl.ds(inx, 1)], isem.at[inx])

            @pl.when(j < steps)
            def _():
                inx = j % NI
                pltpu.make_async_copy(ei2.at[0, pl.ds(sid + NS * j, 1)],
                                      src_i.at[pl.ds(inx, 1)],
                                      isem.at[inx]).wait()
                pltpu.make_async_copy(ei2.at[1, pl.ds(sid + NS * j, 1)],
                                      dst_i.at[pl.ds(inx, 1)],
                                      isem.at[inx]).wait()
                pltpu.async_copy(shared_x.at[src_i.at[inx]], rows.at[b],
                                 gsem.at[b])
        return carry

    kmax = (steps + 2 * NB - 1) // NB
    lax.fori_loop(0, kmax, group, 0)
    plsc.subcore_barrier()

    pltpu.sync_copy(shared_acc.at[pl.ds(sid * ZR, ZR)],
                    acc_out.at[pl.ds(cid * NACC + sid * ZR, ZR)])
    pltpu.sync_copy(shared_deg.at[pl.ds(sid * ZR, ZR)],
                    deg_out.at[pl.ds(cid * NACC + sid * ZR, ZR)])


_sc_aggregate = pl.kernel(
    _sc_body,
    out_type=(
        jax.ShapeDtypeStruct((NC * NACC, H), jnp.float32),
        jax.ShapeDtypeStruct((NC * NACC, 8), jnp.float32),
    ),
    mesh=plsc.VectorSubcoreMesh(core_axis_name="c", subcore_axis_name="s"),
    scratch_types=(
        pltpu.VMEM_SHARED((N, H), jnp.float32),
        pltpu.VMEM_SHARED((NACC, H), jnp.float32),
        pltpu.VMEM_SHARED((NACC, 8), jnp.float32),
        pltpu.VMEM((NI, C), jnp.int32),
        pltpu.VMEM((NI, C), jnp.int32),
        pltpu.VMEM((NB, C, H), jnp.float32),
        pltpu.VMEM((C, 8), jnp.float32),
        pltpu.VMEM((C, 8), jnp.float32),
        pltpu.VMEM((C, H), jnp.float32),
        pltpu.SemaphoreType.DMA((NB,)),
        pltpu.SemaphoreType.DMA((NI,)),
    ),
    compiler_params=pltpu.CompilerParams(use_tc_tiling_on_sc=False),
)


def _tc_body(acc_ref, deg_ref, x_ref, wt_ref, b_ref, g_ref, be_ref, o_ref):
    summed = jnp.concatenate([acc_ref[:N, :], acc_ref[NACC:NACC + N, :]],
                             axis=1)
    deg = jnp.maximum(deg_ref[:N, 0:1] + deg_ref[NACC:NACC + N, 0:1], 1.0)
    h = summed / deg
    h = jnp.dot(h, wt_ref[...], preferred_element_type=jnp.float32)
    h = h + b_ref[...]
    mean = jnp.mean(h, axis=0, keepdims=True)
    var = jnp.mean((h - mean) * (h - mean), axis=0, keepdims=True)
    h = (h - mean) * jax.lax.rsqrt(var + 1e-5) * g_ref[...] + be_ref[...]
    o_ref[...] = x_ref[...] + jnp.maximum(h, 0.0)


_tc_tail = pl.pallas_call(
    _tc_body,
    out_shape=jax.ShapeDtypeStruct((N, D), jnp.float32),
)


def kernel(x, edge_index, W, b, gamma, beta):
    ei2 = edge_index.astype(jnp.int32).reshape(2, TCH, C)
    zacc = jnp.zeros((C, H), jnp.float32)
    zdeg = jnp.zeros((C, 8), jnp.float32)
    ones_h = jnp.ones((C, 8), jnp.float32)

    summed, deg = _sc_aggregate(x, ei2, zacc, zdeg, ones_h)

    return _tc_tail(summed, deg, x, W.T,
                    b.reshape(1, D), gamma.reshape(1, D), beta.reshape(1, D))

# --- scband reference (transcript-rebuilt; emitter-appended) ---
"""Pipeline reference for scband-gcnlayer-76647986365164 (READ-ONLY COPY).

The authoritative reference and input builder live on the scoring server;
editing this copy changes nothing except your own understanding.
"""

import jax, jax.numpy as jnp
import numpy as np

N = 10000
E = 320000
D_IN = 128
D_OUT = 128

def setup_inputs(seed: int = 0) -> dict:
    key = jax.random.key(seed)
    k1, k2, k3, k4, k5, k6 = jax.random.split(key, 6)
    x = jax.random.normal(k1, (N, D_IN), dtype=jnp.float32)
    edge_index = jax.random.randint(k2, (2, E), 0, N, dtype=jnp.int64)
    # Linear params (torch nn.Linear default init: U(-1/sqrt(in), 1/sqrt(in)))
    bound = 1.0 / np.sqrt(D_IN)
    W = jax.random.uniform(k3, (D_OUT, D_IN), dtype=jnp.float32, minval=-bound, maxval=bound)
    b = jax.random.uniform(k4, (D_OUT,), dtype=jnp.float32, minval=-bound, maxval=bound)
    # BatchNorm1d affine params
    gamma = jnp.ones((D_OUT,), dtype=jnp.float32)
    beta = jnp.zeros((D_OUT,), dtype=jnp.float32)
    return {"x": x, "edge_index": edge_index, "W": W, "b": b, "gamma": gamma, "beta": beta}

def reference(x, edge_index, W, b, gamma, beta):
    # DGL update_all(copy_src('h','m'), mean('m','h')): mean of source features over in-edges
    src = edge_index[0]
    dst = edge_index[1]
    msgs = jnp.take(x, src, axis=0)                                  # gather  [E, D_IN]
    summed = jax.ops.segment_sum(msgs, dst, num_segments=N)          # scatter-add [N, D_IN]
    deg = jax.ops.segment_sum(jnp.ones((E,), dtype=x.dtype), dst, num_segments=N)
    h = summed / jnp.maximum(deg, 1.0)[:, None]                      # zero-in-degree nodes stay 0
    # NodeApplyModule: linear
    h = h @ W.T + b
    # BatchNorm1d (training-mode batch statistics, biased variance, eps=1e-5)
    mean = jnp.mean(h, axis=0)
    var = jnp.var(h, axis=0)
    h = (h - mean) / jnp.sqrt(var + 1e-5) * gamma + beta
    # activation
    h = jax.nn.relu(h)
    # residual (in_dim == out_dim)
    h = x + h
    # dropout p=0.0 -> identity
    return h

if __name__ == "__main__":
    import jax
    _d = setup_inputs()
    print(jax.jit(kernel)(*tuple(_d.values())))

</pallas_src>

<mosaic_0001>
#map = affine_map<(d0, d1) -> (0, 0)>
#map1 = affine_map<(d0, d1) -> (0, 0, 0)>
module attributes {stable_mosaic.version = 14 : i64} {
  func.func @_sc_body(%arg0: i32, %arg1: i32, %arg2: memref<10000x128xf32, #tpu.memory_space<hbm>>, %arg3: memref<2x2500x128xi32, #tpu.memory_space<hbm>>, %arg4: memref<128x64xf32, #tpu.memory_space<hbm>>, %arg5: memref<128x8xf32, #tpu.memory_space<hbm>>, %arg6: memref<128x8xf32, #tpu.memory_space<hbm>>, %arg7: memref<20224x64xf32, #tpu.memory_space<hbm>>, %arg8: memref<20224x8xf32, #tpu.memory_space<hbm>>, %arg9: memref<10000x64xf32, #tpu.memory_space<vmem_shared>>, %arg10: memref<10112x64xf32, #tpu.memory_space<vmem_shared>>, %arg11: memref<10112x8xf32, #tpu.memory_space<vmem_shared>>, %arg12: memref<8x128xi32, #tpu.memory_space<vmem>>, %arg13: memref<8x128xi32, #tpu.memory_space<vmem>>, %arg14: memref<4x128x64xf32, #tpu.memory_space<vmem>>, %arg15: memref<128x8xf32, #tpu.memory_space<vmem>>, %arg16: memref<128x8xf32, #tpu.memory_space<vmem>>, %arg17: memref<128x64xf32, #tpu.memory_space<vmem>>, %arg18: memref<4x!tpu.dma_semaphore, #tpu.memory_space<semaphore_mem>>, %arg19: memref<8x!tpu.dma_semaphore, #tpu.memory_space<semaphore_mem>>) attributes {dimension_semantics = [#tpu.dimension_semantics<core_parallel>, #tpu.dimension_semantics<subcore_parallel>], iteration_bounds = array<i64: 2, 16>, scalar_prefetch = 0 : i64, scratch_operands = 11 : i64, tpu.core_type = #tpu.core_type<sc_vector_subcore>, window_params = [{transform_indices = #map}, {transform_indices = #map1}, {transform_indices = #map}, {transform_indices = #map}, {transform_indices = #map}, {transform_indices = #map}, {transform_indices = #map}]} {
    %lt3A = arith.constant 4 : i32
    %lt3A_0 = arith.cmpi slt, %arg1, %lt3A : i32
    %jit3A = arith.constant 1 : i32
    %jit3A_1 = arith.constant 0 : i32
    %select_n3A = arith.select %lt3A_0, %jit3A, %jit3A_1 : i32
    %add3A = arith.constant 156 : i32
    %add3A_2 = arith.addi %add3A, %select_n3A : i32
    %add3A_3 = arith.constant 0 : i32
    %add3A_4 = arith.addi %arg1, %add3A_3 : i32
    %dma_start3A = arith.constant 0 : i32
    %dma_start3A_5 = arith.constant 0 : i32
    %dma_start3A_6 = arith.constant 0 : i32
    %dma_start3A_7 = arith.constant 0 : i32
    %dma_start3A_8 = tpu.memref_slice %arg12[%dma_start3A_6, %dma_start3A_7] : memref<8x128xi32, #tpu.memory_space<vmem>> -> memref<1x128xi32, #tpu.memory_space<vmem>>
    %dma_start3A_9 = arith.constant 0 : i32
    %dma_start3A_10 = tpu.memref_slice %arg3[%dma_start3A, %add3A_4, %dma_start3A_9] : memref<2x2500x128xi32, #tpu.memory_space<hbm>> -> memref<1x1x128xi32, #tpu.memory_space<hbm>>
    %dma_start3A_11 = tpu.memref_squeeze %dma_start3A_10 : memref<1x1x128xi32, #tpu.memory_space<hbm>> -> memref<1x128xi32, #tpu.memory_space<hbm>>
    %dma_start3A_12 = tpu.memref_slice %arg19[%dma_start3A_5] : memref<8x!tpu.dma_semaphore, #tpu.memory_space<semaphore_mem>> -> memref<1x!tpu.dma_semaphore, #tpu.memory_space<semaphore_mem>>
    %dma_start3A_13 = tpu.memref_squeeze %dma_start3A_12 : memref<1x!tpu.dma_semaphore, #tpu.memory_space<semaphore_mem>> -> memref<!tpu.dma_semaphore, #tpu.memory_space<semaphore_mem>>
    %dma_start3A_14 = arith.constant 0 : i32
    %dma_start3A_15 = arith.constant 0 : i32
    %dma_start3A_16 = tpu.memref_slice %arg12[%dma_start3A_14, %dma_start3A_15] : memref<8x128xi32, #tpu.memory_space<vmem>> -> memref<1x128xi32, #tpu.memory_space<vmem>>
    %dma_start3A_17 = arith.constant 0 : i32
    %dma_start3A_18 = tpu.memref_slice %arg3[%dma_start3A, %add3A_4, %dma_start3A_17] : memref<2x2500x128xi32, #tpu.memory_space<hbm>> -> memref<1x1x128xi32, #tpu.memory_space<hbm>>
    %dma_start3A_19 = tpu.memref_squeeze %dma_start3A_18 : memref<1x1x128xi32, #tpu.memory_space<hbm>> -> memref<1x128xi32, #tpu.memory_space<hbm>>
    tpu.enqueue_dma source(%dma_start3A_19 : memref<1x128xi32, #tpu.memory_space<hbm>>) target(%dma_start3A_16 : memref<1x128xi32, #tpu.memory_space<vmem>>) target_semaphore(%dma_start3A_13 : memref<!tpu.dma_semaphore, #tpu.memory_space<semaphore_mem>>)
    %add3A_20 = arith.constant 0 : i32
    %add3A_21 = arith.addi %arg1, %add3A_20 : i32
    %dma_start3A_22 = arith.constant 1 : i32
    %dma_start3A_23 = arith.constant 0 : i32
    %dma_start3A_24 = arith.constant 0 : i32
    %dma_start3A_25 = arith.constant 0 : i32
    %dma_start3A_26 = tpu.memref_slice %arg13[%dma_start3A_24, %dma_start3A_25] : memref<8x128xi32, #tpu.memory_space<vmem>> -> memref<1x128xi32, #tpu.memory_space<vmem>>
    %dma_start3A_27 = arith.constant 0 : i32
    %dma_start3A_28 = tpu.memref_slice %arg3[%dma_start3A_22, %add3A_21, %dma_start3A_27] : memref<2x2500x128xi32, #tpu.memory_space<hbm>> -> memref<1x1x128xi32, #tpu.memory_space<hbm>>
    %dma_start3A_29 = tpu.memref_squeeze %dma_start3A_28 : memref<1x1x128xi32, #tpu.memory_space<hbm>> -> memref<1x128xi32, #tpu.memory_space<hbm>>
    %dma_start3A_30 = tpu.memref_slice %arg19[%dma_start3A_23] : memref<8x!tpu.dma_semaphore, #tpu.memory_space<semaphore_mem>> -> memref<1x!tpu.dma_semaphore, #tpu.memory_space<semaphore_mem>>
    %dma_start3A_31 = tpu.memref_squeeze %dma_start3A_30 : memref<1x!tpu.dma_semaphore, #tpu.memory_space<semaphore_mem>> -> memref<!tpu.dma_semaphore, #tpu.memory_space<semaphore_mem>>
    %dma_start3A_32 = arith.constant 0 : i32
    %dma_start3A_33 = arith.constant 0 : i32
    %dma_start3A_34 = tpu.memref_slice %arg13[%dma_start3A_32, %dma_start3A_33] : memref<8x128xi32, #tpu.memory_space<vmem>> -> memref<1x128xi32, #tpu.memory_space<vmem>>
    %dma_start3A_35 = arith.constant 0 : i32
    %dma_start3A_36 = tpu.memref_slice %arg3[%dma_start3A_22, %add3A_21, %dma_start3A_35] : memref<2x2500x128xi32, #tpu.memory_space<hbm>> -> memref<1x1x128xi32, #tpu.memory_space<hbm>>
    %dma_start3A_37 = tpu.memref_squeeze %dma_start3A_36 : memref<1x1x128xi32, #tpu.memory_space<hbm>> -> memref<1x128xi32, #tpu.memory_space<hbm>>
    tpu.enqueue_dma source(%dma_start3A_37 : memref<1x128xi32, #tpu.memory_space<hbm>>) target(%dma_start3A_34 : memref<1x128xi32, #tpu.memory_space<vmem>>) target_semaphore(%dma_start3A_31 : memref<!tpu.dma_semaphore, #tpu.memory_space<semaphore_mem>>)
    %add3A_38 = arith.constant 16 : i32
    %add3A_39 = arith.addi %arg1, %add3A_38 : i32
    %dma_start3A_40 = arith.constant 0 : i32
    %dma_start3A_41 = arith.constant 1 : i32
    %dma_start3A_42 = arith.constant 1 : i32
    %dma_start3A_43 = arith.constant 0 : i32
    %dma_start3A_44 = tpu.memref_slice %arg12[%dma_start3A_42, %dma_start3A_43] : memref<8x128xi32, #tpu.memory_space<vmem>> -> memref<1x128xi32, #tpu.memory_space<vmem>>
    %dma_start3A_45 = arith.constant 0 : i32
    %dma_start3A_46 = tpu.memref_slice %arg3[%dma_start3A_40, %add3A_39, %dma_start3A_45] : memref<2x2500x128xi32, #tpu.memory_space<hbm>> -> memref<1x1x128xi32, #tpu.memory_space<hbm>>
    %dma_start3A_47 = tpu.memref_squeeze %dma_start3A_46 : memref<1x1x128xi32, #tpu.memory_space<hbm>> -> memref<1x128xi32, #tpu.memory_space<hbm>>
    %dma_start3A_48 = tpu.memref_slice %arg19[%dma_start3A_41] : memref<8x!tpu.dma_semaphore, #tpu.memory_space<semaphore_mem>> -> memref<1x!tpu.dma_semaphore, #tpu.memory_space<semaphore_mem>>
    %dma_start3A_49 = tpu.memref_squeeze %dma_start3A_48 : memref<1x!tpu.dma_semaphore, #tpu.memory_space<semaphore_mem>> -> memref<!tpu.dma_semaphore, #tpu.memory_space<semaphore_mem>>
    %dma_start3A_50 = arith.constant 1 : i32
    %dma_start3A_51 = arith.constant 0 : i32
    %dma_start3A_52 = tpu.memref_slice %arg12[%dma_start3A_50, %dma_start3A_51] : memref<8x128xi32, #tpu.memory_space<vmem>> -> memref<1x128xi32, #tpu.memory_space<vmem>>
    %dma_start3A_53 = arith.constant 0 : i32
    %dma_start3A_54 = tpu.memref_slice %arg3[%dma_start3A_40, %add3A_39, %dma_start3A_53] : memref<2x2500x128xi32, #tpu.memory_space<hbm>> -> memref<1x1x128xi32, #tpu.memory_space<hbm>>
    %dma_start3A_55 = tpu.memref_squeeze %dma_start3A_54 : memref<1x1x128xi32, #tpu.memory_space<hbm>> -> memref<1x128xi32, #tpu.memory_space<hbm>>
    tpu.enqueue_dma source(%dma_start3A_55 : memref<1x128xi32, #tpu.memory_space<hbm>>) target(%dma_start3A_52 : memref<1x128xi32, #tpu.memory_space<vmem>>) target_semaphore(%dma_start3A_49 : memref<!tpu.dma_semaphore, #tpu.memory_space<semaphore_mem>>)
    %add3A_56 = arith.constant 16 : i32
    %add3A_57 = arith.addi %arg1, %add3A_56 : i32
    %dma_start3A_58 = arith.constant 1 : i32
    %dma_start3A_59 = arith.constant 1 : i32
    %dma_start3A_60 = arith.constant 1 : i32
    %dma_start3A_61 = arith.constant 0 : i32
    %dma_start3A_62 = tpu.memref_slice %arg13[%dma_start3A_60, %dma_start3A_61] : memref<8x128xi32, #tpu.memory_space<vmem>> -> memref<1x128xi32, #tpu.memory_space<vmem>>
    %dma_start3A_63 = arith.constant 0 : i32
    %dma_start3A_64 = tpu.memref_slice %arg3[%dma_start3A_58, %add3A_57, %dma_start3A_63] : memref<2x2500x128xi32, #tpu.memory_space<hbm>> -> memref<1x1x128xi32, #tpu.memory_space<hbm>>
    %dma_start3A_65 = tpu.memref_squeeze %dma_start3A_64 : memref<1x1x128xi32, #tpu.memory_space<hbm>> -> memref<1x128xi32, #tpu.memory_space<hbm>>
    %dma_start3A_66 = tpu.memref_slice %arg19[%dma_start3A_59] : memref<8x!tpu.dma_semaphore, #tpu.memory_space<semaphore_mem>> -> memref<1x!tpu.dma_semaphore, #tpu.memory_space<semaphore_mem>>
    %dma_start3A_67 = tpu.memref_squeeze %dma_start3A_66 : memref<1x!tpu.dma_semaphore, #tpu.memory_space<semaphore_mem>> -> memref<!tpu.dma_semaphore, #tpu.memory_space<semaphore_mem>>
    %dma_start3A_68 = arith.constant 1 : i32
    %dma_start3A_69 = arith.constant 0 : i32
    %dma_start3A_70 = tpu.memref_slice %arg13[%dma_start3A_68, %dma_start3A_69] : memref<8x128xi32, #tpu.memory_space<vmem>> -> memref<1x128xi32, #tpu.memory_space<vmem>>
    %dma_start3A_71 = arith.constant 0 : i32
    %dma_start3A_72 = tpu.memref_slice %arg3[%dma_start3A_58, %add3A_57, %dma_start3A_71] : memref<2x2500x128xi32, #tpu.memory_space<hbm>> -> memref<1x1x128xi32, #tpu.memory_space<hbm>>
    %dma_start3A_73 = tpu.memref_squeeze %dma_start3A_72 : memref<1x1x128xi32, #tpu.memory_space<hbm>> -> memref<1x128xi32, #tpu.memory_space<hbm>>
    tpu.enqueue_dma source(%dma_start3A_73 : memref<1x128xi32, #tpu.memory_space<hbm>>) target(%dma_start3A_70 : memref<1x128xi32, #tpu.memory_space<vmem>>) target_semaphore(%dma_start3A_67 : memref<!tpu.dma_semaphore, #tpu.memory_space<semaphore_mem>>)
    %add3A_74 = arith.constant 32 : i32
    %add3A_75 = arith.addi %arg1, %add3A_74 : i32
    %dma_start3A_76 = arith.constant 0 : i32
    %dma_start3A_77 = arith.constant 2 : i32
    %dma_start3A_78 = arith.constant 2 : i32
    %dma_start3A_79 = arith.constant 0 : i32
    %dma_start3A_80 = tpu.memref_slice %arg12[%dma_start3A_78, %dma_start3A_79] : memref<8x128xi32, #tpu.memory_space<vmem>> -> memref<1x128xi32, #tpu.memory_space<vmem>>
    %dma_start3A_81 = arith.constant 0 : i32
    %dma_start3A_82 = tpu.memref_slice %arg3[%dma_start3A_76, %add3A_75, %dma_start3A_81] : memref<2x2500x128xi32, #tpu.memory_space<hbm>> -> memref<1x1x128xi32, #tpu.memory_space<hbm>>
    %dma_start3A_83 = tpu.memref_squeeze %dma_start3A_82 : memref<1x1x128xi32, #tpu.memory_space<hbm>> -> memref<1x128xi32, #tpu.memory_space<hbm>>
    %dma_start3A_84 = tpu.memref_slice %arg19[%dma_start3A_77] : memref<8x!tpu.dma_semaphore, #tpu.memory_space<semaphore_mem>> -> memref<1x!tpu.dma_semaphore, #tpu.memory_space<semaphore_mem>>
    %dma_start3A_85 = tpu.memref_squeeze %dma_start3A_84 : memref<1x!tpu.dma_semaphore, #tpu.memory_space<semaphore_mem>> -> memref<!tpu.dma_semaphore, #tpu.memory_space<semaphore_mem>>
    %dma_start3A_86 = arith.constant 2 : i32
    %dma_start3A_87 = arith.constant 0 : i32
    %dma_start3A_88 = tpu.memref_slice %arg12[%dma_start3A_86, %dma_start3A_87] : memref<8x128xi32, #tpu.memory_space<vmem>> -> memref<1x128xi32, #tpu.memory_space<vmem>>
    %dma_start3A_89 = arith.constant 0 : i32
    %dma_start3A_90 = tpu.memref_slice %arg3[%dma_start3A_76, %add3A_75, %dma_start3A_89] : memref<2x2500x128xi32, #tpu.memory_space<hbm>> -> memref<1x1x128xi32, #tpu.memory_space<hbm>>
    %dma_start3A_91 = tpu.memref_squeeze %dma_start3A_90 : memref<1x1x128xi32, #tpu.memory_space<hbm>> -> memref<1x128xi32, #tpu.memory_space<hbm>>
    tpu.enqueue_dma source(%dma_start3A_91 : memref<1x128xi32, #tpu.memory_space<hbm>>) target(%dma_start3A_88 : memref<1x128xi32, #tpu.memory_space<vmem>>) target_semaphore(%dma_start3A_85 : memref<!tpu.dma_semaphore, #tpu.memory_space<semaphore_mem>>)
    %add3A_92 = arith.constant 32 : i32
    %add3A_93 = arith.addi %arg1, %add3A_92 : i32
    %dma_start3A_94 = arith.constant 1 : i32
    %dma_start3A_95 = arith.constant 2 : i32
    %dma_start3A_96 = arith.constant 2 : i32
    %dma_start3A_97 = arith.constant 0 : i32
    %dma_start3A_98 = tpu.memref_slice %arg13[%dma_start3A_96, %dma_start3A_97] : memref<8x128xi32, #tpu.memory_space<vmem>> -> memref<1x128xi32, #tpu.memory_space<vmem>>
    %dma_start3A_99 = arith.constant 0 : i32
    %dma_start3A_100 = tpu.memref_slice %arg3[%dma_start3A_94, %add3A_93, %dma_start3A_99] : memref<2x2500x128xi32, #tpu.memory_space<hbm>> -> memref<1x1x128xi32, #tpu.memory_space<hbm>>
    %dma_start3A_101 = tpu.memref_squeeze %dma_start3A_100 : memref<1x1x128xi32, #tpu.memory_space<hbm>> -> memref<1x128xi32, #tpu.memory_space<hbm>>
    %dma_start3A_102 = tpu.memref_slice %arg19[%dma_start3A_95] : memref<8x!tpu.dma_semaphore, #tpu.memory_space<semaphore_mem>> -> memref<1x!tpu.dma_semaphore, #tpu.memory_space<semaphore_mem>>
    %dma_start3A_103 = tpu.memref_squeeze %dma_start3A_102 : memref<1x!tpu.dma_semaphore, #tpu.memory_space<semaphore_mem>> -> memref<!tpu.dma_semaphore, #tpu.memory_space<semaphore_mem>>
    %dma_start3A_104 = arith.constant 2 : i32
    %dma_start3A_105 = arith.constant 0 : i32
    %dma_start3A_106 = tpu.memref_slice %arg13[%dma_start3A_104, %dma_start3A_105] : memref<8x128xi32, #tpu.memory_space<vmem>> -> memref<1x128xi32, #tpu.memory_space<vmem>>
    %dma_start3A_107 = arith.constant 0 : i32
    %dma_start3A_108 = tpu.memref_slice %arg3[%dma_start3A_94, %add3A_93, %dma_start3A_107] : memref<2x2500x128xi32, #tpu.memory_space<hbm>> -> memref<1x1x128xi32, #tpu.memory_space<hbm>>
    %dma_start3A_109 = tpu.memref_squeeze %dma_start3A_108 : memref<1x1x128xi32, #tpu.memory_space<hbm>> -> memref<1x128xi32, #tpu.memory_space<hbm>>
    tpu.enqueue_dma source(%dma_start3A_109 : memref<1x128xi32, #tpu.memory_space<hbm>>) target(%dma_start3A_106 : memref<1x128xi32, #tpu.memory_space<vmem>>) target_semaphore(%dma_start3A_103 : memref<!tpu.dma_semaphore, #tpu.memory_space<semaphore_mem>>)
    %add3A_110 = arith.constant 48 : i32
    %add3A_111 = arith.addi %arg1, %add3A_110 : i32
    %dma_start3A_112 = arith.constant 0 : i32
    %dma_start3A_113 = arith.constant 3 : i32
    %dma_start3A_114 = arith.constant 3 : i32
    %dma_start3A_115 = arith.constant 0 : i32
    %dma_start3A_116 = tpu.memref_slice %arg12[%dma_start3A_114, %dma_start3A_115] : memref<8x128xi32, #tpu.memory_space<vmem>> -> memref<1x128xi32, #tpu.memory_space<vmem>>
    %dma_start3A_117 = arith.constant 0 : i32
    %dma_start3A_118 = tpu.memref_slice %arg3[%dma_start3A_112, %add3A_111, %dma_start3A_117] : memref<2x2500x128xi32, #tpu.memory_space<hbm>> -> memref<1x1x128xi32, #tpu.memory_space<hbm>>
    %dma_start3A_119 = tpu.memref_squeeze %dma_start3A_118 : memref<1x1x128xi32, #tpu.memory_space<hbm>> -> memref<1x128xi32, #tpu.memory_space<hbm>>
    %dma_start3A_120 = tpu.memref_slice %arg19[%dma_start3A_113] : memref<8x!tpu.dma_semaphore, #tpu.memory_space<semaphore_mem>> -> memref<1x!tpu.dma_semaphore, #tpu.memory_space<semaphore_mem>>
    %dma_start3A_121 = tpu.memref_squeeze %dma_start3A_120 : memref<1x!tpu.dma_semaphore, #tpu.memory_space<semaphore_mem>> -> memref<!tpu.dma_semaphore, #tpu.memory_space<semaphore_mem>>
    %dma_start3A_122 = arith.constant 3 : i32
    %dma_start3A_123 = arith.constant 0 : i32
    %dma_start3A_124 = tpu.memref_slice %arg12[%dma_start3A_122, %dma_start3A_123] : memref<8x128xi32, #tpu.memory_space<vmem>> -> memref<1x128xi32, #tpu.memory_space<vmem>>
    %dma_start3A_125 = arith.constant 0 : i32
    %dma_start3A_126 = tpu.memref_slice %arg3[%dma_start3A_112, %add3A_111, %dma_start3A_125] : memref<2x2500x128xi32, #tpu.memory_space<hbm>> -> memref<1x1x128xi32, #tpu.memory_space<hbm>>
    %dma_start3A_127 = tpu.memref_squeeze %dma_start3A_126 : memref<1x1x128xi32, #tpu.memory_space<hbm>> -> memref<1x128xi32, #tpu.memory_space<hbm>>
    tpu.enqueue_dma source(%dma_start3A_127 : memref<1x128xi32, #tpu.memory_space<hbm>>) target(%dma_start3A_124 : memref<1x128xi32, #tpu.memory_space<vmem>>) target_semaphore(%dma_start3A_121 : memref<!tpu.dma_semaphore, #tpu.memory_space<semaphore_mem>>)
    %add3A_128 = arith.constant 48 : i32
    %add3A_129 = arith.addi %arg1, %add3A_128 : i32
    %dma_start3A_130 = arith.constant 1 : i32
    %dma_start3A_131 = arith.constant 3 : i32
    %dma_start3A_132 = arith.constant 3 : i32
    %dma_start3A_133 = arith.constant 0 : i32
    %dma_start3A_134 = tpu.memref_slice %arg13[%dma_start3A_132, %dma_start3A_133] : memref<8x128xi32, #tpu.memory_space<vmem>> -> memref<1x128xi32, #tpu.memory_space<vmem>>
    %dma_start3A_135 = arith.constant 0 : i32
    %dma_start3A_136 = tpu.memref_slice %arg3[%dma_start3A_130, %add3A_129, %dma_start3A_135] : memref<2x2500x128xi32, #tpu.memory_space<hbm>> -> memref<1x1x128xi32, #tpu.memory_space<hbm>>
    %dma_start3A_137 = tpu.memref_squeeze %dma_start3A_136 : memref<1x1x128xi32, #tpu.memory_space<hbm>> -> memref<1x128xi32, #tpu.memory_space<hbm>>
    %dma_start3A_138 = tpu.memref_slice %arg19[%dma_start3A_131] : memref<8x!tpu.dma_semaphore, #tpu.memory_space<semaphore_mem>> -> memref<1x!tpu.dma_semaphore, #tpu.memory_space<semaphore_mem>>
    %dma_start3A_139 = tpu.memref_squeeze %dma_start3A_138 : memref<1x!tpu.dma_semaphore, #tpu.memory_space<semaphore_mem>> -> memref<!tpu.dma_semaphore, #tpu.memory_space<semaphore_mem>>
    %dma_start3A_140 = arith.constant 3 : i32
    %dma_start3A_141 = arith.constant 0 : i32
    %dma_start3A_142 = tpu.memref_slice %arg13[%dma_start3A_140, %dma_start3A_141] : memref<8x128xi32, #tpu.memory_space<vmem>> -> memref<1x128xi32, #tpu.memory_space<vmem>>
    %dma_start3A_143 = arith.constant 0 : i32
    %dma_start3A_144 = tpu.memref_slice %arg3[%dma_start3A_130, %add3A_129, %dma_start3A_143] : memref<2x2500x128xi32, #tpu.memory_space<hbm>> -> memref<1x1x128xi32, #tpu.memory_space<hbm>>
    %dma_start3A_145 = tpu.memref_squeeze %dma_start3A_144 : memref<1x1x128xi32, #tpu.memory_space<hbm>> -> memref<1x128xi32, #tpu.memory_space<hbm>>
    tpu.enqueue_dma source(%dma_start3A_145 : memref<1x128xi32, #tpu.memory_space<hbm>>) target(%dma_start3A_142 : memref<1x128xi32, #tpu.memory_space<vmem>>) target_semaphore(%dma_start3A_139 : memref<!tpu.dma_semaphore, #tpu.memory_space<semaphore_mem>>)
    %add3A_146 = arith.constant 64 : i32
    %add3A_147 = arith.addi %arg1, %add3A_146 : i32
    %dma_start3A_148 = arith.constant 0 : i32
    %dma_start3A_149 = arith.constant 4 : i32
    %dma_start3A_150 = arith.constant 4 : i32
    %dma_start3A_151 = arith.constant 0 : i32
    %dma_start3A_152 = tpu.memref_slice %arg12[%dma_start3A_150, %dma_start3A_151] : memref<8x128xi32, #tpu.memory_space<vmem>> -> memref<1x128xi32, #tpu.memory_space<vmem>>
    %dma_start3A_153 = arith.constant 0 : i32
    %dma_start3A_154 = tpu.memref_slice %arg3[%dma_start3A_148, %add3A_147, %dma_start3A_153] : memref<2x2500x128xi32, #tpu.memory_space<hbm>> -> memref<1x1x128xi32, #tpu.memory_space<hbm>>
    %dma_start3A_155 = tpu.memref_squeeze %dma_start3A_154 : memref<1x1x128xi32, #tpu.memory_space<hbm>> -> memref<1x128xi32, #tpu.memory_space<hbm>>
    %dma_start3A_156 = tpu.memref_slice %arg19[%dma_start3A_149] : memref<8x!tpu.dma_semaphore, #tpu.memory_space<semaphore_mem>> -> memref<1x!tpu.dma_semaphore, #tpu.memory_space<semaphore_mem>>
    %dma_start3A_157 = tpu.memref_squeeze %dma_start3A_156 : memref<1x!tpu.dma_semaphore, #tpu.memory_space<semaphore_mem>> -> memref<!tpu.dma_semaphore, #tpu.memory_space<semaphore_mem>>
    %dma_start3A_158 = arith.constant 4 : i32
    %dma_start3A_159 = arith.constant 0 : i32
    %dma_start3A_160 = tpu.memref_slice %arg12[%dma_start3A_158, %dma_start3A_159] : memref<8x128xi32, #tpu.memory_space<vmem>> -> memref<1x128xi32, #tpu.memory_space<vmem>>
    %dma_start3A_161 = arith.constant 0 : i32
    %dma_start3A_162 = tpu.memref_slice %arg3[%dma_start3A_148, %add3A_147, %dma_start3A_161] : memref<2x2500x128xi32, #tpu.memory_space<hbm>> -> memref<1x1x128xi32, #tpu.memory_space<hbm>>
    %dma_start3A_163 = tpu.memref_squeeze %dma_start3A_162 : memref<1x1x128xi32, #tpu.memory_space<hbm>> -> memref<1x128xi32, #tpu.memory_space<hbm>>
    tpu.enqueue_dma source(%dma_start3A_163 : memref<1x128xi32, #tpu.memory_space<hbm>>) target(%dma_start3A_160 : memref<1x128xi32, #tpu.memory_space<vmem>>) target_semaphore(%dma_start3A_157 : memref<!tpu.dma_semaphore, #tpu.memory_space<semaphore_mem>>)
    %add3A_164 = arith.constant 64 : i32
    %add3A_165 = arith.addi %arg1, %add3A_164 : i32
    %dma_start3A_166 = arith.constant 1 : i32
    %dma_start3A_167 = arith.constant 4 : i32
    %dma_start3A_168 = arith.constant 4 : i32
    %dma_start3A_169 = arith.constant 0 : i32
    %dma_start3A_170 = tpu.memref_slice %arg13[%dma_start3A_168, %dma_start3A_169] : memref<8x128xi32, #tpu.memory_space<vmem>> -> memref<1x128xi32, #tpu.memory_space<vmem>>
    %dma_start3A_171 = arith.constant 0 : i32
    %dma_start3A_172 = tpu.memref_slice %arg3[%dma_start3A_166, %add3A_165, %dma_start3A_171] : memref<2x2500x128xi32, #tpu.memory_space<hbm>> -> memref<1x1x128xi32, #tpu.memory_space<hbm>>
    %dma_start3A_173 = tpu.memref_squeeze %dma_start3A_172 : memref<1x1x128xi32, #tpu.memory_space<hbm>> -> memref<1x128xi32, #tpu.memory_space<hbm>>
    %dma_start3A_174 = tpu.memref_slice %arg19[%dma_start3A_167] : memref<8x!tpu.dma_semaphore, #tpu.memory_space<semaphore_mem>> -> memref<1x!tpu.dma_semaphore, #tpu.memory_space<semaphore_mem>>
    %dma_start3A_175 = tpu.memref_squeeze %dma_start3A_174 : memref<1x!tpu.dma_semaphore, #tpu.memory_space<semaphore_mem>> -> memref<!tpu.dma_semaphore, #tpu.memory_space<semaphore_mem>>
    %dma_start3A_176 = arith.constant 4 : i32
    %dma_start3A_177 = arith.constant 0 : i32
    %dma_start3A_178 = tpu.memref_slice %arg13[%dma_start3A_176, %dma_start3A_177] : memref<8x128xi32, #tpu.memory_space<vmem>> -> memref<1x128xi32, #tpu.memory_space<vmem>>
    %dma_start3A_179 = arith.constant 0 : i32
    %dma_start3A_180 = tpu.memref_slice %arg3[%dma_start3A_166, %add3A_165, %dma_start3A_179] : memref<2x2500x128xi32, #tpu.memory_space<hbm>> -> memref<1x1x128xi32, #tpu.memory_space<hbm>>
    %dma_start3A_181 = tpu.memref_squeeze %dma_start3A_180 : memref<1x1x128xi32, #tpu.memory_space<hbm>> -> memref<1x128xi32, #tpu.memory_space<hbm>>
    tpu.enqueue_dma source(%dma_start3A_181 : memref<1x128xi32, #tpu.memory_space<hbm>>) target(%dma_start3A_178 : memref<1x128xi32, #tpu.memory_space<vmem>>) target_semaphore(%dma_start3A_175 : memref<!tpu.dma_semaphore, #tpu.memory_space<semaphore_mem>>)
    %add3A_182 = arith.constant 80 : i32
    %add3A_183 = arith.addi %arg1, %add3A_182 : i32
    %dma_start3A_184 = arith.constant 0 : i32
    %dma_start3A_185 = arith.constant 5 : i32
    %dma_start3A_186 = arith.constant 5 : i32
    %dma_start3A_187 = arith.constant 0 : i32
    %dma_start3A_188 = tpu.memref_slice %arg12[%dma_start3A_186, %dma_start3A_187] : memref<8x128xi32, #tpu.memory_space<vmem>> -> memref<1x128xi32, #tpu.memory_space<vmem>>
    %dma_start3A_189 = arith.constant 0 : i32
    %dma_start3A_190 = tpu.memref_slice %arg3[%dma_start3A_184, %add3A_183, %dma_start3A_189] : memref<2x2500x128xi32, #tpu.memory_space<hbm>> -> memref<1x1x128xi32, #tpu.memory_space<hbm>>
    %dma_start3A_191 = tpu.memref_squeeze %dma_start3A_190 : memref<1x1x128xi32, #tpu.memory_space<hbm>> -> memref<1x128xi32, #tpu.memory_space<hbm>>
    %dma_start3A_192 = tpu.memref_slice %arg19[%dma_start3A_185] : memref<8x!tpu.dma_semaphore, #tpu.memory_space<semaphore_mem>> -> memref<1x!tpu.dma_semaphore, #tpu.memory_space<semaphore_mem>>
    %dma_start3A_193 = tpu.memref_squeeze %dma_start3A_192 : memref<1x!tpu.dma_semaphore, #tpu.memory_space<semaphore_mem>> -> memref<!tpu.dma_semaphore, #tpu.memory_space<semaphore_mem>>
    %dma_start3A_194 = arith.constant 5 : i32
    %dma_start3A_195 = arith.constant 0 : i32
    %dma_start3A_196 = tpu.memref_slice %arg12[%dma_start3A_194, %dma_start3A_195] : memref<8x128xi32, #tpu.memory_space<vmem>> -> memref<1x128xi32, #tpu.memory_space<vmem>>
    %dma_start3A_197 = arith.constant 0 : i32
    %dma_start3A_198 = tpu.memref_slice %arg3[%dma_start3A_184, %add3A_183, %dma_start3A_197] : memref<2x2500x128xi32, #tpu.memory_space<hbm>> -> memref<1x1x128xi32, #tpu.memory_space<hbm>>
    %dma_start3A_199 = tpu.memref_squeeze %dma_start3A_198 : memref<1x1x128xi32, #tpu.memory_space<hbm>> -> memref<1x128xi32, #tpu.memory_space<hbm>>
    tpu.enqueue_dma source(%dma_start3A_199 : memref<1x128xi32, #tpu.memory_space<hbm>>) target(%dma_start3A_196 : memref<1x128xi32, #tpu.memory_space<vmem>>) target_semaphore(%dma_start3A_193 : memref<!tpu.dma_semaphore, #tpu.memory_space<semaphore_mem>>)
    %add3A_200 = arith.constant 80 : i32
    %add3A_201 = arith.addi %arg1, %add3A_200 : i32
    %dma_start3A_202 = arith.constant 1 : i32
    %dma_start3A_203 = arith.constant 5 : i32
    %dma_start3A_204 = arith.constant 5 : i32
    %dma_start3A_205 = arith.constant 0 : i32
    %dma_start3A_206 = tpu.memref_slice %arg13[%dma_start3A_204, %dma_start3A_205] : memref<8x128xi32, #tpu.memory_space<vmem>> -> memref<1x128xi32, #tpu.memory_space<vmem>>
    %dma_start3A_207 = arith.constant 0 : i32
    %dma_start3A_208 = tpu.memref_slice %arg3[%dma_start3A_202, %add3A_201, %dma_start3A_207] : memref<2x2500x128xi32, #tpu.memory_space<hbm>> -> memref<1x1x128xi32, #tpu.memory_space<hbm>>
    %dma_start3A_209 = tpu.memref_squeeze %dma_start3A_208 : memref<1x1x128xi32, #tpu.memory_space<hbm>> -> memref<1x128xi32, #tpu.memory_space<hbm>>
    %dma_start3A_210 = tpu.memref_slice %arg19[%dma_start3A_203] : memref<8x!tpu.dma_semaphore, #tpu.memory_space<semaphore_mem>> -> memref<1x!tpu.dma_semaphore, #tpu.memory_space<semaphore_mem>>
    %dma_start3A_211 = tpu.memref_squeeze %dma_start3A_210 : memref<1x!tpu.dma_semaphore, #tpu.memory_space<semaphore_mem>> -> memref<!tpu.dma_semaphore, #tpu.memory_space<semaphore_mem>>
    %dma_start3A_212 = arith.constant 5 : i32
    %dma_start3A_213 = arith.constant 0 : i32
    %dma_start3A_214 = tpu.memref_slice %arg13[%dma_start3A_212, %dma_start3A_213] : memref<8x128xi32, #tpu.memory_space<vmem>> -> memref<1x128xi32, #tpu.memory_space<vmem>>
    %dma_start3A_215 = arith.constant 0 : i32
    %dma_start3A_216 = tpu.memref_slice %arg3[%dma_start3A_202, %add3A_201, %dma_start3A_215] : memref<2x2500x128xi32, #tpu.memory_space<hbm>> -> memref<1x1x128xi32, #tpu.memory_space<hbm>>
    %dma_start3A_217 = tpu.memref_squeeze %dma_start3A_216 : memref<1x1x128xi32, #tpu.memory_space<hbm>> -> memref<1x128xi32, #tpu.memory_space<hbm>>
    tpu.enqueue_dma source(%dma_start3A_217 : memref<1x128xi32, #tpu.memory_space<hbm>>) target(%dma_start3A_214 : memref<1x128xi32, #tpu.memory_space<vmem>>) target_semaphore(%dma_start3A_211 : memref<!tpu.dma_semaphore, #tpu.memory_space<semaphore_mem>>)
    %add3A_218 = arith.constant 96 : i32
    %add3A_219 = arith.addi %arg1, %add3A_218 : i32
    %dma_start3A_220 = arith.constant 0 : i32
    %dma_start3A_221 = arith.constant 6 : i32
    %dma_start3A_222 = arith.constant 6 : i32
    %dma_start3A_223 = arith.constant 0 : i32
    %dma_start3A_224 = tpu.memref_slice %arg12[%dma_start3A_222, %dma_start3A_223] : memref<8x128xi32, #tpu.memory_space<vmem>> -> memref<1x128xi32, #tpu.memory_space<vmem>>
    %dma_start3A_225 = arith.constant 0 : i32
    %dma_start3A_226 = tpu.memref_slice %arg3[%dma_start3A_220, %add3A_219, %dma_start3A_225] : memref<2x2500x128xi32, #tpu.memory_space<hbm>> -> memref<1x1x128xi32, #tpu.memory_space<hbm>>
    %dma_start3A_227 = tpu.memref_squeeze %dma_start3A_226 : memref<1x1x128xi32, #tpu.memory_space<hbm>> -> memref<1x128xi32, #tpu.memory_space<hbm>>
    %dma_start3A_228 = tpu.memref_slice %arg19[%dma_start3A_221] : memref<8x!tpu.dma_semaphore, #tpu.memory_space<semaphore_mem>> -> memref<1x!tpu.dma_semaphore, #tpu.memory_space<semaphore_mem>>
    %dma_start3A_229 = tpu.memref_squeeze %dma_start3A_228 : memref<1x!tpu.dma_semaphore, #tpu.memory_space<semaphore_mem>> -> memref<!tpu.dma_semaphore, #tpu.memory_space<semaphore_mem>>
    %dma_start3A_230 = arith.constant 6 : i32
    %dma_start3A_231 = arith.constant 0 : i32
    %dma_start3A_232 = tpu.memref_slice %arg12[%dma_start3A_230, %dma_start3A_231] : memref<8x128xi32, #tpu.memory_space<vmem>> -> memref<1x128xi32, #tpu.memory_space<vmem>>
    %dma_start3A_233 = arith.constant 0 : i32
    %dma_start3A_234 = tpu.memref_slice %arg3[%dma_start3A_220, %add3A_219, %dma_start3A_233] : memref<2x2500x128xi32, #tpu.memory_space<hbm>> -> memref<1x1x128xi32, #tpu.memory_space<hbm>>
    %dma_start3A_235 = tpu.memref_squeeze %dma_start3A_234 : memref<1x1x128xi32, #tpu.memory_space<hbm>> -> memref<1x128xi32, #tpu.memory_space<hbm>>
    tpu.enqueue_dma source(%dma_start3A_235 : memref<1x128xi32, #tpu.memory_space<hbm>>) target(%dma_start3A_232 : memref<1x128xi32, #tpu.memory_space<vmem>>) target_semaphore(%dma_start3A_229 : memref<!tpu.dma_semaphore, #tpu.memory_space<semaphore_mem>>)
    %add3A_236 = arith.constant 96 : i32
    %add3A_237 = arith.addi %arg1, %add3A_236 : i32
    %dma_start3A_238 = arith.constant 1 : i32
    %dma_start3A_239 = arith.constant 6 : i32
    %dma_start3A_240 = arith.constant 6 : i32
    %dma_start3A_241 = arith.constant 0 : i32
    %dma_start3A_242 = tpu.memref_slice %arg13[%dma_start3A_240, %dma_start3A_241] : memref<8x128xi32, #tpu.memory_space<vmem>> -> memref<1x128xi32, #tpu.memory_space<vmem>>
    %dma_start3A_243 = arith.constant 0 : i32
    %dma_start3A_244 = tpu.memref_slice %arg3[%dma_start3A_238, %add3A_237, %dma_start3A_243] : memref<2x2500x128xi32, #tpu.memory_space<hbm>> -> memref<1x1x128xi32, #tpu.memory_space<hbm>>
    %dma_start3A_245 = tpu.memref_squeeze %dma_start3A_244 : memref<1x1x128xi32, #tpu.memory_space<hbm>> -> memref<1x128xi32, #tpu.memory_space<hbm>>
    %dma_start3A_246 = tpu.memref_slice %arg19[%dma_start3A_239] : memref<8x!tpu.dma_semaphore, #tpu.memory_space<semaphore_mem>> -> memref<1x!tpu.dma_semaphore, #tpu.memory_space<semaphore_mem>>
    %dma_start3A_247 = tpu.memref_squeeze %dma_start3A_246 : memref<1x!tpu.dma_semaphore, #tpu.memory_space<semaphore_mem>> -> memref<!tpu.dma_semaphore, #tpu.memory_space<semaphore_mem>>
    %dma_start3A_248 = arith.constant 6 : i32
    %dma_start3A_249 = arith.constant 0 : i32
    %dma_start3A_250 = tpu.memref_slice %arg13[%dma_start3A_248, %dma_start3A_249] : memref<8x128xi32, #tpu.memory_space<vmem>> -> memref<1x128xi32, #tpu.memory_space<vmem>>
    %dma_start3A_251 = arith.constant 0 : i32
    %dma_start3A_252 = tpu.memref_slice %arg3[%dma_start3A_238, %add3A_237, %dma_start3A_251] : memref<2x2500x128xi32, #tpu.memory_space<hbm>> -> memref<1x1x128xi32, #tpu.memory_space<hbm>>
    %dma_start3A_253 = tpu.memref_squeeze %dma_start3A_252 : memref<1x1x128xi32, #tpu.memory_space<hbm>> -> memref<1x128xi32, #tpu.memory_space<hbm>>
    tpu.enqueue_dma source(%dma_start3A_253 : memref<1x128xi32, #tpu.memory_space<hbm>>) target(%dma_start3A_250 : memref<1x128xi32, #tpu.memory_space<vmem>>) target_semaphore(%dma_start3A_247 : memref<!tpu.dma_semaphore, #tpu.memory_space<semaphore_mem>>)
    %add3A_254 = arith.constant 112 : i32
    %add3A_255 = arith.addi %arg1, %add3A_254 : i32
    %dma_start3A_256 = arith.constant 0 : i32
    %dma_start3A_257 = arith.constant 7 : i32
    %dma_start3A_258 = arith.constant 7 : i32
    %dma_start3A_259 = arith.constant 0 : i32
    %dma_start3A_260 = tpu.memref_slice %arg12[%dma_start3A_258, %dma_start3A_259] : memref<8x128xi32, #tpu.memory_space<vmem>> -> memref<1x128xi32, #tpu.memory_space<vmem>>
    %dma_start3A_261 = arith.constant 0 : i32
    %dma_start3A_262 = tpu.memref_slice %arg3[%dma_start3A_256, %add3A_255, %dma_start3A_261] : memref<2x2500x128xi32, #tpu.memory_space<hbm>> -> memref<1x1x128xi32, #tpu.memory_space<hbm>>
    %dma_start3A_263 = tpu.memref_squeeze %dma_start3A_262 : memref<1x1x128xi32, #tpu.memory_space<hbm>> -> memref<1x128xi32, #tpu.memory_space<hbm>>
    %dma_start3A_264 = tpu.memref_slice %arg19[%dma_start3A_257] : memref<8x!tpu.dma_semaphore, #tpu.memory_space<semaphore_mem>> -> memref<1x!tpu.dma_semaphore, #tpu.memory_space<semaphore_mem>>
    %dma_start3A_265 = tpu.memref_squeeze %dma_start3A_264 : memref<1x!tpu.dma_semaphore, #tpu.memory_space<semaphore_mem>> -> memref<!tpu.dma_semaphore, #tpu.memory_space<semaphore_mem>>
    %dma_start3A_266 = arith.constant 7 : i32
    %dma_start3A_267 = arith.constant 0 : i32
    %dma_start3A_268 = tpu.memref_slice %arg12[%dma_start3A_266, %dma_start3A_267] : memref<8x128xi32, #tpu.memory_space<vmem>> -> memref<1x128xi32, #tpu.memory_space<vmem>>
    %dma_start3A_269 = arith.constant 0 : i32
    %dma_start3A_270 = tpu.memref_slice %arg3[%dma_start3A_256, %add3A_255, %dma_start3A_269] : memref<2x2500x128xi32, #tpu.memory_space<hbm>> -> memref<1x1x128xi32, #tpu.memory_space<hbm>>
    %dma_start3A_271 = tpu.memref_squeeze %dma_start3A_270 : memref<1x1x128xi32, #tpu.memory_space<hbm>> -> memref<1x128xi32, #tpu.memory_space<hbm>>
    tpu.enqueue_dma source(%dma_start3A_271 : memref<1x128xi32, #tpu.memory_space<hbm>>) target(%dma_start3A_268 : memref<1x128xi32, #tpu.memory_space<vmem>>) target_semaphore(%dma_start3A_265 : memref<!tpu.dma_semaphore, #tpu.memory_space<semaphore_mem>>)
    %add3A_272 = arith.constant 112 : i32
    %add3A_273 = arith.addi %arg1, %add3A_272 : i32
    %dma_start3A_274 = arith.constant 1 : i32
    %dma_start3A_275 = arith.constant 7 : i32
    %dma_start3A_276 = arith.constant 7 : i32
    %dma_start3A_277 = arith.constant 0 : i32
    %dma_start3A_278 = tpu.memref_slice %arg13[%dma_start3A_276, %dma_start3A_277] : memref<8x128xi32, #tpu.memory_space<vmem>> -> memref<1x128xi32, #tpu.memory_space<vmem>>
    %dma_start3A_279 = arith.constant 0 : i32
    %dma_start3A_280 = tpu.memref_slice %arg3[%dma_start3A_274, %add3A_273, %dma_start3A_279] : memref<2x2500x128xi32, #tpu.memory_space<hbm>> -> memref<1x1x128xi32, #tpu.memory_space<hbm>>
    %dma_start3A_281 = tpu.memref_squeeze %dma_start3A_280 : memref<1x1x128xi32, #tpu.memory_space<hbm>> -> memref<1x128xi32, #tpu.memory_space<hbm>>
    %dma_start3A_282 = tpu.memref_slice %arg19[%dma_start3A_275] : memref<8x!tpu.dma_semaphore, #tpu.memory_space<semaphore_mem>> -> memref<1x!tpu.dma_semaphore, #tpu.memory_space<semaphore_mem>>
    %dma_start3A_283 = tpu.memref_squeeze %dma_start3A_282 : memref<1x!tpu.dma_semaphore, #tpu.memory_space<semaphore_mem>> -> memref<!tpu.dma_semaphore, #tpu.memory_space<semaphore_mem>>
    %dma_start3A_284 = arith.constant 7 : i32
    %dma_start3A_285 = arith.constant 0 : i32
    %dma_start3A_286 = tpu.memref_slice %arg13[%dma_start3A_284, %dma_start3A_285] : memref<8x128xi32, #tpu.memory_space<vmem>> -> memref<1x128xi32, #tpu.memory_space<vmem>>
    %dma_start3A_287 = arith.constant 0 : i32
    %dma_start3A_288 = tpu.memref_slice %arg3[%dma_start3A_274, %add3A_273, %dma_start3A_287] : memref<2x2500x128xi32, #tpu.memory_space<hbm>> -> memref<1x1x128xi32, #tpu.memory_space<hbm>>
    %dma_start3A_289 = tpu.memref_squeeze %dma_start3A_288 : memref<1x1x128xi32, #tpu.memory_space<hbm>> -> memref<1x128xi32, #tpu.memory_space<hbm>>
    tpu.enqueue_dma source(%dma_start3A_289 : memref<1x128xi32, #tpu.memory_space<hbm>>) target(%dma_start3A_286 : memref<1x128xi32, #tpu.memory_space<vmem>>) target_semaphore(%dma_start3A_283 : memref<!tpu.dma_semaphore, #tpu.memory_space<semaphore_mem>>)
    %mul3A = arith.constant 625 : i32
    %mul3A_290 = arith.muli %arg1, %mul3A : i32
    %mul3A_291 = arith.constant 64 : i32
    %mul3A_292 = arith.muli %arg0, %mul3A_291 : i32
    %mul3A_293 = arith.constant 625 : i32
    %mul3A_294 = arith.muli %arg1, %mul3A_293 : i32
    "tpu.region"() ({
      %run_scoped3A = tpu.sem_alloc : memref<!tpu.dma_semaphore, #tpu.memory_space<semaphore_mem>>
      %dma_start3A_363 = arith.constant 0 : i32
      %dma_start3A_364 = tpu.memref_slice %arg9[%mul3A_294, %dma_start3A_363] : memref<10000x64xf32, #tpu.memory_space<vmem_shared>> -> memref<625x64xf32, #tpu.memory_space<vmem_shared>>
      %dma_start3A_365 = tpu.memref_slice %arg2[%mul3A_290, %mul3A_292] : memref<10000x128xf32, #tpu.memory_space<hbm>> -> memref<625x64xf32, #tpu.memory_space<hbm>>
      tpu.enqueue_dma source(%dma_start3A_365 : memref<625x64xf32, #tpu.memory_space<hbm>>) target(%dma_start3A_364 : memref<625x64xf32, #tpu.memory_space<vmem_shared>>) target_semaphore(%run_scoped3A : memref<!tpu.dma_semaphore, #tpu.memory_space<semaphore_mem>>)
      %dma_wait3A = arith.constant 0 : i32
      %dma_wait3A_366 = tpu.memref_slice %arg9[%mul3A_294, %dma_wait3A] : memref<10000x64xf32, #tpu.memory_space<vmem_shared>> -> memref<625x64xf32, #tpu.memory_space<vmem_shared>>
      %dma_wait3A_367 = tpu.memref_slice %arg2[%mul3A_290, %mul3A_292] : memref<10000x128xf32, #tpu.memory_space<hbm>> -> memref<625x64xf32, #tpu.memory_space<hbm>>
      tpu.wait_dma2 semaphore(%run_scoped3A : memref<!tpu.dma_semaphore, #tpu.memory_space<semaphore_mem>>) src(%dma_wait3A_367 : memref<625x64xf32, #tpu.memory_space<hbm>>) dst(%dma_wait3A_366 : memref<625x64xf32, #tpu.memory_space<vmem_shared>>)
      tpu.yield
    }) : () -> ()
    "tpu.region"() ({
      %run_scoped3A = tpu.sem_alloc : memref<!tpu.dma_semaphore, #tpu.memory_space<semaphore_mem>>
      tpu.enqueue_dma source(%arg4 : memref<128x64xf32, #tpu.memory_space<hbm>>) target(%arg17 : memref<128x64xf32, #tpu.memory_space<vmem>>) target_semaphore(%run_scoped3A : memref<!tpu.dma_semaphore, #tpu.memory_space<semaphore_mem>>)
      tpu.wait_dma2 semaphore(%run_scoped3A : memref<!tpu.dma_semaphore, #tpu.memory_space<semaphore_mem>>) src(%arg4 : memref<128x64xf32, #tpu.memory_space<hbm>>) dst(%arg17 : memref<128x64xf32, #tpu.memory_space<vmem>>)
      tpu.yield
    }) : () -> ()
    "tpu.region"() ({
      %run_scoped3A = tpu.sem_alloc : memref<!tpu.dma_semaphore, #tpu.memory_space<semaphore_mem>>
      tpu.enqueue_dma source(%arg5 : memref<128x8xf32, #tpu.memory_space<hbm>>) target(%arg16 : memref<128x8xf32, #tpu.memory_space<vmem>>) target_semaphore(%run_scoped3A : memref<!tpu.dma_semaphore, #tpu.memory_space<semaphore_mem>>)
      tpu.wait_dma2 semaphore(%run_scoped3A : memref<!tpu.dma_semaphore, #tpu.memory_space<semaphore_mem>>) src(%arg5 : memref<128x8xf32, #tpu.memory_space<hbm>>) dst(%arg16 : memref<128x8xf32, #tpu.memory_space<vmem>>)
      tpu.yield
    }) : () -> ()
    %mul3A_295 = arith.constant 632 : i32
    %mul3A_296 = arith.muli %arg1, %mul3A_295 : i32
    %add3A_297 = arith.constant 0 : i32
    %add3A_298 = arith.addi %mul3A_296, %add3A_297 : i32
    "tpu.region"() ({
      %run_scoped3A = tpu.sem_alloc : memref<!tpu.dma_semaphore, #tpu.memory_space<semaphore_mem>>
      %dma_start3A_363 = arith.constant 0 : i32
      %dma_start3A_364 = arith.constant 0 : i32
      %dma_start3A_365 = tpu.memref_slice %arg17[%dma_start3A_363, %dma_start3A_364] : memref<128x64xf32, #tpu.memory_space<vmem>> -> memref<128x64xf32, #tpu.memory_space<vmem>>
      %dma_start3A_366 = arith.constant 0 : i32
      %dma_start3A_367 = tpu.memref_slice %arg10[%add3A_298, %dma_start3A_366] : memref<10112x64xf32, #tpu.memory_space<vmem_shared>> -> memref<128x64xf32, #tpu.memory_space<vmem_shared>>
      %dma_start3A_368 = arith.constant 0 : i32
      %dma_start3A_369 = tpu.memref_slice %arg10[%add3A_298, %dma_start3A_368] : memref<10112x64xf32, #tpu.memory_space<vmem_shared>> -> memref<128x64xf32, #tpu.memory_space<vmem_shared>>
      %dma_start3A_370 = arith.constant 0 : i32
      %dma_start3A_371 = arith.constant 0 : i32
      %dma_start3A_372 = tpu.memref_slice %arg17[%dma_start3A_370, %dma_start3A_371] : memref<128x64xf32, #tpu.memory_space<vmem>> -> memref<128x64xf32, #tpu.memory_space<vmem>>
      tpu.enqueue_dma source(%dma_start3A_372 : memref<128x64xf32, #tpu.memory_space<vmem>>) target(%dma_start3A_369 : memref<128x64xf32, #tpu.memory_space<vmem_shared>>) target_semaphore(%run_scoped3A : memref<!tpu.dma_semaphore, #tpu.memory_space<semaphore_mem>>)
      %dma_wait3A = arith.constant 0 : i32
      %dma_wait3A_373 = arith.constant 0 : i32
      %dma_wait3A_374 = tpu.memref_slice %arg17[%dma_wait3A, %dma_wait3A_373] : memref<128x64xf32, #tpu.memory_space<vmem>> -> memref<128x64xf32, #tpu.memory_space<vmem>>
      %dma_wait3A_375 = arith.constant 0 : i32
      %dma_wait3A_376 = tpu.memref_slice %arg10[%add3A_298, %dma_wait3A_375] : memref<10112x64xf32, #tpu.memory_space<vmem_shared>> -> memref<128x64xf32, #tpu.memory_space<vmem_shared>>
      %dma_wait3A_377 = arith.constant 0 : i32
      %dma_wait3A_378 = tpu.memref_slice %arg10[%add3A_298, %dma_wait3A_377] : memref<10112x64xf32, #tpu.memory_space<vmem_shared>> -> memref<128x64xf32, #tpu.memory_space<vmem_shared>>
      %dma_wait3A_379 = arith.constant 0 : i32
      %dma_wait3A_380 = arith.constant 0 : i32
      %dma_wait3A_381 = tpu.memref_slice %arg17[%dma_wait3A_379, %dma_wait3A_380] : memref<128x64xf32, #tpu.memory_space<vmem>> -> memref<128x64xf32, #tpu.memory_space<vmem>>
      tpu.wait_dma2 semaphore(%run_scoped3A : memref<!tpu.dma_semaphore, #tpu.memory_space<semaphore_mem>>) src(%dma_wait3A_381 : memref<128x64xf32, #tpu.memory_space<vmem>>) dst(%dma_wait3A_378 : memref<128x64xf32, #tpu.memory_space<vmem_shared>>)
      tpu.yield
    }) : () -> ()
    %add3A_299 = arith.constant 0 : i32
    %add3A_300 = arith.addi %mul3A_296, %add3A_299 : i32
    "tpu.region"() ({
      %run_scoped3A = tpu.sem_alloc : memref<!tpu.dma_semaphore, #tpu.memory_space<semaphore_mem>>
      %dma_start3A_363 = arith.constant 0 : i32
      %dma_start3A_364 = arith.constant 0 : i32
      %dma_start3A_365 = tpu.memref_slice %arg16[%dma_start3A_363, %dma_start3A_364] : memref<128x8xf32, #tpu.memory_space<vmem>> -> memref<128x8xf32, #tpu.memory_space<vmem>>
      %dma_start3A_366 = arith.constant 0 : i32
      %dma_start3A_367 = tpu.memref_slice %arg11[%add3A_300, %dma_start3A_366] : memref<10112x8xf32, #tpu.memory_space<vmem_shared>> -> memref<128x8xf32, #tpu.memory_space<vmem_shared>>
      %dma_start3A_368 = arith.constant 0 : i32
      %dma_start3A_369 = tpu.memref_slice %arg11[%add3A_300, %dma_start3A_368] : memref<10112x8xf32, #tpu.memory_space<vmem_shared>> -> memref<128x8xf32, #tpu.memory_space<vmem_shared>>
      %dma_start3A_370 = arith.constant 0 : i32
      %dma_start3A_371 = arith.constant 0 : i32
      %dma_start3A_372 = tpu.memref_slice %arg16[%dma_start3A_370, %dma_start3A_371] : memref<128x8xf32, #tpu.memory_space<vmem>> -> memref<128x8xf32, #tpu.memory_space<vmem>>
      tpu.enqueue_dma source(%dma_start3A_372 : memref<128x8xf32, #tpu.memory_space<vmem>>) target(%dma_start3A_369 : memref<128x8xf32, #tpu.memory_space<vmem_shared>>) target_semaphore(%run_scoped3A : memref<!tpu.dma_semaphore, #tpu.memory_space<semaphore_mem>>)
      %dma_wait3A = arith.constant 0 : i32
      %dma_wait3A_373 = arith.constant 0 : i32
      %dma_wait3A_374 = tpu.memref_slice %arg16[%dma_wait3A, %dma_wait3A_373] : memref<128x8xf32, #tpu.memory_space<vmem>> -> memref<128x8xf32, #tpu.memory_space<vmem>>
      %dma_wait3A_375 = arith.constant 0 : i32
      %dma_wait3A_376 = tpu.memref_slice %arg11[%add3A_300, %dma_wait3A_375] : memref<10112x8xf32, #tpu.memory_space<vmem_shared>> -> memref<128x8xf32, #tpu.memory_space<vmem_shared>>
      %dma_wait3A_377 = arith.constant 0 : i32
      %dma_wait3A_378 = tpu.memref_slice %arg11[%add3A_300, %dma_wait3A_377] : memref<10112x8xf32, #tpu.memory_space<vmem_shared>> -> memref<128x8xf32, #tpu.memory_space<vmem_shared>>
      %dma_wait3A_379 = arith.constant 0 : i32
      %dma_wait3A_380 = arith.constant 0 : i32
      %dma_wait3A_381 = tpu.memref_slice %arg16[%dma_wait3A_379, %dma_wait3A_380] : memref<128x8xf32, #tpu.memory_space<vmem>> -> memref<128x8xf32, #tpu.memory_space<vmem>>
      tpu.wait_dma2 semaphore(%run_scoped3A : memref<!tpu.dma_semaphore, #tpu.memory_space<semaphore_mem>>) src(%dma_wait3A_381 : memref<128x8xf32, #tpu.memory_space<vmem>>) dst(%dma_wait3A_378 : memref<128x8xf32, #tpu.memory_space<vmem_shared>>)
      tpu.yield
    }) : () -> ()
    %add3A_301 = arith.constant 128 : i32
    %add3A_302 = arith.addi %mul3A_296, %add3A_301 : i32
    "tpu.region"() ({
      %run_scoped3A = tpu.sem_alloc : memref<!tpu.dma_semaphore, #tpu.memory_space<semaphore_mem>>
      %dma_start3A_363 = arith.constant 0 : i32
      %dma_start3A_364 = arith.constant 0 : i32
      %dma_start3A_365 = tpu.memref_slice %arg17[%dma_start3A_363, %dma_start3A_364] : memref<128x64xf32, #tpu.memory_space<vmem>> -> memref<128x64xf32, #tpu.memory_space<vmem>>
      %dma_start3A_366 = arith.constant 0 : i32
      %dma_start3A_367 = tpu.memref_slice %arg10[%add3A_302, %dma_start3A_366] : memref<10112x64xf32, #tpu.memory_space<vmem_shared>> -> memref<128x64xf32, #tpu.memory_space<vmem_shared>>
      %dma_start3A_368 = arith.constant 0 : i32
      %dma_start3A_369 = tpu.memref_slice %arg10[%add3A_302, %dma_start3A_368] : memref<10112x64xf32, #tpu.memory_space<vmem_shared>> -> memref<128x64xf32, #tpu.memory_space<vmem_shared>>
      %dma_start3A_370 = arith.constant 0 : i32
      %dma_start3A_371 = arith.constant 0 : i32
      %dma_start3A_372 = tpu.memref_slice %arg17[%dma_start3A_370, %dma_start3A_371] : memref<128x64xf32, #tpu.memory_space<vmem>> -> memref<128x64xf32, #tpu.memory_space<vmem>>
      tpu.enqueue_dma source(%dma_start3A_372 : memref<128x64xf32, #tpu.memory_space<vmem>>) target(%dma_start3A_369 : memref<128x64xf32, #tpu.memory_space<vmem_shared>>) target_semaphore(%run_scoped3A : memref<!tpu.dma_semaphore, #tpu.memory_space<semaphore_mem>>)
      %dma_wait3A = arith.constant 0 : i32
      %dma_wait3A_373 = arith.constant 0 : i32
      %dma_wait3A_374 = tpu.memref_slice %arg17[%dma_wait3A, %dma_wait3A_373] : memref<128x64xf32, #tpu.memory_space<vmem>> -> memref<128x64xf32, #tpu.memory_space<vmem>>
      %dma_wait3A_375 = arith.constant 0 : i32
      %dma_wait3A_376 = tpu.memref_slice %arg10[%add3A_302, %dma_wait3A_375] : memref<10112x64xf32, #tpu.memory_space<vmem_shared>> -> memref<128x64xf32, #tpu.memory_space<vmem_shared>>
      %dma_wait3A_377 = arith.constant 0 : i32
      %dma_wait3A_378 = tpu.memref_slice %arg10[%add3A_302, %dma_wait3A_377] : memref<10112x64xf32, #tpu.memory_space<vmem_shared>> -> memref<128x64xf32, #tpu.memory_space<vmem_shared>>
      %dma_wait3A_379 = arith.constant 0 : i32
      %dma_wait3A_380 = arith.constant 0 : i32
      %dma_wait3A_381 = tpu.memref_slice %arg17[%dma_wait3A_379, %dma_wait3A_380] : memref<128x64xf32, #tpu.memory_space<vmem>> -> memref<128x64xf32, #tpu.memory_space<vmem>>
      tpu.wait_dma2 semaphore(%run_scoped3A : memref<!tpu.dma_semaphore, #tpu.memory_space<semaphore_mem>>) src(%dma_wait3A_381 : memref<128x64xf32, #tpu.memory_space<vmem>>) dst(%dma_wait3A_378 : memref<128x64xf32, #tpu.memory_space<vmem_shared>>)
      tpu.yield
    }) : () -> ()
    %add3A_303 = arith.constant 128 : i32
    %add3A_304 = arith.addi %mul3A_296, %add3A_303 : i32
    "tpu.region"() ({
      %run_scoped3A = tpu.sem_alloc : memref<!tpu.dma_semaphore, #tpu.memory_space<semaphore_mem>>
      %dma_start3A_363 = arith.constant 0 : i32
      %dma_start3A_364 = arith.constant 0 : i32
      %dma_start3A_365 = tpu.memref_slice %arg16[%dma_start3A_363, %dma_start3A_364] : memref<128x8xf32, #tpu.memory_space<vmem>> -> memref<128x8xf32, #tpu.memory_space<vmem>>
      %dma_start3A_366 = arith.constant 0 : i32
      %dma_start3A_367 = tpu.memref_slice %arg11[%add3A_304, %dma_start3A_366] : memref<10112x8xf32, #tpu.memory_space<vmem_shared>> -> memref<128x8xf32, #tpu.memory_space<vmem_shared>>
      %dma_start3A_368 = arith.constant 0 : i32
      %dma_start3A_369 = tpu.memref_slice %arg11[%add3A_304, %dma_start3A_368] : memref<10112x8xf32, #tpu.memory_space<vmem_shared>> -> memref<128x8xf32, #tpu.memory_space<vmem_shared>>
      %dma_start3A_370 = arith.constant 0 : i32
      %dma_start3A_371 = arith.constant 0 : i32
      %dma_start3A_372 = tpu.memref_slice %arg16[%dma_start3A_370, %dma_start3A_371] : memref<128x8xf32, #tpu.memory_space<vmem>> -> memref<128x8xf32, #tpu.memory_space<vmem>>
      tpu.enqueue_dma source(%dma_start3A_372 : memref<128x8xf32, #tpu.memory_space<vmem>>) target(%dma_start3A_369 : memref<128x8xf32, #tpu.memory_space<vmem_shared>>) target_semaphore(%run_scoped3A : memref<!tpu.dma_semaphore, #tpu.memory_space<semaphore_mem>>)
      %dma_wait3A = arith.constant 0 : i32
      %dma_wait3A_373 = arith.constant 0 : i32
      %dma_wait3A_374 = tpu.memref_slice %arg16[%dma_wait3A, %dma_wait3A_373] : memref<128x8xf32, #tpu.memory_space<vmem>> -> memref<128x8xf32, #tpu.memory_space<vmem>>
      %dma_wait3A_375 = arith.constant 0 : i32
      %dma_wait3A_376 = tpu.memref_slice %arg11[%add3A_304, %dma_wait3A_375] : memref<10112x8xf32, #tpu.memory_space<vmem_shared>> -> memref<128x8xf32, #tpu.memory_space<vmem_shared>>
      %dma_wait3A_377 = arith.constant 0 : i32
      %dma_wait3A_378 = tpu.memref_slice %arg11[%add3A_304, %dma_wait3A_377] : memref<10112x8xf32, #tpu.memory_space<vmem_shared>> -> memref<128x8xf32, #tpu.memory_space<vmem_shared>>
      %dma_wait3A_379 = arith.constant 0 : i32
      %dma_wait3A_380 = arith.constant 0 : i32
      %dma_wait3A_381 = tpu.memref_slice %arg16[%dma_wait3A_379, %dma_wait3A_380] : memref<128x8xf32, #tpu.memory_space<vmem>> -> memref<128x8xf32, #tpu.memory_space<vmem>>
      tpu.wait_dma2 semaphore(%run_scoped3A : memref<!tpu.dma_semaphore, #tpu.memory_space<semaphore_mem>>) src(%dma_wait3A_381 : memref<128x8xf32, #tpu.memory_space<vmem>>) dst(%dma_wait3A_378 : memref<128x8xf32, #tpu.memory_space<vmem_shared>>)
      tpu.yield
    }) : () -> ()
    %add3A_305 = arith.constant 256 : i32
    %add3A_306 = arith.addi %mul3A_296, %add3A_305 : i32
    "tpu.region"() ({
      %run_scoped3A = tpu.sem_alloc : memref<!tpu.dma_semaphore, #tpu.memory_space<semaphore_mem>>
      %dma_start3A_363 = arith.constant 0 : i32
      %dma_start3A_364 = arith.constant 0 : i32
      %dma_start3A_365 = tpu.memref_slice %arg17[%dma_start3A_363, %dma_start3A_364] : memref<128x64xf32, #tpu.memory_space<vmem>> -> memref<128x64xf32, #tpu.memory_space<vmem>>
      %dma_start3A_366 = arith.constant 0 : i32
      %dma_start3A_367 = tpu.memref_slice %arg10[%add3A_306, %dma_start3A_366] : memref<10112x64xf32, #tpu.memory_space<vmem_shared>> -> memref<128x64xf32, #tpu.memory_space<vmem_shared>>
      %dma_start3A_368 = arith.constant 0 : i32
      %dma_start3A_369 = tpu.memref_slice %arg10[%add3A_306, %dma_start3A_368] : memref<10112x64xf32, #tpu.memory_space<vmem_shared>> -> memref<128x64xf32, #tpu.memory_space<vmem_shared>>
      %dma_start3A_370 = arith.constant 0 : i32
      %dma_start3A_371 = arith.constant 0 : i32
      %dma_start3A_372 = tpu.memref_slice %arg17[%dma_start3A_370, %dma_start3A_371] : memref<128x64xf32, #tpu.memory_space<vmem>> -> memref<128x64xf32, #tpu.memory_space<vmem>>
      tpu.enqueue_dma source(%dma_start3A_372 : memref<128x64xf32, #tpu.memory_space<vmem>>) target(%dma_start3A_369 : memref<128x64xf32, #tpu.memory_space<vmem_shared>>) target_semaphore(%run_scoped3A : memref<!tpu.dma_semaphore, #tpu.memory_space<semaphore_mem>>)
      %dma_wait3A = arith.constant 0 : i32
      %dma_wait3A_373 = arith.constant 0 : i32
      %dma_wait3A_374 = tpu.memref_slice %arg17[%dma_wait3A, %dma_wait3A_373] : memref<128x64xf32, #tpu.memory_space<vmem>> -> memref<128x64xf32, #tpu.memory_space<vmem>>
      %dma_wait3A_375 = arith.constant 0 : i32
      %dma_wait3A_376 = tpu.memref_slice %arg10[%add3A_306, %dma_wait3A_375] : memref<10112x64xf32, #tpu.memory_space<vmem_shared>> -> memref<128x64xf32, #tpu.memory_space<vmem_shared>>
      %dma_wait3A_377 = arith.constant 0 : i32
      %dma_wait3A_378 = tpu.memref_slice %arg10[%add3A_306, %dma_wait3A_377] : memref<10112x64xf32, #tpu.memory_space<vmem_shared>> -> memref<128x64xf32, #tpu.memory_space<vmem_shared>>
      %dma_wait3A_379 = arith.constant 0 : i32
      %dma_wait3A_380 = arith.constant 0 : i32
      %dma_wait3A_381 = tpu.memref_slice %arg17[%dma_wait3A_379, %dma_wait3A_380] : memref<128x64xf32, #tpu.memory_space<vmem>> -> memref<128x64xf32, #tpu.memory_space<vmem>>
      tpu.wait_dma2 semaphore(%run_scoped3A : memref<!tpu.dma_semaphore, #tpu.memory_space<semaphore_mem>>) src(%dma_wait3A_381 : memref<128x64xf32, #tpu.memory_space<vmem>>) dst(%dma_wait3A_378 : memref<128x64xf32, #tpu.memory_space<vmem_shared>>)
      tpu.yield
    }) : () -> ()
    %add3A_307 = arith.constant 256 : i32
    %add3A_308 = arith.addi %mul3A_296, %add3A_307 : i32
    "tpu.region"() ({
      %run_scoped3A = tpu.sem_alloc : memref<!tpu.dma_semaphore, #tpu.memory_space<semaphore_mem>>
      %dma_start3A_363 = arith.constant 0 : i32
      %dma_start3A_364 = arith.constant 0 : i32
      %dma_start3A_365 = tpu.memref_slice %arg16[%dma_start3A_363, %dma_start3A_364] : memref<128x8xf32, #tpu.memory_space<vmem>> -> memref<128x8xf32, #tpu.memory_space<vmem>>
      %dma_start3A_366 = arith.constant 0 : i32
      %dma_start3A_367 = tpu.memref_slice %arg11[%add3A_308, %dma_start3A_366] : memref<10112x8xf32, #tpu.memory_space<vmem_shared>> -> memref<128x8xf32, #tpu.memory_space<vmem_shared>>
      %dma_start3A_368 = arith.constant 0 : i32
      %dma_start3A_369 = tpu.memref_slice %arg11[%add3A_308, %dma_start3A_368] : memref<10112x8xf32, #tpu.memory_space<vmem_shared>> -> memref<128x8xf32, #tpu.memory_space<vmem_shared>>
      %dma_start3A_370 = arith.constant 0 : i32
      %dma_start3A_371 = arith.constant 0 : i32
      %dma_start3A_372 = tpu.memref_slice %arg16[%dma_start3A_370, %dma_start3A_371] : memref<128x8xf32, #tpu.memory_space<vmem>> -> memref<128x8xf32, #tpu.memory_space<vmem>>
      tpu.enqueue_dma source(%dma_start3A_372 : memref<128x8xf32, #tpu.memory_space<vmem>>) target(%dma_start3A_369 : memref<128x8xf32, #tpu.memory_space<vmem_shared>>) target_semaphore(%run_scoped3A : memref<!tpu.dma_semaphore, #tpu.memory_space<semaphore_mem>>)
      %dma_wait3A = arith.constant 0 : i32
      %dma_wait3A_373 = arith.constant 0 : i32
      %dma_wait3A_374 = tpu.memref_slice %arg16[%dma_wait3A, %dma_wait3A_373] : memref<128x8xf32, #tpu.memory_space<vmem>> -> memref<128x8xf32, #tpu.memory_space<vmem>>
      %dma_wait3A_375 = arith.constant 0 : i32
      %dma_wait3A_376 = tpu.memref_slice %arg11[%add3A_308, %dma_wait3A_375] : memref<10112x8xf32, #tpu.memory_space<vmem_shared>> -> memref<128x8xf32, #tpu.memory_space<vmem_shared>>
      %dma_wait3A_377 = arith.constant 0 : i32
      %dma_wait3A_378 = tpu.memref_slice %arg11[%add3A_308, %dma_wait3A_377] : memref<10112x8xf32, #tpu.memory_space<vmem_shared>> -> memref<128x8xf32, #tpu.memory_space<vmem_shared>>
      %dma_wait3A_379 = arith.constant 0 : i32
      %dma_wait3A_380 = arith.constant 0 : i32
      %dma_wait3A_381 = tpu.memref_slice %arg16[%dma_wait3A_379, %dma_wait3A_380] : memref<128x8xf32, #tpu.memory_space<vmem>> -> memref<128x8xf32, #tpu.memory_space<vmem>>
      tpu.wait_dma2 semaphore(%run_scoped3A : memref<!tpu.dma_semaphore, #tpu.memory_space<semaphore_mem>>) src(%dma_wait3A_381 : memref<128x8xf32, #tpu.memory_space<vmem>>) dst(%dma_wait3A_378 : memref<128x8xf32, #tpu.memory_space<vmem_shared>>)
      tpu.yield
    }) : () -> ()
    %add3A_309 = arith.constant 384 : i32
    %add3A_310 = arith.addi %mul3A_296, %add3A_309 : i32
    "tpu.region"() ({
      %run_scoped3A = tpu.sem_alloc : memref<!tpu.dma_semaphore, #tpu.memory_space<semaphore_mem>>
      %dma_start3A_363 = arith.constant 0 : i32
      %dma_start3A_364 = arith.constant 0 : i32
      %dma_start3A_365 = tpu.memref_slice %arg17[%dma_start3A_363, %dma_start3A_364] : memref<128x64xf32, #tpu.memory_space<vmem>> -> memref<128x64xf32, #tpu.memory_space<vmem>>
      %dma_start3A_366 = arith.constant 0 : i32
      %dma_start3A_367 = tpu.memref_slice %arg10[%add3A_310, %dma_start3A_366] : memref<10112x64xf32, #tpu.memory_space<vmem_shared>> -> memref<128x64xf32, #tpu.memory_space<vmem_shared>>
      %dma_start3A_368 = arith.constant 0 : i32
      %dma_start3A_369 = tpu.memref_slice %arg10[%add3A_310, %dma_start3A_368] : memref<10112x64xf32, #tpu.memory_space<vmem_shared>> -> memref<128x64xf32, #tpu.memory_space<vmem_shared>>
      %dma_start3A_370 = arith.constant 0 : i32
      %dma_start3A_371 = arith.constant 0 : i32
      %dma_start3A_372 = tpu.memref_slice %arg17[%dma_start3A_370, %dma_start3A_371] : memref<128x64xf32, #tpu.memory_space<vmem>> -> memref<128x64xf32, #tpu.memory_space<vmem>>
      tpu.enqueue_dma source(%dma_start3A_372 : memref<128x64xf32, #tpu.memory_space<vmem>>) target(%dma_start3A_369 : memref<128x64xf32, #tpu.memory_space<vmem_shared>>) target_semaphore(%run_scoped3A : memref<!tpu.dma_semaphore, #tpu.memory_space<semaphore_mem>>)
      %dma_wait3A = arith.constant 0 : i32
      %dma_wait3A_373 = arith.constant 0 : i32
      %dma_wait3A_374 = tpu.memref_slice %arg17[%dma_wait3A, %dma_wait3A_373] : memref<128x64xf32, #tpu.memory_space<vmem>> -> memref<128x64xf32, #tpu.memory_space<vmem>>
      %dma_wait3A_375 = arith.constant 0 : i32
      %dma_wait3A_376 = tpu.memref_slice %arg10[%add3A_310, %dma_wait3A_375] : memref<10112x64xf32, #tpu.memory_space<vmem_shared>> -> memref<128x64xf32, #tpu.memory_space<vmem_shared>>
      %dma_wait3A_377 = arith.constant 0 : i32
      %dma_wait3A_378 = tpu.memref_slice %arg10[%add3A_310, %dma_wait3A_377] : memref<10112x64xf32, #tpu.memory_space<vmem_shared>> -> memref<128x64xf32, #tpu.memory_space<vmem_shared>>
      %dma_wait3A_379 = arith.constant 0 : i32
      %dma_wait3A_380 = arith.constant 0 : i32
      %dma_wait3A_381 = tpu.memref_slice %arg17[%dma_wait3A_379, %dma_wait3A_380] : memref<128x64xf32, #tpu.memory_space<vmem>> -> memref<128x64xf32, #tpu.memory_space<vmem>>
      tpu.wait_dma2 semaphore(%run_scoped3A : memref<!tpu.dma_semaphore, #tpu.memory_space<semaphore_mem>>) src(%dma_wait3A_381 : memref<128x64xf32, #tpu.memory_space<vmem>>) dst(%dma_wait3A_378 : memref<128x64xf32, #tpu.memory_space<vmem_shared>>)
      tpu.yield
    }) : () -> ()
    %add3A_311 = arith.constant 384 : i32
    %add3A_312 = arith.addi %mul3A_296, %add3A_311 : i32
    "tpu.region"() ({
      %run_scoped3A = tpu.sem_alloc : memref<!tpu.dma_semaphore, #tpu.memory_space<semaphore_mem>>
      %dma_start3A_363 = arith.constant 0 : i32
      %dma_start3A_364 = arith.constant 0 : i32
      %dma_start3A_365 = tpu.memref_slice %arg16[%dma_start3A_363, %dma_start3A_364] : memref<128x8xf32, #tpu.memory_space<vmem>> -> memref<128x8xf32, #tpu.memory_space<vmem>>
      %dma_start3A_366 = arith.constant 0 : i32
      %dma_start3A_367 = tpu.memref_slice %arg11[%add3A_312, %dma_start3A_366] : memref<10112x8xf32, #tpu.memory_space<vmem_shared>> -> memref<128x8xf32, #tpu.memory_space<vmem_shared>>
      %dma_start3A_368 = arith.constant 0 : i32
      %dma_start3A_369 = tpu.memref_slice %arg11[%add3A_312, %dma_start3A_368] : memref<10112x8xf32, #tpu.memory_space<vmem_shared>> -> memref<128x8xf32, #tpu.memory_space<vmem_shared>>
      %dma_start3A_370 = arith.constant 0 : i32
      %dma_start3A_371 = arith.constant 0 : i32
      %dma_start3A_372 = tpu.memref_slice %arg16[%dma_start3A_370, %dma_start3A_371] : memref<128x8xf32, #tpu.memory_space<vmem>> -> memref<128x8xf32, #tpu.memory_space<vmem>>
      tpu.enqueue_dma source(%dma_start3A_372 : memref<128x8xf32, #tpu.memory_space<vmem>>) target(%dma_start3A_369 : memref<128x8xf32, #tpu.memory_space<vmem_shared>>) target_semaphore(%run_scoped3A : memref<!tpu.dma_semaphore, #tpu.memory_space<semaphore_mem>>)
      %dma_wait3A = arith.constant 0 : i32
      %dma_wait3A_373 = arith.constant 0 : i32
      %dma_wait3A_374 = tpu.memref_slice %arg16[%dma_wait3A, %dma_wait3A_373] : memref<128x8xf32, #tpu.memory_space<vmem>> -> memref<128x8xf32, #tpu.memory_space<vmem>>
      %dma_wait3A_375 = arith.constant 0 : i32
      %dma_wait3A_376 = tpu.memref_slice %arg11[%add3A_312, %dma_wait3A_375] : memref<10112x8xf32, #tpu.memory_space<vmem_shared>> -> memref<128x8xf32, #tpu.memory_space<vmem_shared>>
      %dma_wait3A_377 = arith.constant 0 : i32
      %dma_wait3A_378 = tpu.memref_slice %arg11[%add3A_312, %dma_wait3A_377] : memref<10112x8xf32, #tpu.memory_space<vmem_shared>> -> memref<128x8xf32, #tpu.memory_space<vmem_shared>>
      %dma_wait3A_379 = arith.constant 0 : i32
      %dma_wait3A_380 = arith.constant 0 : i32
      %dma_wait3A_381 = tpu.memref_slice %arg16[%dma_wait3A_379, %dma_wait3A_380] : memref<128x8xf32, #tpu.memory_space<vmem>> -> memref<128x8xf32, #tpu.memory_space<vmem>>
      tpu.wait_dma2 semaphore(%run_scoped3A : memref<!tpu.dma_semaphore, #tpu.memory_space<semaphore_mem>>) src(%dma_wait3A_381 : memref<128x8xf32, #tpu.memory_space<vmem>>) dst(%dma_wait3A_378 : memref<128x8xf32, #tpu.memory_space<vmem_shared>>)
      tpu.yield
    }) : () -> ()
    %add3A_313 = arith.constant 512 : i32
    %add3A_314 = arith.addi %mul3A_296, %add3A_313 : i32
    "tpu.region"() ({
      %run_scoped3A = tpu.sem_alloc : memref<!tpu.dma_semaphore, #tpu.memory_space<semaphore_mem>>
      %dma_start3A_363 = arith.constant 0 : i32
      %dma_start3A_364 = arith.constant 0 : i32
      %dma_start3A_365 = tpu.memref_slice %arg17[%dma_start3A_363, %dma_start3A_364] : memref<128x64xf32, #tpu.memory_space<vmem>> -> memref<120x64xf32, #tpu.memory_space<vmem>>
      %dma_start3A_366 = arith.constant 0 : i32
      %dma_start3A_367 = tpu.memref_slice %arg10[%add3A_314, %dma_start3A_366] : memref<10112x64xf32, #tpu.memory_space<vmem_shared>> -> memref<120x64xf32, #tpu.memory_space<vmem_shared>>
      %dma_start3A_368 = arith.constant 0 : i32
      %dma_start3A_369 = tpu.memref_slice %arg10[%add3A_314, %dma_start3A_368] : memref<10112x64xf32, #tpu.memory_space<vmem_shared>> -> memref<120x64xf32, #tpu.memory_space<vmem_shared>>
      %dma_start3A_370 = arith.constant 0 : i32
      %dma_start3A_371 = arith.constant 0 : i32
      %dma_start3A_372 = tpu.memref_slice %arg17[%dma_start3A_370, %dma_start3A_371] : memref<128x64xf32, #tpu.memory_space<vmem>> -> memref<120x64xf32, #tpu.memory_space<vmem>>
      tpu.enqueue_dma source(%dma_start3A_372 : memref<120x64xf32, #tpu.memory_space<vmem>>) target(%dma_start3A_369 : memref<120x64xf32, #tpu.memory_space<vmem_shared>>) target_semaphore(%run_scoped3A : memref<!tpu.dma_semaphore, #tpu.memory_space<semaphore_mem>>)
      %dma_wait3A = arith.constant 0 : i32
      %dma_wait3A_373 = arith.constant 0 : i32
      %dma_wait3A_374 = tpu.memref_slice %arg17[%dma_wait3A, %dma_wait3A_373] : memref<128x64xf32, #tpu.memory_space<vmem>> -> memref<120x64xf32, #tpu.memory_space<vmem>>
      %dma_wait3A_375 = arith.constant 0 : i32
      %dma_wait3A_376 = tpu.memref_slice %arg10[%add3A_314, %dma_wait3A_375] : memref<10112x64xf32, #tpu.memory_space<vmem_shared>> -> memref<120x64xf32, #tpu.memory_space<vmem_shared>>
      %dma_wait3A_377 = arith.constant 0 : i32
      %dma_wait3A_378 = tpu.memref_slice %arg10[%add3A_314, %dma_wait3A_377] : memref<10112x64xf32, #tpu.memory_space<vmem_shared>> -> memref<120x64xf32, #tpu.memory_space<vmem_shared>>
      %dma_wait3A_379 = arith.constant 0 : i32
      %dma_wait3A_380 = arith.constant 0 : i32
      %dma_wait3A_381 = tpu.memref_slice %arg17[%dma_wait3A_379, %dma_wait3A_380] : memref<128x64xf32, #tpu.memory_space<vmem>> -> memref<120x64xf32, #tpu.memory_space<vmem>>
      tpu.wait_dma2 semaphore(%run_scoped3A : memref<!tpu.dma_semaphore, #tpu.memory_space<semaphore_mem>>) src(%dma_wait3A_381 : memref<120x64xf32, #tpu.memory_space<vmem>>) dst(%dma_wait3A_378 : memref<120x64xf32, #tpu.memory_space<vmem_shared>>)
      tpu.yield
    }) : () -> ()
    %add3A_315 = arith.constant 512 : i32
    %add3A_316 = arith.addi %mul3A_296, %add3A_315 : i32
    "tpu.region"() ({
      %run_scoped3A = tpu.sem_alloc : memref<!tpu.dma_semaphore, #tpu.memory_space<semaphore_mem>>
      %dma_start3A_363 = arith.constant 0 : i32
      %dma_start3A_364 = arith.constant 0 : i32
      %dma_start3A_365 = tpu.memref_slice %arg16[%dma_start3A_363, %dma_start3A_364] : memref<128x8xf32, #tpu.memory_space<vmem>> -> memref<120x8xf32, #tpu.memory_space<vmem>>
      %dma_start3A_366 = arith.constant 0 : i32
      %dma_start3A_367 = tpu.memref_slice %arg11[%add3A_316, %dma_start3A_366] : memref<10112x8xf32, #tpu.memory_space<vmem_shared>> -> memref<120x8xf32, #tpu.memory_space<vmem_shared>>
      %dma_start3A_368 = arith.constant 0 : i32
      %dma_start3A_369 = tpu.memref_slice %arg11[%add3A_316, %dma_start3A_368] : memref<10112x8xf32, #tpu.memory_space<vmem_shared>> -> memref<120x8xf32, #tpu.memory_space<vmem_shared>>
      %dma_start3A_370 = arith.constant 0 : i32
      %dma_start3A_371 = arith.constant 0 : i32
      %dma_start3A_372 = tpu.memref_slice %arg16[%dma_start3A_370, %dma_start3A_371] : memref<128x8xf32, #tpu.memory_space<vmem>> -> memref<120x8xf32, #tpu.memory_space<vmem>>
      tpu.enqueue_dma source(%dma_start3A_372 : memref<120x8xf32, #tpu.memory_space<vmem>>) target(%dma_start3A_369 : memref<120x8xf32, #tpu.memory_space<vmem_shared>>) target_semaphore(%run_scoped3A : memref<!tpu.dma_semaphore, #tpu.memory_space<semaphore_mem>>)
      %dma_wait3A = arith.constant 0 : i32
      %dma_wait3A_373 = arith.constant 0 : i32
      %dma_wait3A_374 = tpu.memref_slice %arg16[%dma_wait3A, %dma_wait3A_373] : memref<128x8xf32, #tpu.memory_space<vmem>> -> memref<120x8xf32, #tpu.memory_space<vmem>>
      %dma_wait3A_375 = arith.constant 0 : i32
      %dma_wait3A_376 = tpu.memref_slice %arg11[%add3A_316, %dma_wait3A_375] : memref<10112x8xf32, #tpu.memory_space<vmem_shared>> -> memref<120x8xf32, #tpu.memory_space<vmem_shared>>
      %dma_wait3A_377 = arith.constant 0 : i32
      %dma_wait3A_378 = tpu.memref_slice %arg11[%add3A_316, %dma_wait3A_377] : memref<10112x8xf32, #tpu.memory_space<vmem_shared>> -> memref<120x8xf32, #tpu.memory_space<vmem_shared>>
      %dma_wait3A_379 = arith.constant 0 : i32
      %dma_wait3A_380 = arith.constant 0 : i32
      %dma_wait3A_381 = tpu.memref_slice %arg16[%dma_wait3A_379, %dma_wait3A_380] : memref<128x8xf32, #tpu.memory_space<vmem>> -> memref<120x8xf32, #tpu.memory_space<vmem>>
      tpu.wait_dma2 semaphore(%run_scoped3A : memref<!tpu.dma_semaphore, #tpu.memory_space<semaphore_mem>>) src(%dma_wait3A_381 : memref<120x8xf32, #tpu.memory_space<vmem>>) dst(%dma_wait3A_378 : memref<120x8xf32, #tpu.memory_space<vmem_shared>>)
      tpu.yield
    }) : () -> ()
    "tpu.region"() ({
      %run_scoped3A = tpu.sem_alloc : memref<!tpu.dma_semaphore, #tpu.memory_space<semaphore_mem>>
      tpu.enqueue_dma source(%arg6 : memref<128x8xf32, #tpu.memory_space<hbm>>) target(%arg15 : memref<128x8xf32, #tpu.memory_space<vmem>>) target_semaphore(%run_scoped3A : memref<!tpu.dma_semaphore, #tpu.memory_space<semaphore_mem>>)
      tpu.wait_dma2 semaphore(%run_scoped3A : memref<!tpu.dma_semaphore, #tpu.memory_space<semaphore_mem>>) src(%arg6 : memref<128x8xf32, #tpu.memory_space<hbm>>) dst(%arg15 : memref<128x8xf32, #tpu.memory_space<vmem>>)
      tpu.yield
    }) : () -> ()
    %barrier3A = arith.constant 0 : index
    tpu.barrier barrier_id(%barrier3A)
    %add3A_317 = arith.constant 8 : i32
    %add3A_318 = arith.addi %add3A_2, %add3A_317 : i32
    %sub3A = arith.constant 1 : i32
    %sub3A_319 = arith.subi %add3A_318, %sub3A : i32
    %jit3A_320 = arith.constant 4 : i32
    %div3A = arith.divsi %sub3A_319, %jit3A_320 : i32
    %sign3A = arith.constant 0 : i32
    %sign3A_321 = arith.cmpi sgt, %sub3A_319, %sign3A : i32
    %sign3A_322 = arith.extui %sign3A_321 : i1 to i32
    %sign3A_323 = arith.constant 0 : i32
    %sign3A_324 = arith.cmpi slt, %sub3A_319, %sign3A_323 : i32
    %sign3A_325 = arith.extui %sign3A_324 : i1 to i32
    %sign3A_326 = arith.subi %sign3A_322, %sign3A_325 : i32
    %sign3A_327 = arith.constant 0 : i32
    %sign3A_328 = arith.cmpi sgt, %jit3A_320, %sign3A_327 : i32
    %sign3A_329 = arith.extui %sign3A_328 : i1 to i32
    %sign3A_330 = arith.constant 0 : i32
    %sign3A_331 = arith.cmpi slt, %jit3A_320, %sign3A_330 : i32
    %sign3A_332 = arith.extui %sign3A_331 : i1 to i32
    %sign3A_333 = arith.subi %sign3A_329, %sign3A_332 : i32
    %ne3A = arith.cmpi ne, %sign3A_326, %sign3A_333 : i32
    %rem3A = arith.remsi %sub3A_319, %jit3A_320 : i32
    %ne3A_334 = arith.constant 0 : i32
    %ne3A_335 = arith.cmpi ne, %rem3A, %ne3A_334 : i32
    %and3A = arith.andi %ne3A, %ne3A_335 : i1
    %sub3A_336 = arith.constant 1 : i32
    %sub3A_337 = arith.subi %div3A, %sub3A_336 : i32
    %select_n3A_338 = arith.select %and3A, %sub3A_337, %div3A : i32
    %while3A = arith.constant 0 : i32
    %while3A_339 = arith.constant 0 : i32
    %while3A_340 = arith.subi %select_n3A_338, %while3A_339 : i32
    %while3A_341 = arith.addi %while3A_339, %while3A_340 : i32
    %while3A_342 = arith.constant 1 : i32
    %while3A_343 = arith.divsi %while3A_340, %while3A_342 : i32
    %while3A_344 = arith.muli %while3A_343, %while3A_342 : i32
    %while3A_345 = arith.addi %while3A_339, %while3A_344 : i32
    %while3A_346 = arith.constant 1 : i32
    scf.for %while3A_363 = %while3A_339 to %while3A_345 step %while3A_346  : i32 {
      %mul3A_364 = arith.constant 4 : i32
      %mul3A_365 = arith.muli %while3A_363, %mul3A_364 : i32
      %add3A_366 = arith.constant 0 : i32
      %add3A_367 = arith.addi %mul3A_365, %add3A_366 : i32
      %ge3A = arith.constant 4 : i32
      %ge3A_368 = arith.cmpi sge, %add3A_367, %ge3A : i32
      %sub3A_369 = arith.constant 4 : i32
      %sub3A_370 = arith.subi %add3A_367, %sub3A_369 : i32
      %lt3A_371 = arith.cmpi slt, %sub3A_370, %add3A_2 : i32
      %and3A_372 = arith.andi %ge3A_368, %lt3A_371 : i1
      %convert_element_type3A = arith.extui %and3A_372 : i1 to i32
      %cond3A = arith.constant 0 : i32
      %cond3A_373 = arith.cmpi ne, %convert_element_type3A, %cond3A : i32
      scf.if %cond3A_373 {
        %sub3A_429 = arith.constant 4 : i32
        %sub3A_430 = arith.subi %add3A_367, %sub3A_429 : i32
        %jit3A_431 = arith.constant 8 : i32
        %eq3A = arith.constant 0 : i32
        %eq3A_432 = arith.cmpi eq, %jit3A_431, %eq3A : i32
        %jit3A_433 = arith.constant 1 : i32
        %select_n3A_434 = arith.select %eq3A_432, %jit3A_433, %jit3A_431 : i32
        %rem3A_435 = arith.remsi %sub3A_430, %select_n3A_434 : i32
        %ne3A_436 = arith.constant 0 : i32
        %ne3A_437 = arith.cmpi ne, %rem3A_435, %ne3A_436 : i32
        %lt3A_438 = arith.constant 0 : i32
        %lt3A_439 = arith.cmpi slt, %rem3A_435, %lt3A_438 : i32
        %lt3A_440 = arith.constant 0 : i32
        %lt3A_441 = arith.cmpi slt, %select_n3A_434, %lt3A_440 : i32
        %ne3A_442 = arith.xori %lt3A_439, %lt3A_441 : i1
        %and3A_443 = arith.andi %ne3A_442, %ne3A_437 : i1
        %add3A_444 = arith.addi %rem3A_435, %select_n3A_434 : i32
        %select_n3A_445 = arith.select %and3A_443, %add3A_444, %rem3A_435 : i32
        %dma_wait3A = arith.constant 0 : i32
        %dma_wait3A_446 = arith.constant 0 : i32
        %dma_wait3A_447 = arith.constant 0 : i32
        %dma_wait3A_448 = arith.constant 0 : i32
        %dma_wait3A_449 = tpu.memref_slice %arg14[%dma_wait3A, %dma_wait3A_447, %dma_wait3A_448] : memref<4x128x64xf32, #tpu.memory_space<vmem>> -> memref<1x128x64xf32, #tpu.memory_space<vmem>>
        %dma_wait3A_450 = tpu.memref_squeeze %dma_wait3A_449 : memref<1x128x64xf32, #tpu.memory_space<vmem>> -> memref<128x64xf32, #tpu.memory_space<vmem>>
        %dma_wait3A_451 = arith.constant 0 : i32
        %dma_wait3A_452 = tpu.memref_slice %arg12[%select_n3A_445, %dma_wait3A_451] : memref<8x128xi32, #tpu.memory_space<vmem>> -> memref<1x128xi32, #tpu.memory_space<vmem>>
        %dma_wait3A_453 = tpu.memref_squeeze %dma_wait3A_452 : memref<1x128xi32, #tpu.memory_space<vmem>> -> memref<128xi32, #tpu.memory_space<vmem>>
        %dma_wait3A_454 = arith.constant 0 : i32
        %dma_wait3A_455 = arith.constant 0 : i32
        %dma_wait3A_456 = tpu.memref_slice %arg9[%dma_wait3A_454, %dma_wait3A_455] : memref<10000x64xf32, #tpu.memory_space<vmem_shared>> -> memref<10000x64xf32, #tpu.memory_space<vmem_shared>>
        %dma_wait3A_457 = tpu.memref_slice %arg18[%dma_wait3A_446] : memref<4x!tpu.dma_semaphore, #tpu.memory_space<semaphore_mem>> -> memref<1x!tpu.dma_semaphore, #tpu.memory_space<semaphore_mem>>
        %dma_wait3A_458 = tpu.memref_squeeze %dma_wait3A_457 : memref<1x!tpu.dma_semaphore, #tpu.memory_space<semaphore_mem>> -> memref<!tpu.dma_semaphore, #tpu.memory_space<semaphore_mem>>
        tpu.wait_indirect_dma semaphore(%dma_wait3A_458 : memref<!tpu.dma_semaphore, #tpu.memory_space<semaphore_mem>>) src(%dma_wait3A_456 : memref<10000x64xf32, #tpu.memory_space<vmem_shared>>) dst(%dma_wait3A_450 : memref<128x64xf32, #tpu.memory_space<vmem>>)
        %run_scoped3A = arith.constant 0 : i32
        "tpu.region"() ({
          %run_scoped3A_470 = tpu.sem_alloc : memref<!tpu.dma_semaphore, #tpu.memory_space<semaphore_mem>>
          %dma_start3A_471 = arith.constant 0 : i32
          %dma_start3A_472 = arith.constant 0 : i32
          %dma_start3A_473 = tpu.memref_slice %arg14[%run_scoped3A, %dma_start3A_471, %dma_start3A_472] : memref<4x128x64xf32, #tpu.memory_space<vmem>> -> memref<1x128x64xf32, #tpu.memory_space<vmem>>
          %dma_start3A_474 = tpu.memref_squeeze %dma_start3A_473 : memref<1x128x64xf32, #tpu.memory_space<vmem>> -> memref<128x64xf32, #tpu.memory_space<vmem>>
          %dma_start3A_475 = arith.constant 0 : i32
          %dma_start3A_476 = tpu.memref_slice %arg13[%select_n3A_445, %dma_start3A_475] : memref<8x128xi32, #tpu.memory_space<vmem>> -> memref<1x128xi32, #tpu.memory_space<vmem>>
          %dma_start3A_477 = tpu.memref_squeeze %dma_start3A_476 : memref<1x128xi32, #tpu.memory_space<vmem>> -> memref<128xi32, #tpu.memory_space<vmem>>
          %dma_start3A_478 = arith.constant 0 : i32
          %dma_start3A_479 = arith.constant 0 : i32
          %dma_start3A_480 = tpu.memref_slice %arg10[%dma_start3A_478, %dma_start3A_479] : memref<10112x64xf32, #tpu.memory_space<vmem_shared>> -> memref<10112x64xf32, #tpu.memory_space<vmem_shared>>
          tpu.enqueue_indirect_dma source(%dma_start3A_474 : memref<128x64xf32, #tpu.memory_space<vmem>>) target(%dma_start3A_480 : memref<10112x64xf32, #tpu.memory_space<vmem_shared>>) offsets(%dma_start3A_477 : memref<128xi32, #tpu.memory_space<vmem>>) semaphore(%run_scoped3A_470 : memref<!tpu.dma_semaphore, #tpu.memory_space<semaphore_mem>>) {add = true}
          %dma_wait3A_481 = arith.constant 0 : i32
          %dma_wait3A_482 = arith.constant 0 : i32
          %dma_wait3A_483 = tpu.memref_slice %arg14[%run_scoped3A, %dma_wait3A_481, %dma_wait3A_482] : memref<4x128x64xf32, #tpu.memory_space<vmem>> -> memref<1x128x64xf32, #tpu.memory_space<vmem>>
          %dma_wait3A_484 = tpu.memref_squeeze %dma_wait3A_483 : memref<1x128x64xf32, #tpu.memory_space<vmem>> -> memref<128x64xf32, #tpu.memory_space<vmem>>
          %dma_wait3A_485 = arith.constant 0 : i32
          %dma_wait3A_486 = tpu.memref_slice %arg13[%select_n3A_445, %dma_wait3A_485] : memref<8x128xi32, #tpu.memory_space<vmem>> -> memref<1x128xi32, #tpu.memory_space<vmem>>
          %dma_wait3A_487 = tpu.memref_squeeze %dma_wait3A_486 : memref<1x128xi32, #tpu.memory_space<vmem>> -> memref<128xi32, #tpu.memory_space<vmem>>
          %dma_wait3A_488 = arith.constant 0 : i32
          %dma_wait3A_489 = arith.constant 0 : i32
          %dma_wait3A_490 = tpu.memref_slice %arg10[%dma_wait3A_488, %dma_wait3A_489] : memref<10112x64xf32, #tpu.memory_space<vmem_shared>> -> memref<10112x64xf32, #tpu.memory_space<vmem_shared>>
          tpu.wait_indirect_dma semaphore(%run_scoped3A_470 : memref<!tpu.dma_semaphore, #tpu.memory_space<semaphore_mem>>) src(%dma_wait3A_484 : memref<128x64xf32, #tpu.memory_space<vmem>>) dst(%dma_wait3A_490 : memref<10112x64xf32, #tpu.memory_space<vmem_shared>>)
          tpu.yield
        }) : () -> ()
        %eq3A_459 = arith.constant 0 : i32
        %eq3A_460 = arith.cmpi eq, %arg0, %eq3A_459 : i32
        %convert_element_type3A_461 = arith.extui %eq3A_460 : i1 to i32
        %cond3A_462 = arith.constant 0 : i32
        %cond3A_463 = arith.cmpi ne, %convert_element_type3A_461, %cond3A_462 : i32
        scf.if %cond3A_463 {
          "tpu.region"() ({
            %run_scoped3A_470 = tpu.sem_alloc : memref<!tpu.dma_semaphore, #tpu.memory_space<semaphore_mem>>
            %dma_start3A_471 = arith.constant 0 : i32
            %dma_start3A_472 = tpu.memref_slice %arg13[%select_n3A_445, %dma_start3A_471] : memref<8x128xi32, #tpu.memory_space<vmem>> -> memref<1x128xi32, #tpu.memory_space<vmem>>
            %dma_start3A_473 = tpu.memref_squeeze %dma_start3A_472 : memref<1x128xi32, #tpu.memory_space<vmem>> -> memref<128xi32, #tpu.memory_space<vmem>>
            %dma_start3A_474 = arith.constant 0 : i32
            %dma_start3A_475 = arith.constant 0 : i32
            %dma_start3A_476 = tpu.memref_slice %arg11[%dma_start3A_474, %dma_start3A_475] : memref<10112x8xf32, #tpu.memory_space<vmem_shared>> -> memref<10112x8xf32, #tpu.memory_space<vmem_shared>>
            tpu.enqueue_indirect_dma source(%arg15 : memref<128x8xf32, #tpu.memory_space<vmem>>) target(%dma_start3A_476 : memref<10112x8xf32, #tpu.memory_space<vmem_shared>>) offsets(%dma_start3A_473 : memref<128xi32, #tpu.memory_space<vmem>>) semaphore(%run_scoped3A_470 : memref<!tpu.dma_semaphore, #tpu.memory_space<semaphore_mem>>) {add = true}
            %dma_wait3A_477 = arith.constant 0 : i32
            %dma_wait3A_478 = tpu.memref_slice %arg13[%select_n3A_445, %dma_wait3A_477] : memref<8x128xi32, #tpu.memory_space<vmem>> -> memref<1x128xi32, #tpu.memory_space<vmem>>
            %dma_wait3A_479 = tpu.memref_squeeze %dma_wait3A_478 : memref<1x128xi32, #tpu.memory_space<vmem>> -> memref<128xi32, #tpu.memory_space<vmem>>
            %dma_wait3A_480 = arith.constant 0 : i32
            %dma_wait3A_481 = arith.constant 0 : i32
            %dma_wait3A_482 = tpu.memref_slice %arg11[%dma_wait3A_480, %dma_wait3A_481] : memref<10112x8xf32, #tpu.memory_space<vmem_shared>> -> memref<10112x8xf32, #tpu.memory_space<vmem_shared>>
            tpu.wait_indirect_dma semaphore(%run_scoped3A_470 : memref<!tpu.dma_semaphore, #tpu.memory_space<semaphore_mem>>) src(%arg15 : memref<128x8xf32, #tpu.memory_space<vmem>>) dst(%dma_wait3A_482 : memref<10112x8xf32, #tpu.memory_space<vmem_shared>>)
            tpu.yield
          }) : () -> ()
        } else {
        }
        %add3A_464 = arith.constant 4 : i32
        %add3A_465 = arith.addi %add3A_367, %add3A_464 : i32
        %lt3A_466 = arith.cmpi slt, %add3A_465, %add3A_2 : i32
        %convert_element_type3A_467 = arith.extui %lt3A_466 : i1 to i32
        %cond3A_468 = arith.constant 0 : i32
        %cond3A_469 = arith.cmpi ne, %convert_element_type3A_467, %cond3A_468 : i32
        scf.if %cond3A_469 {
          %add3A_470 = arith.constant 4 : i32
          %add3A_471 = arith.addi %add3A_367, %add3A_470 : i32
          %jit3A_472 = arith.constant 8 : i32
          %eq3A_473 = arith.constant 0 : i32
          %eq3A_474 = arith.cmpi eq, %jit3A_472, %eq3A_473 : i32
          %jit3A_475 = arith.constant 1 : i32
          %select_n3A_476 = arith.select %eq3A_474, %jit3A_475, %jit3A_472 : i32
          %rem3A_477 = arith.remsi %add3A_471, %select_n3A_476 : i32
          %ne3A_478 = arith.constant 0 : i32
          %ne3A_479 = arith.cmpi ne, %rem3A_477, %ne3A_478 : i32
          %lt3A_480 = arith.constant 0 : i32
          %lt3A_481 = arith.cmpi slt, %rem3A_477, %lt3A_480 : i32
          %lt3A_482 = arith.constant 0 : i32
          %lt3A_483 = arith.cmpi slt, %select_n3A_476, %lt3A_482 : i32
          %ne3A_484 = arith.xori %lt3A_481, %lt3A_483 : i1
          %and3A_485 = arith.andi %ne3A_484, %ne3A_479 : i1
          %add3A_486 = arith.addi %rem3A_477, %select_n3A_476 : i32
          %select_n3A_487 = arith.select %and3A_485, %add3A_486, %rem3A_477 : i32
          %mul3A_488 = arith.constant 16 : i32
          %mul3A_489 = arith.muli %mul3A_488, %add3A_471 : i32
          %add3A_490 = arith.addi %arg1, %mul3A_489 : i32
          %dma_start3A_491 = arith.constant 0 : i32
          %dma_start3A_492 = arith.constant 0 : i32
          %dma_start3A_493 = tpu.memref_slice %arg12[%select_n3A_487, %dma_start3A_492] : memref<8x128xi32, #tpu.memory_space<vmem>> -> memref<1x128xi32, #tpu.memory_space<vmem>>
          %dma_start3A_494 = arith.constant 0 : i32
          %dma_start3A_495 = tpu.memref_slice %arg3[%dma_start3A_491, %add3A_490, %dma_start3A_494] : memref<2x2500x128xi32, #tpu.memory_space<hbm>> -> memref<1x1x128xi32, #tpu.memory_space<hbm>>
          %dma_start3A_496 = tpu.memref_squeeze %dma_start3A_495 : memref<1x1x128xi32, #tpu.memory_space<hbm>> -> memref<1x128xi32, #tpu.memory_space<hbm>>
          %dma_start3A_497 = tpu.memref_slice %arg19[%select_n3A_487] : memref<8x!tpu.dma_semaphore, #tpu.memory_space<semaphore_mem>> -> memref<1x!tpu.dma_semaphore, #tpu.memory_space<semaphore_mem>>
          %dma_start3A_498 = tpu.memref_squeeze %dma_start3A_497 : memref<1x!tpu.dma_semaphore, #tpu.memory_space<semaphore_mem>> -> memref<!tpu.dma_semaphore, #tpu.memory_space<semaphore_mem>>
          %dma_start3A_499 = arith.constant 0 : i32
          %dma_start3A_500 = tpu.memref_slice %arg12[%select_n3A_487, %dma_start3A_499] : memref<8x128xi32, #tpu.memory_space<vmem>> -> memref<1x128xi32, #tpu.memory_space<vmem>>
          %dma_start3A_501 = arith.constant 0 : i32
          %dma_start3A_502 = tpu.memref_slice %arg3[%dma_start3A_491, %add3A_490, %dma_start3A_501] : memref<2x2500x128xi32, #tpu.memory_space<hbm>> -> memref<1x1x128xi32, #tpu.memory_space<hbm>>
          %dma_start3A_503 = tpu.memref_squeeze %dma_start3A_502 : memref<1x1x128xi32, #tpu.memory_space<hbm>> -> memref<1x128xi32, #tpu.memory_space<hbm>>
          tpu.enqueue_dma source(%dma_start3A_503 : memref<1x128xi32, #tpu.memory_space<hbm>>) target(%dma_start3A_500 : memref<1x128xi32, #tpu.memory_space<vmem>>) target_semaphore(%dma_start3A_498 : memref<!tpu.dma_semaphore, #tpu.memory_space<semaphore_mem>>)
          %mul3A_504 = arith.constant 16 : i32
          %mul3A_505 = arith.muli %mul3A_504, %add3A_471 : i32
          %add3A_506 = arith.addi %arg1, %mul3A_505 : i32
          %dma_start3A_507 = arith.constant 1 : i32
          %dma_start3A_508 = arith.constant 0 : i32
          %dma_start3A_509 = tpu.memref_slice %arg13[%select_n3A_487, %dma_start3A_508] : memref<8x128xi32, #tpu.memory_space<vmem>> -> memref<1x128xi32, #tpu.memory_space<vmem>>
          %dma_start3A_510 = arith.constant 0 : i32
          %dma_start3A_511 = tpu.memref_slice %arg3[%dma_start3A_507, %add3A_506, %dma_start3A_510] : memref<2x2500x128xi32, #tpu.memory_space<hbm>> -> memref<1x1x128xi32, #tpu.memory_space<hbm>>
          %dma_start3A_512 = tpu.memref_squeeze %dma_start3A_511 : memref<1x1x128xi32, #tpu.memory_space<hbm>> -> memref<1x128xi32, #tpu.memory_space<hbm>>
          %dma_start3A_513 = tpu.memref_slice %arg19[%select_n3A_487] : memref<8x!tpu.dma_semaphore, #tpu.memory_space<semaphore_mem>> -> memref<1x!tpu.dma_semaphore, #tpu.memory_space<semaphore_mem>>
          %dma_start3A_514 = tpu.memref_squeeze %dma_start3A_513 : memref<1x!tpu.dma_semaphore, #tpu.memory_space<semaphore_mem>> -> memref<!tpu.dma_semaphore, #tpu.memory_space<semaphore_mem>>
          %dma_start3A_515 = arith.constant 0 : i32
          %dma_start3A_516 = tpu.memref_slice %arg13[%select_n3A_487, %dma_start3A_515] : memref<8x128xi32, #tpu.memory_space<vmem>> -> memref<1x128xi32, #tpu.memory_space<vmem>>
          %dma_start3A_517 = arith.constant 0 : i32
          %dma_start3A_518 = tpu.memref_slice %arg3[%dma_start3A_507, %add3A_506, %dma_start3A_517] : memref<2x2500x128xi32, #tpu.memory_space<hbm>> -> memref<1x1x128xi32, #tpu.memory_space<hbm>>
          %dma_start3A_519 = tpu.memref_squeeze %dma_start3A_518 : memref<1x1x128xi32, #tpu.memory_space<hbm>> -> memref<1x128xi32, #tpu.memory_space<hbm>>
          tpu.enqueue_dma source(%dma_start3A_519 : memref<1x128xi32, #tpu.memory_space<hbm>>) target(%dma_start3A_516 : memref<1x128xi32, #tpu.memory_space<vmem>>) target_semaphore(%dma_start3A_514 : memref<!tpu.dma_semaphore, #tpu.memory_space<semaphore_mem>>)
        } else {
        }
      } else {
      }
      %lt3A_374 = arith.cmpi slt, %add3A_367, %add3A_2 : i32
      %convert_element_type3A_375 = arith.extui %lt3A_374 : i1 to i32
      %cond3A_376 = arith.constant 0 : i32
      %cond3A_377 = arith.cmpi ne, %convert_element_type3A_375, %cond3A_376 : i32
      scf.if %cond3A_377 {
        %jit3A_429 = arith.constant 8 : i32
        %eq3A = arith.constant 0 : i32
        %eq3A_430 = arith.cmpi eq, %jit3A_429, %eq3A : i32
        %jit3A_431 = arith.constant 1 : i32
        %select_n3A_432 = arith.select %eq3A_430, %jit3A_431, %jit3A_429 : i32
        %rem3A_433 = arith.remsi %add3A_367, %select_n3A_432 : i32
        %ne3A_434 = arith.constant 0 : i32
        %ne3A_435 = arith.cmpi ne, %rem3A_433, %ne3A_434 : i32
        %lt3A_436 = arith.constant 0 : i32
        %lt3A_437 = arith.cmpi slt, %rem3A_433, %lt3A_436 : i32
        %lt3A_438 = arith.constant 0 : i32
        %lt3A_439 = arith.cmpi slt, %select_n3A_432, %lt3A_438 : i32
        %ne3A_440 = arith.xori %lt3A_437, %lt3A_439 : i1
        %and3A_441 = arith.andi %ne3A_440, %ne3A_435 : i1
        %add3A_442 = arith.addi %rem3A_433, %select_n3A_432 : i32
        %select_n3A_443 = arith.select %and3A_441, %add3A_442, %rem3A_433 : i32
        %mul3A_444 = arith.constant 16 : i32
        %mul3A_445 = arith.muli %mul3A_444, %add3A_367 : i32
        %add3A_446 = arith.addi %arg1, %mul3A_445 : i32
        %dma_wait3A = arith.constant 0 : i32
        %dma_wait3A_447 = arith.constant 0 : i32
        %dma_wait3A_448 = tpu.memref_slice %arg12[%select_n3A_443, %dma_wait3A_447] : memref<8x128xi32, #tpu.memory_space<vmem>> -> memref<1x128xi32, #tpu.memory_space<vmem>>
        %dma_wait3A_449 = arith.constant 0 : i32
        %dma_wait3A_450 = tpu.memref_slice %arg3[%dma_wait3A, %add3A_446, %dma_wait3A_449] : memref<2x2500x128xi32, #tpu.memory_space<hbm>> -> memref<1x1x128xi32, #tpu.memory_space<hbm>>
        %dma_wait3A_451 = tpu.memref_squeeze %dma_wait3A_450 : memref<1x1x128xi32, #tpu.memory_space<hbm>> -> memref<1x128xi32, #tpu.memory_space<hbm>>
        %dma_wait3A_452 = tpu.memref_slice %arg19[%select_n3A_443] : memref<8x!tpu.dma_semaphore, #tpu.memory_space<semaphore_mem>> -> memref<1x!tpu.dma_semaphore, #tpu.memory_space<semaphore_mem>>
        %dma_wait3A_453 = tpu.memref_squeeze %dma_wait3A_452 : memref<1x!tpu.dma_semaphore, #tpu.memory_space<semaphore_mem>> -> memref<!tpu.dma_semaphore, #tpu.memory_space<semaphore_mem>>
        %dma_wait3A_454 = arith.constant 0 : i32
        %dma_wait3A_455 = tpu.memref_slice %arg12[%select_n3A_443, %dma_wait3A_454] : memref<8x128xi32, #tpu.memory_space<vmem>> -> memref<1x128xi32, #tpu.memory_space<vmem>>
        %dma_wait3A_456 = arith.constant 0 : i32
        %dma_wait3A_457 = tpu.memref_slice %arg3[%dma_wait3A, %add3A_446, %dma_wait3A_456] : memref<2x2500x128xi32, #tpu.memory_space<hbm>> -> memref<1x1x128xi32, #tpu.memory_space<hbm>>
        %dma_wait3A_458 = tpu.memref_squeeze %dma_wait3A_457 : memref<1x1x128xi32, #tpu.memory_space<hbm>> -> memref<1x128xi32, #tpu.memory_space<hbm>>
        tpu.wait_dma2 semaphore(%dma_wait3A_453 : memref<!tpu.dma_semaphore, #tpu.memory_space<semaphore_mem>>) src(%dma_wait3A_458 : memref<1x128xi32, #tpu.memory_space<hbm>>) dst(%dma_wait3A_455 : memref<1x128xi32, #tpu.memory_space<vmem>>)
        %mul3A_459 = arith.constant 16 : i32
        %mul3A_460 = arith.muli %mul3A_459, %add3A_367 : i32
        %add3A_461 = arith.addi %arg1, %mul3A_460 : i32
        %dma_wait3A_462 = arith.constant 1 : i32
        %dma_wait3A_463 = arith.constant 0 : i32
        %dma_wait3A_464 = tpu.memref_slice %arg13[%select_n3A_443, %dma_wait3A_463] : memref<8x128xi32, #tpu.memory_space<vmem>> -> memref<1x128xi32, #tpu.memory_space<vmem>>
        %dma_wait3A_465 = arith.constant 0 : i32
        %dma_wait3A_466 = tpu.memref_slice %arg3[%dma_wait3A_462, %add3A_461, %dma_wait3A_465] : memref<2x2500x128xi32, #tpu.memory_space<hbm>> -> memref<1x1x128xi32, #tpu.memory_space<hbm>>
        %dma_wait3A_467 = tpu.memref_squeeze %dma_wait3A_466 : memref<1x1x128xi32, #tpu.memory_space<hbm>> -> memref<1x128xi32, #tpu.memory_space<hbm>>
        %dma_wait3A_468 = tpu.memref_slice %arg19[%select_n3A_443] : memref<8x!tpu.dma_semaphore, #tpu.memory_space<semaphore_mem>> -> memref<1x!tpu.dma_semaphore, #tpu.memory_space<semaphore_mem>>
        %dma_wait3A_469 = tpu.memref_squeeze %dma_wait3A_468 : memref<1x!tpu.dma_semaphore, #tpu.memory_space<semaphore_mem>> -> memref<!tpu.dma_semaphore, #tpu.memory_space<semaphore_mem>>
        %dma_wait3A_470 = arith.constant 0 : i32
        %dma_wait3A_471 = tpu.memref_slice %arg13[%select_n3A_443, %dma_wait3A_470] : memref<8x128xi32, #tpu.memory_space<vmem>> -> memref<1x128xi32, #tpu.memory_space<vmem>>
        %dma_wait3A_472 = arith.constant 0 : i32
        %dma_wait3A_473 = tpu.memref_slice %arg3[%dma_wait3A_462, %add3A_461, %dma_wait3A_472] : memref<2x2500x128xi32, #tpu.memory_space<hbm>> -> memref<1x1x128xi32, #tpu.memory_space<hbm>>
        %dma_wait3A_474 = tpu.memref_squeeze %dma_wait3A_473 : memref<1x1x128xi32, #tpu.memory_space<hbm>> -> memref<1x128xi32, #tpu.memory_space<hbm>>
        tpu.wait_dma2 semaphore(%dma_wait3A_469 : memref<!tpu.dma_semaphore, #tpu.memory_space<semaphore_mem>>) src(%dma_wait3A_474 : memref<1x128xi32, #tpu.memory_space<hbm>>) dst(%dma_wait3A_471 : memref<1x128xi32, #tpu.memory_space<vmem>>)
        %dma_start3A_475 = arith.constant 0 : i32
        %dma_start3A_476 = arith.constant 0 : i32
        %dma_start3A_477 = arith.constant 0 : i32
        %dma_start3A_478 = arith.constant 0 : i32
        %dma_start3A_479 = tpu.memref_slice %arg14[%dma_start3A_475, %dma_start3A_477, %dma_start3A_478] : memref<4x128x64xf32, #tpu.memory_space<vmem>> -> memref<1x128x64xf32, #tpu.memory_space<vmem>>
        %dma_start3A_480 = tpu.memref_squeeze %dma_start3A_479 : memref<1x128x64xf32, #tpu.memory_space<vmem>> -> memref<128x64xf32, #tpu.memory_space<vmem>>
        %dma_start3A_481 = arith.constant 0 : i32
        %dma_start3A_482 = tpu.memref_slice %arg12[%select_n3A_443, %dma_start3A_481] : memref<8x128xi32, #tpu.memory_space<vmem>> -> memref<1x128xi32, #tpu.memory_space<vmem>>
        %dma_start3A_483 = tpu.memref_squeeze %dma_start3A_482 : memref<1x128xi32, #tpu.memory_space<vmem>> -> memref<128xi32, #tpu.memory_space<vmem>>
        %dma_start3A_484 = arith.constant 0 : i32
        %dma_start3A_485 = arith.constant 0 : i32
        %dma_start3A_486 = tpu.memref_slice %arg9[%dma_start3A_484, %dma_start3A_485] : memref<10000x64xf32, #tpu.memory_space<vmem_shared>> -> memref<10000x64xf32, #tpu.memory_space<vmem_shared>>
        %dma_start3A_487 = tpu.memref_slice %arg18[%dma_start3A_476] : memref<4x!tpu.dma_semaphore, #tpu.memory_space<semaphore_mem>> -> memref<1x!tpu.dma_semaphore, #tpu.memory_space<semaphore_mem>>
        %dma_start3A_488 = tpu.memref_squeeze %dma_start3A_487 : memref<1x!tpu.dma_semaphore, #tpu.memory_space<semaphore_mem>> -> memref<!tpu.dma_semaphore, #tpu.memory_space<semaphore_mem>>
        tpu.enqueue_indirect_dma source(%dma_start3A_486 : memref<10000x64xf32, #tpu.memory_space<vmem_shared>>) target(%dma_start3A_480 : memref<128x64xf32, #tpu.memory_space<vmem>>) offsets(%dma_start3A_483 : memref<128xi32, #tpu.memory_space<vmem>>) semaphore(%dma_start3A_488 : memref<!tpu.dma_semaphore, #tpu.memory_space<semaphore_mem>>)
      } else {
      }
      %mul3A_378 = arith.constant 4 : i32
      %mul3A_379 = arith.muli %while3A_363, %mul3A_378 : i32
      %add3A_380 = arith.constant 1 : i32
      %add3A_381 = arith.addi %mul3A_379, %add3A_380 : i32
      %ge3A_382 = arith.constant 4 : i32
      %ge3A_383 = arith.cmpi sge, %add3A_381, %ge3A_382 : i32
      %sub3A_384 = arith.constant 4 : i32
      %sub3A_385 = arith.subi %add3A_381, %sub3A_384 : i32
      %lt3A_386 = arith.cmpi slt, %sub3A_385, %add3A_2 : i32
      %and3A_387 = arith.andi %ge3A_383, %lt3A_386 : i1
      %convert_element_type3A_388 = arith.extui %and3A_387 : i1 to i32
      %cond3A_389 = arith.constant 0 : i32
      %cond3A_390 = arith.cmpi ne, %convert_element_type3A_388, %cond3A_389 : i32
      scf.if %cond3A_390 {
        %sub3A_429 = arith.constant 4 : i32
        %sub3A_430 = arith.subi %add3A_381, %sub3A_429 : i32
        %jit3A_431 = arith.constant 8 : i32
        %eq3A = arith.constant 0 : i32
        %eq3A_432 = arith.cmpi eq, %jit3A_431, %eq3A : i32
        %jit3A_433 = arith.constant 1 : i32
        %select_n3A_434 = arith.select %eq3A_432, %jit3A_433, %jit3A_431 : i32
        %rem3A_435 = arith.remsi %sub3A_430, %select_n3A_434 : i32
        %ne3A_436 = arith.constant 0 : i32
        %ne3A_437 = arith.cmpi ne, %rem3A_435, %ne3A_436 : i32
        %lt3A_438 = arith.constant 0 : i32
        %lt3A_439 = arith.cmpi slt, %rem3A_435, %lt3A_438 : i32
        %lt3A_440 = arith.constant 0 : i32
        %lt3A_441 = arith.cmpi slt, %select_n3A_434, %lt3A_440 : i32
        %ne3A_442 = arith.xori %lt3A_439, %lt3A_441 : i1
        %and3A_443 = arith.andi %ne3A_442, %ne3A_437 : i1
        %add3A_444 = arith.addi %rem3A_435, %select_n3A_434 : i32
        %select_n3A_445 = arith.select %and3A_443, %add3A_444, %rem3A_435 : i32
        %dma_wait3A = arith.constant 1 : i32
        %dma_wait3A_446 = arith.constant 1 : i32
        %dma_wait3A_447 = arith.constant 0 : i32
        %dma_wait3A_448 = arith.constant 0 : i32
        %dma_wait3A_449 = tpu.memref_slice %arg14[%dma_wait3A, %dma_wait3A_447, %dma_wait3A_448] : memref<4x128x64xf32, #tpu.memory_space<vmem>> -> memref<1x128x64xf32, #tpu.memory_space<vmem>>
        %dma_wait3A_450 = tpu.memref_squeeze %dma_wait3A_449 : memref<1x128x64xf32, #tpu.memory_space<vmem>> -> memref<128x64xf32, #tpu.memory_space<vmem>>
        %dma_wait3A_451 = arith.constant 0 : i32
        %dma_wait3A_452 = tpu.memref_slice %arg12[%select_n3A_445, %dma_wait3A_451] : memref<8x128xi32, #tpu.memory_space<vmem>> -> memref<1x128xi32, #tpu.memory_space<vmem>>
        %dma_wait3A_453 = tpu.memref_squeeze %dma_wait3A_452 : memref<1x128xi32, #tpu.memory_space<vmem>> -> memref<128xi32, #tpu.memory_space<vmem>>
        %dma_wait3A_454 = arith.constant 0 : i32
        %dma_wait3A_455 = arith.constant 0 : i32
        %dma_wait3A_456 = tpu.memref_slice %arg9[%dma_wait3A_454, %dma_wait3A_455] : memref<10000x64xf32, #tpu.memory_space<vmem_shared>> -> memref<10000x64xf32, #tpu.memory_space<vmem_shared>>
        %dma_wait3A_457 = tpu.memref_slice %arg18[%dma_wait3A_446] : memref<4x!tpu.dma_semaphore, #tpu.memory_space<semaphore_mem>> -> memref<1x!tpu.dma_semaphore, #tpu.memory_space<semaphore_mem>>
        %dma_wait3A_458 = tpu.memref_squeeze %dma_wait3A_457 : memref<1x!tpu.dma_semaphore, #tpu.memory_space<semaphore_mem>> -> memref<!tpu.dma_semaphore, #tpu.memory_space<semaphore_mem>>
        tpu.wait_indirect_dma semaphore(%dma_wait3A_458 : memref<!tpu.dma_semaphore, #tpu.memory_space<semaphore_mem>>) src(%dma_wait3A_456 : memref<10000x64xf32, #tpu.memory_space<vmem_shared>>) dst(%dma_wait3A_450 : memref<128x64xf32, #tpu.memory_space<vmem>>)
        %run_scoped3A = arith.constant 1 : i32
        "tpu.region"() ({
          %run_scoped3A_470 = tpu.sem_alloc : memref<!tpu.dma_semaphore, #tpu.memory_space<semaphore_mem>>
          %dma_start3A_471 = arith.constant 0 : i32
          %dma_start3A_472 = arith.constant 0 : i32
          %dma_start3A_473 = tpu.memref_slice %arg14[%run_scoped3A, %dma_start3A_471, %dma_start3A_472] : memref<4x128x64xf32, #tpu.memory_space<vmem>> -> memref<1x128x64xf32, #tpu.memory_space<vmem>>
          %dma_start3A_474 = tpu.memref_squeeze %dma_start3A_473 : memref<1x128x64xf32, #tpu.memory_space<vmem>> -> memref<128x64xf32, #tpu.memory_space<vmem>>
          %dma_start3A_475 = arith.constant 0 : i32
          %dma_start3A_476 = tpu.memref_slice %arg13[%select_n3A_445, %dma_start3A_475] : memref<8x128xi32, #tpu.memory_space<vmem>> -> memref<1x128xi32, #tpu.memory_space<vmem>>
          %dma_start3A_477 = tpu.memref_squeeze %dma_start3A_476 : memref<1x128xi32, #tpu.memory_space<vmem>> -> memref<128xi32, #tpu.memory_space<vmem>>
          %dma_start3A_478 = arith.constant 0 : i32
          %dma_start3A_479 = arith.constant 0 : i32
          %dma_start3A_480 = tpu.memref_slice %arg10[%dma_start3A_478, %dma_start3A_479] : memref<10112x64xf32, #tpu.memory_space<vmem_shared>> -> memref<10112x64xf32, #tpu.memory_space<vmem_shared>>
          tpu.enqueue_indirect_dma source(%dma_start3A_474 : memref<128x64xf32, #tpu.memory_space<vmem>>) target(%dma_start3A_480 : memref<10112x64xf32, #tpu.memory_space<vmem_shared>>) offsets(%dma_start3A_477 : memref<128xi32, #tpu.memory_space<vmem>>) semaphore(%run_scoped3A_470 : memref<!tpu.dma_semaphore, #tpu.memory_space<semaphore_mem>>) {add = true}
          %dma_wait3A_481 = arith.constant 0 : i32
          %dma_wait3A_482 = arith.constant 0 : i32
          %dma_wait3A_483 = tpu.memref_slice %arg14[%run_scoped3A, %dma_wait3A_481, %dma_wait3A_482] : memref<4x128x64xf32, #tpu.memory_space<vmem>> -> memref<1x128x64xf32, #tpu.memory_space<vmem>>
          %dma_wait3A_484 = tpu.memref_squeeze %dma_wait3A_483 : memref<1x128x64xf32, #tpu.memory_space<vmem>> -> memref<128x64xf32, #tpu.memory_space<vmem>>
          %dma_wait3A_485 = arith.constant 0 : i32
          %dma_wait3A_486 = tpu.memref_slice %arg13[%select_n3A_445, %dma_wait3A_485] : memref<8x128xi32, #tpu.memory_space<vmem>> -> memref<1x128xi32, #tpu.memory_space<vmem>>
          %dma_wait3A_487 = tpu.memref_squeeze %dma_wait3A_486 : memref<1x128xi32, #tpu.memory_space<vmem>> -> memref<128xi32, #tpu.memory_space<vmem>>
          %dma_wait3A_488 = arith.constant 0 : i32
          %dma_wait3A_489 = arith.constant 0 : i32
          %dma_wait3A_490 = tpu.memref_slice %arg10[%dma_wait3A_488, %dma_wait3A_489] : memref<10112x64xf32, #tpu.memory_space<vmem_shared>> -> memref<10112x64xf32, #tpu.memory_space<vmem_shared>>
          tpu.wait_indirect_dma semaphore(%run_scoped3A_470 : memref<!tpu.dma_semaphore, #tpu.memory_space<semaphore_mem>>) src(%dma_wait3A_484 : memref<128x64xf32, #tpu.memory_space<vmem>>) dst(%dma_wait3A_490 : memref<10112x64xf32, #tpu.memory_space<vmem_shared>>)
          tpu.yield
        }) : () -> ()
        %eq3A_459 = arith.constant 1 : i32
        %eq3A_460 = arith.cmpi eq, %arg0, %eq3A_459 : i32
        %convert_element_type3A_461 = arith.extui %eq3A_460 : i1 to i32
        %cond3A_462 = arith.constant 0 : i32
        %cond3A_463 = arith.cmpi ne, %convert_element_type3A_461, %cond3A_462 : i32
        scf.if %cond3A_463 {
          "tpu.region"() ({
            %run_scoped3A_470 = tpu.sem_alloc : memref<!tpu.dma_semaphore, #tpu.memory_space<semaphore_mem>>
            %dma_start3A_471 = arith.constant 0 : i32
            %dma_start3A_472 = tpu.memref_slice %arg13[%select_n3A_445, %dma_start3A_471] : memref<8x128xi32, #tpu.memory_space<vmem>> -> memref<1x128xi32, #tpu.memory_space<vmem>>
            %dma_start3A_473 = tpu.memref_squeeze %dma_start3A_472 : memref<1x128xi32, #tpu.memory_space<vmem>> -> memref<128xi32, #tpu.memory_space<vmem>>
            %dma_start3A_474 = arith.constant 0 : i32
            %dma_start3A_475 = arith.constant 0 : i32
            %dma_start3A_476 = tpu.memref_slice %arg11[%dma_start3A_474, %dma_start3A_475] : memref<10112x8xf32, #tpu.memory_space<vmem_shared>> -> memref<10112x8xf32, #tpu.memory_space<vmem_shared>>
            tpu.enqueue_indirect_dma source(%arg15 : memref<128x8xf32, #tpu.memory_space<vmem>>) target(%dma_start3A_476 : memref<10112x8xf32, #tpu.memory_space<vmem_shared>>) offsets(%dma_start3A_473 : memref<128xi32, #tpu.memory_space<vmem>>) semaphore(%run_scoped3A_470 : memref<!tpu.dma_semaphore, #tpu.memory_space<semaphore_mem>>) {add = true}
            %dma_wait3A_477 = arith.constant 0 : i32
            %dma_wait3A_478 = tpu.memref_slice %arg13[%select_n3A_445, %dma_wait3A_477] : memref<8x128xi32, #tpu.memory_space<vmem>> -> memref<1x128xi32, #tpu.memory_space<vmem>>
            %dma_wait3A_479 = tpu.memref_squeeze %dma_wait3A_478 : memref<1x128xi32, #tpu.memory_space<vmem>> -> memref<128xi32, #tpu.memory_space<vmem>>
            %dma_wait3A_480 = arith.constant 0 : i32
            %dma_wait3A_481 = arith.constant 0 : i32
            %dma_wait3A_482 = tpu.memref_slice %arg11[%dma_wait3A_480, %dma_wait3A_481] : memref<10112x8xf32, #tpu.memory_space<vmem_shared>> -> memref<10112x8xf32, #tpu.memory_space<vmem_shared>>
            tpu.wait_indirect_dma semaphore(%run_scoped3A_470 : memref<!tpu.dma_semaphore, #tpu.memory_space<semaphore_mem>>) src(%arg15 : memref<128x8xf32, #tpu.memory_space<vmem>>) dst(%dma_wait3A_482 : memref<10112x8xf32, #tpu.memory_space<vmem_shared>>)
            tpu.yield
          }) : () -> ()
        } else {
        }
        %add3A_464 = arith.constant 4 : i32
        %add3A_465 = arith.addi %add3A_381, %add3A_464 : i32
        %lt3A_466 = arith.cmpi slt, %add3A_465, %add3A_2 : i32
        %convert_element_type3A_467 = arith.extui %lt3A_466 : i1 to i32
        %cond3A_468 = arith.constant 0 : i32
        %cond3A_469 = arith.cmpi ne, %convert_element_type3A_467, %cond3A_468 : i32
        scf.if %cond3A_469 {
          %add3A_470 = arith.constant 4 : i32
          %add3A_471 = arith.addi %add3A_381, %add3A_470 : i32
          %jit3A_472 = arith.constant 8 : i32
          %eq3A_473 = arith.constant 0 : i32
          %eq3A_474 = arith.cmpi eq, %jit3A_472, %eq3A_473 : i32
          %jit3A_475 = arith.constant 1 : i32
          %select_n3A_476 = arith.select %eq3A_474, %jit3A_475, %jit3A_472 : i32
          %rem3A_477 = arith.remsi %add3A_471, %select_n3A_476 : i32
          %ne3A_478 = arith.constant 0 : i32
          %ne3A_479 = arith.cmpi ne, %rem3A_477, %ne3A_478 : i32
          %lt3A_480 = arith.constant 0 : i32
          %lt3A_481 = arith.cmpi slt, %rem3A_477, %lt3A_480 : i32
          %lt3A_482 = arith.constant 0 : i32
          %lt3A_483 = arith.cmpi slt, %select_n3A_476, %lt3A_482 : i32
          %ne3A_484 = arith.xori %lt3A_481, %lt3A_483 : i1
          %and3A_485 = arith.andi %ne3A_484, %ne3A_479 : i1
          %add3A_486 = arith.addi %rem3A_477, %select_n3A_476 : i32
          %select_n3A_487 = arith.select %and3A_485, %add3A_486, %rem3A_477 : i32
          %mul3A_488 = arith.constant 16 : i32
          %mul3A_489 = arith.muli %mul3A_488, %add3A_471 : i32
          %add3A_490 = arith.addi %arg1, %mul3A_489 : i32
          %dma_start3A_491 = arith.constant 0 : i32
          %dma_start3A_492 = arith.constant 0 : i32
          %dma_start3A_493 = tpu.memref_slice %arg12[%select_n3A_487, %dma_start3A_492] : memref<8x128xi32, #tpu.memory_space<vmem>> -> memref<1x128xi32, #tpu.memory_space<vmem>>
          %dma_start3A_494 = arith.constant 0 : i32
          %dma_start3A_495 = tpu.memref_slice %arg3[%dma_start3A_491, %add3A_490, %dma_start3A_494] : memref<2x2500x128xi32, #tpu.memory_space<hbm>> -> memref<1x1x128xi32, #tpu.memory_space<hbm>>
          %dma_start3A_496 = tpu.memref_squeeze %dma_start3A_495 : memref<1x1x128xi32, #tpu.memory_space<hbm>> -> memref<1x128xi32, #tpu.memory_space<hbm>>
          %dma_start3A_497 = tpu.memref_slice %arg19[%select_n3A_487] : memref<8x!tpu.dma_semaphore, #tpu.memory_space<semaphore_mem>> -> memref<1x!tpu.dma_semaphore, #tpu.memory_space<semaphore_mem>>
          %dma_start3A_498 = tpu.memref_squeeze %dma_start3A_497 : memref<1x!tpu.dma_semaphore, #tpu.memory_space<semaphore_mem>> -> memref<!tpu.dma_semaphore, #tpu.memory_space<semaphore_mem>>
          %dma_start3A_499 = arith.constant 0 : i32
          %dma_start3A_500 = tpu.memref_slice %arg12[%select_n3A_487, %dma_start3A_499] : memref<8x128xi32, #tpu.memory_space<vmem>> -> memref<1x128xi32, #tpu.memory_space<vmem>>
          %dma_start3A_501 = arith.constant 0 : i32
          %dma_start3A_502 = tpu.memref_slice %arg3[%dma_start3A_491, %add3A_490, %dma_start3A_501] : memref<2x2500x128xi32, #tpu.memory_space<hbm>> -> memref<1x1x128xi32, #tpu.memory_space<hbm>>
          %dma_start3A_503 = tpu.memref_squeeze %dma_start3A_502 : memref<1x1x128xi32, #tpu.memory_space<hbm>> -> memref<1x128xi32, #tpu.memory_space<hbm>>
          tpu.enqueue_dma source(%dma_start3A_503 : memref<1x128xi32, #tpu.memory_space<hbm>>) target(%dma_start3A_500 : memref<1x128xi32, #tpu.memory_space<vmem>>) target_semaphore(%dma_start3A_498 : memref<!tpu.dma_semaphore, #tpu.memory_space<semaphore_mem>>)
          %mul3A_504 = arith.constant 16 : i32
          %mul3A_505 = arith.muli %mul3A_504, %add3A_471 : i32
          %add3A_506 = arith.addi %arg1, %mul3A_505 : i32
          %dma_start3A_507 = arith.constant 1 : i32
          %dma_start3A_508 = arith.constant 0 : i32
          %dma_start3A_509 = tpu.memref_slice %arg13[%select_n3A_487, %dma_start3A_508] : memref<8x128xi32, #tpu.memory_space<vmem>> -> memref<1x128xi32, #tpu.memory_space<vmem>>
          %dma_start3A_510 = arith.constant 0 : i32
          %dma_start3A_511 = tpu.memref_slice %arg3[%dma_start3A_507, %add3A_506, %dma_start3A_510] : memref<2x2500x128xi32, #tpu.memory_space<hbm>> -> memref<1x1x128xi32, #tpu.memory_space<hbm>>
          %dma_start3A_512 = tpu.memref_squeeze %dma_start3A_511 : memref<1x1x128xi32, #tpu.memory_space<hbm>> -> memref<1x128xi32, #tpu.memory_space<hbm>>
          %dma_start3A_513 = tpu.memref_slice %arg19[%select_n3A_487] : memref<8x!tpu.dma_semaphore, #tpu.memory_space<semaphore_mem>> -> memref<1x!tpu.dma_semaphore, #tpu.memory_space<semaphore_mem>>
          %dma_start3A_514 = tpu.memref_squeeze %dma_start3A_513 : memref<1x!tpu.dma_semaphore, #tpu.memory_space<semaphore_mem>> -> memref<!tpu.dma_semaphore, #tpu.memory_space<semaphore_mem>>
          %dma_start3A_515 = arith.constant 0 : i32
          %dma_start3A_516 = tpu.memref_slice %arg13[%select_n3A_487, %dma_start3A_515] : memref<8x128xi32, #tpu.memory_space<vmem>> -> memref<1x128xi32, #tpu.memory_space<vmem>>
          %dma_start3A_517 = arith.constant 0 : i32
          %dma_start3A_518 = tpu.memref_slice %arg3[%dma_start3A_507, %add3A_506, %dma_start3A_517] : memref<2x2500x128xi32, #tpu.memory_space<hbm>> -> memref<1x1x128xi32, #tpu.memory_space<hbm>>
          %dma_start3A_519 = tpu.memref_squeeze %dma_start3A_518 : memref<1x1x128xi32, #tpu.memory_space<hbm>> -> memref<1x128xi32, #tpu.memory_space<hbm>>
          tpu.enqueue_dma source(%dma_start3A_519 : memref<1x128xi32, #tpu.memory_space<hbm>>) target(%dma_start3A_516 : memref<1x128xi32, #tpu.memory_space<vmem>>) target_semaphore(%dma_start3A_514 : memref<!tpu.dma_semaphore, #tpu.memory_space<semaphore_mem>>)
        } else {
        }
      } else {
      }
      %lt3A_391 = arith.cmpi slt, %add3A_381, %add3A_2 : i32
      %convert_element_type3A_392 = arith.extui %lt3A_391 : i1 to i32
      %cond3A_393 = arith.constant 0 : i32
      %cond3A_394 = arith.cmpi ne, %convert_element_type3A_392, %cond3A_393 : i32
      scf.if %cond3A_394 {
        %jit3A_429 = arith.constant 8 : i32
        %eq3A = arith.constant 0 : i32
        %eq3A_430 = arith.cmpi eq, %jit3A_429, %eq3A : i32
        %jit3A_431 = arith.constant 1 : i32
        %select_n3A_432 = arith.select %eq3A_430, %jit3A_431, %jit3A_429 : i32
        %rem3A_433 = arith.remsi %add3A_381, %select_n3A_432 : i32
        %ne3A_434 = arith.constant 0 : i32
        %ne3A_435 = arith.cmpi ne, %rem3A_433, %ne3A_434 : i32
        %lt3A_436 = arith.constant 0 : i32
        %lt3A_437 = arith.cmpi slt, %rem3A_433, %lt3A_436 : i32
        %lt3A_438 = arith.constant 0 : i32
        %lt3A_439 = arith.cmpi slt, %select_n3A_432, %lt3A_438 : i32
        %ne3A_440 = arith.xori %lt3A_437, %lt3A_439 : i1
        %and3A_441 = arith.andi %ne3A_440, %ne3A_435 : i1
        %add3A_442 = arith.addi %rem3A_433, %select_n3A_432 : i32
        %select_n3A_443 = arith.select %and3A_441, %add3A_442, %rem3A_433 : i32
        %mul3A_444 = arith.constant 16 : i32
        %mul3A_445 = arith.muli %mul3A_444, %add3A_381 : i32
        %add3A_446 = arith.addi %arg1, %mul3A_445 : i32
        %dma_wait3A = arith.constant 0 : i32
        %dma_wait3A_447 = arith.constant 0 : i32
        %dma_wait3A_448 = tpu.memref_slice %arg12[%select_n3A_443, %dma_wait3A_447] : memref<8x128xi32, #tpu.memory_space<vmem>> -> memref<1x128xi32, #tpu.memory_space<vmem>>
        %dma_wait3A_449 = arith.constant 0 : i32
        %dma_wait3A_450 = tpu.memref_slice %arg3[%dma_wait3A, %add3A_446, %dma_wait3A_449] : memref<2x2500x128xi32, #tpu.memory_space<hbm>> -> memref<1x1x128xi32, #tpu.memory_space<hbm>>
        %dma_wait3A_451 = tpu.memref_squeeze %dma_wait3A_450 : memref<1x1x128xi32, #tpu.memory_space<hbm>> -> memref<1x128xi32, #tpu.memory_space<hbm>>
        %dma_wait3A_452 = tpu.memref_slice %arg19[%select_n3A_443] : memref<8x!tpu.dma_semaphore, #tpu.memory_space<semaphore_mem>> -> memref<1x!tpu.dma_semaphore, #tpu.memory_space<semaphore_mem>>
        %dma_wait3A_453 = tpu.memref_squeeze %dma_wait3A_452 : memref<1x!tpu.dma_semaphore, #tpu.memory_space<semaphore_mem>> -> memref<!tpu.dma_semaphore, #tpu.memory_space<semaphore_mem>>
        %dma_wait3A_454 = arith.constant 0 : i32
        %dma_wait3A_455 = tpu.memref_slice %arg12[%select_n3A_443, %dma_wait3A_454] : memref<8x128xi32, #tpu.memory_space<vmem>> -> memref<1x128xi32, #tpu.memory_space<vmem>>
        %dma_wait3A_456 = arith.constant 0 : i32
        %dma_wait3A_457 = tpu.memref_slice %arg3[%dma_wait3A, %add3A_446, %dma_wait3A_456] : memref<2x2500x128xi32, #tpu.memory_space<hbm>> -> memref<1x1x128xi32, #tpu.memory_space<hbm>>
        %dma_wait3A_458 = tpu.memref_squeeze %dma_wait3A_457 : memref<1x1x128xi32, #tpu.memory_space<hbm>> -> memref<1x128xi32, #tpu.memory_space<hbm>>
        tpu.wait_dma2 semaphore(%dma_wait3A_453 : memref<!tpu.dma_semaphore, #tpu.memory_space<semaphore_mem>>) src(%dma_wait3A_458 : memref<1x128xi32, #tpu.memory_space<hbm>>) dst(%dma_wait3A_455 : memref<1x128xi32, #tpu.memory_space<vmem>>)
        %mul3A_459 = arith.constant 16 : i32
        %mul3A_460 = arith.muli %mul3A_459, %add3A_381 : i32
        %add3A_461 = arith.addi %arg1, %mul3A_460 : i32
        %dma_wait3A_462 = arith.constant 1 : i32
        %dma_wait3A_463 = arith.constant 0 : i32
        %dma_wait3A_464 = tpu.memref_slice %arg13[%select_n3A_443, %dma_wait3A_463] : memref<8x128xi32, #tpu.memory_space<vmem>> -> memref<1x128xi32, #tpu.memory_space<vmem>>
        %dma_wait3A_465 = arith.constant 0 : i32
        %dma_wait3A_466 = tpu.memref_slice %arg3[%dma_wait3A_462, %add3A_461, %dma_wait3A_465] : memref<2x2500x128xi32, #tpu.memory_space<hbm>> -> memref<1x1x128xi32, #tpu.memory_space<hbm>>
        %dma_wait3A_467 = tpu.memref_squeeze %dma_wait3A_466 : memref<1x1x128xi32, #tpu.memory_space<hbm>> -> memref<1x128xi32, #tpu.memory_space<hbm>>
        %dma_wait3A_468 = tpu.memref_slice %arg19[%select_n3A_443] : memref<8x!tpu.dma_semaphore, #tpu.memory_space<semaphore_mem>> -> memref<1x!tpu.dma_semaphore, #tpu.memory_space<semaphore_mem>>
        %dma_wait3A_469 = tpu.memref_squeeze %dma_wait3A_468 : memref<1x!tpu.dma_semaphore, #tpu.memory_space<semaphore_mem>> -> memref<!tpu.dma_semaphore, #tpu.memory_space<semaphore_mem>>
        %dma_wait3A_470 = arith.constant 0 : i32
        %dma_wait3A_471 = tpu.memref_slice %arg13[%select_n3A_443, %dma_wait3A_470] : memref<8x128xi32, #tpu.memory_space<vmem>> -> memref<1x128xi32, #tpu.memory_space<vmem>>
        %dma_wait3A_472 = arith.constant 0 : i32
        %dma_wait3A_473 = tpu.memref_slice %arg3[%dma_wait3A_462, %add3A_461, %dma_wait3A_472] : memref<2x2500x128xi32, #tpu.memory_space<hbm>> -> memref<1x1x128xi32, #tpu.memory_space<hbm>>
        %dma_wait3A_474 = tpu.memref_squeeze %dma_wait3A_473 : memref<1x1x128xi32, #tpu.memory_space<hbm>> -> memref<1x128xi32, #tpu.memory_space<hbm>>
        tpu.wait_dma2 semaphore(%dma_wait3A_469 : memref<!tpu.dma_semaphore, #tpu.memory_space<semaphore_mem>>) src(%dma_wait3A_474 : memref<1x128xi32, #tpu.memory_space<hbm>>) dst(%dma_wait3A_471 : memref<1x128xi32, #tpu.memory_space<vmem>>)
        %dma_start3A_475 = arith.constant 1 : i32
        %dma_start3A_476 = arith.constant 1 : i32
        %dma_start3A_477 = arith.constant 0 : i32
        %dma_start3A_478 = arith.constant 0 : i32
        %dma_start3A_479 = tpu.memref_slice %arg14[%dma_start3A_475, %dma_start3A_477, %dma_start3A_478] : memref<4x128x64xf32, #tpu.memory_space<vmem>> -> memref<1x128x64xf32, #tpu.memory_space<vmem>>
        %dma_start3A_480 = tpu.memref_squeeze %dma_start3A_479 : memref<1x128x64xf32, #tpu.memory_space<vmem>> -> memref<128x64xf32, #tpu.memory_space<vmem>>
        %dma_start3A_481 = arith.constant 0 : i32
        %dma_start3A_482 = tpu.memref_slice %arg12[%select_n3A_443, %dma_start3A_481] : memref<8x128xi32, #tpu.memory_space<vmem>> -> memref<1x128xi32, #tpu.memory_space<vmem>>
        %dma_start3A_483 = tpu.memref_squeeze %dma_start3A_482 : memref<1x128xi32, #tpu.memory_space<vmem>> -> memref<128xi32, #tpu.memory_space<vmem>>
        %dma_start3A_484 = arith.constant 0 : i32
        %dma_start3A_485 = arith.constant 0 : i32
        %dma_start3A_486 = tpu.memref_slice %arg9[%dma_start3A_484, %dma_start3A_485] : memref<10000x64xf32, #tpu.memory_space<vmem_shared>> -> memref<10000x64xf32, #tpu.memory_space<vmem_shared>>
        %dma_start3A_487 = tpu.memref_slice %arg18[%dma_start3A_476] : memref<4x!tpu.dma_semaphore, #tpu.memory_space<semaphore_mem>> -> memref<1x!tpu.dma_semaphore, #tpu.memory_space<semaphore_mem>>
        %dma_start3A_488 = tpu.memref_squeeze %dma_start3A_487 : memref<1x!tpu.dma_semaphore, #tpu.memory_space<semaphore_mem>> -> memref<!tpu.dma_semaphore, #tpu.memory_space<semaphore_mem>>
        tpu.enqueue_indirect_dma source(%dma_start3A_486 : memref<10000x64xf32, #tpu.memory_space<vmem_shared>>) target(%dma_start3A_480 : memref<128x64xf32, #tpu.memory_space<vmem>>) offsets(%dma_start3A_483 : memref<128xi32, #tpu.memory_space<vmem>>) semaphore(%dma_start3A_488 : memref<!tpu.dma_semaphore, #tpu.memory_space<semaphore_mem>>)
      } else {
      }
      %mul3A_395 = arith.constant 4 : i32
      %mul3A_396 = arith.muli %while3A_363, %mul3A_395 : i32
      %add3A_397 = arith.constant 2 : i32
      %add3A_398 = arith.addi %mul3A_396, %add3A_397 : i32
      %ge3A_399 = arith.constant 4 : i32
      %ge3A_400 = arith.cmpi sge, %add3A_398, %ge3A_399 : i32
      %sub3A_401 = arith.constant 4 : i32
      %sub3A_402 = arith.subi %add3A_398, %sub3A_401 : i32
      %lt3A_403 = arith.cmpi slt, %sub3A_402, %add3A_2 : i32
      %and3A_404 = arith.andi %ge3A_400, %lt3A_403 : i1
      %convert_element_type3A_405 = arith.extui %and3A_404 : i1 to i32
      %cond3A_406 = arith.constant 0 : i32
      %cond3A_407 = arith.cmpi ne, %convert_element_type3A_405, %cond3A_406 : i32
      scf.if %cond3A_407 {
        %sub3A_429 = arith.constant 4 : i32
        %sub3A_430 = arith.subi %add3A_398, %sub3A_429 : i32
        %jit3A_431 = arith.constant 8 : i32
        %eq3A = arith.constant 0 : i32
        %eq3A_432 = arith.cmpi eq, %jit3A_431, %eq3A : i32
        %jit3A_433 = arith.constant 1 : i32
        %select_n3A_434 = arith.select %eq3A_432, %jit3A_433, %jit3A_431 : i32
        %rem3A_435 = arith.remsi %sub3A_430, %select_n3A_434 : i32
        %ne3A_436 = arith.constant 0 : i32
        %ne3A_437 = arith.cmpi ne, %rem3A_435, %ne3A_436 : i32
        %lt3A_438 = arith.constant 0 : i32
        %lt3A_439 = arith.cmpi slt, %rem3A_435, %lt3A_438 : i32
        %lt3A_440 = arith.constant 0 : i32
        %lt3A_441 = arith.cmpi slt, %select_n3A_434, %lt3A_440 : i32
        %ne3A_442 = arith.xori %lt3A_439, %lt3A_441 : i1
        %and3A_443 = arith.andi %ne3A_442, %ne3A_437 : i1
        %add3A_444 = arith.addi %rem3A_435, %select_n3A_434 : i32
        %select_n3A_445 = arith.select %and3A_443, %add3A_444, %rem3A_435 : i32
        %dma_wait3A = arith.constant 2 : i32
        %dma_wait3A_446 = arith.constant 2 : i32
        %dma_wait3A_447 = arith.constant 0 : i32
        %dma_wait3A_448 = arith.constant 0 : i32
        %dma_wait3A_449 = tpu.memref_slice %arg14[%dma_wait3A, %dma_wait3A_447, %dma_wait3A_448] : memref<4x128x64xf32, #tpu.memory_space<vmem>> -> memref<1x128x64xf32, #tpu.memory_space<vmem>>
        %dma_wait3A_450 = tpu.memref_squeeze %dma_wait3A_449 : memref<1x128x64xf32, #tpu.memory_space<vmem>> -> memref<128x64xf32, #tpu.memory_space<vmem>>
        %dma_wait3A_451 = arith.constant 0 : i32
        %dma_wait3A_452 = tpu.memref_slice %arg12[%select_n3A_445, %dma_wait3A_451] : memref<8x128xi32, #tpu.memory_space<vmem>> -> memref<1x128xi32, #tpu.memory_space<vmem>>
        %dma_wait3A_453 = tpu.memref_squeeze %dma_wait3A_452 : memref<1x128xi32, #tpu.memory_space<vmem>> -> memref<128xi32, #tpu.memory_space<vmem>>
        %dma_wait3A_454 = arith.constant 0 : i32
        %dma_wait3A_455 = arith.constant 0 : i32
        %dma_wait3A_456 = tpu.memref_slice %arg9[%dma_wait3A_454, %dma_wait3A_455] : memref<10000x64xf32, #tpu.memory_space<vmem_shared>> -> memref<10000x64xf32, #tpu.memory_space<vmem_shared>>
        %dma_wait3A_457 = tpu.memref_slice %arg18[%dma_wait3A_446] : memref<4x!tpu.dma_semaphore, #tpu.memory_space<semaphore_mem>> -> memref<1x!tpu.dma_semaphore, #tpu.memory_space<semaphore_mem>>
        %dma_wait3A_458 = tpu.memref_squeeze %dma_wait3A_457 : memref<1x!tpu.dma_semaphore, #tpu.memory_space<semaphore_mem>> -> memref<!tpu.dma_semaphore, #tpu.memory_space<semaphore_mem>>
        tpu.wait_indirect_dma semaphore(%dma_wait3A_458 : memref<!tpu.dma_semaphore, #tpu.memory_space<semaphore_mem>>) src(%dma_wait3A_456 : memref<10000x64xf32, #tpu.memory_space<vmem_shared>>) dst(%dma_wait3A_450 : memref<128x64xf32, #tpu.memory_space<vmem>>)
        %run_scoped3A = arith.constant 2 : i32
        "tpu.region"() ({
          %run_scoped3A_470 = tpu.sem_alloc : memref<!tpu.dma_semaphore, #tpu.memory_space<semaphore_mem>>
          %dma_start3A_471 = arith.constant 0 : i32
          %dma_start3A_472 = arith.constant 0 : i32
          %dma_start3A_473 = tpu.memref_slice %arg14[%run_scoped3A, %dma_start3A_471, %dma_start3A_472] : memref<4x128x64xf32, #tpu.memory_space<vmem>> -> memref<1x128x64xf32, #tpu.memory_space<vmem>>
          %dma_start3A_474 = tpu.memref_squeeze %dma_start3A_473 : memref<1x128x64xf32, #tpu.memory_space<vmem>> -> memref<128x64xf32, #tpu.memory_space<vmem>>
          %dma_start3A_475 = arith.constant 0 : i32
          %dma_start3A_476 = tpu.memref_slice %arg13[%select_n3A_445, %dma_start3A_475] : memref<8x128xi32, #tpu.memory_space<vmem>> -> memref<1x128xi32, #tpu.memory_space<vmem>>
          %dma_start3A_477 = tpu.memref_squeeze %dma_start3A_476 : memref<1x128xi32, #tpu.memory_space<vmem>> -> memref<128xi32, #tpu.memory_space<vmem>>
          %dma_start3A_478 = arith.constant 0 : i32
          %dma_start3A_479 = arith.constant 0 : i32
          %dma_start3A_480 = tpu.memref_slice %arg10[%dma_start3A_478, %dma_start3A_479] : memref<10112x64xf32, #tpu.memory_space<vmem_shared>> -> memref<10112x64xf32, #tpu.memory_space<vmem_shared>>
          tpu.enqueue_indirect_dma source(%dma_start3A_474 : memref<128x64xf32, #tpu.memory_space<vmem>>) target(%dma_start3A_480 : memref<10112x64xf32, #tpu.memory_space<vmem_shared>>) offsets(%dma_start3A_477 : memref<128xi32, #tpu.memory_space<vmem>>) semaphore(%run_scoped3A_470 : memref<!tpu.dma_semaphore, #tpu.memory_space<semaphore_mem>>) {add = true}
          %dma_wait3A_481 = arith.constant 0 : i32
          %dma_wait3A_482 = arith.constant 0 : i32
          %dma_wait3A_483 = tpu.memref_slice %arg14[%run_scoped3A, %dma_wait3A_481, %dma_wait3A_482] : memref<4x128x64xf32, #tpu.memory_space<vmem>> -> memref<1x128x64xf32, #tpu.memory_space<vmem>>
          %dma_wait3A_484 = tpu.memref_squeeze %dma_wait3A_483 : memref<1x128x64xf32, #tpu.memory_space<vmem>> -> memref<128x64xf32, #tpu.memory_space<vmem>>
          %dma_wait3A_485 = arith.constant 0 : i32
          %dma_wait3A_486 = tpu.memref_slice %arg13[%select_n3A_445, %dma_wait3A_485] : memref<8x128xi32, #tpu.memory_space<vmem>> -> memref<1x128xi32, #tpu.memory_space<vmem>>
          %dma_wait3A_487 = tpu.memref_squeeze %dma_wait3A_486 : memref<1x128xi32, #tpu.memory_space<vmem>> -> memref<128xi32, #tpu.memory_space<vmem>>
          %dma_wait3A_488 = arith.constant 0 : i32
          %dma_wait3A_489 = arith.constant 0 : i32
          %dma_wait3A_490 = tpu.memref_slice %arg10[%dma_wait3A_488, %dma_wait3A_489] : memref<10112x64xf32, #tpu.memory_space<vmem_shared>> -> memref<10112x64xf32, #tpu.memory_space<vmem_shared>>
          tpu.wait_indirect_dma semaphore(%run_scoped3A_470 : memref<!tpu.dma_semaphore, #tpu.memory_space<semaphore_mem>>) src(%dma_wait3A_484 : memref<128x64xf32, #tpu.memory_space<vmem>>) dst(%dma_wait3A_490 : memref<10112x64xf32, #tpu.memory_space<vmem_shared>>)
          tpu.yield
        }) : () -> ()
        %eq3A_459 = arith.constant 0 : i32
        %eq3A_460 = arith.cmpi eq, %arg0, %eq3A_459 : i32
        %convert_element_type3A_461 = arith.extui %eq3A_460 : i1 to i32
        %cond3A_462 = arith.constant 0 : i32
        %cond3A_463 = arith.cmpi ne, %convert_element_type3A_461, %cond3A_462 : i32
        scf.if %cond3A_463 {
          "tpu.region"() ({
            %run_scoped3A_470 = tpu.sem_alloc : memref<!tpu.dma_semaphore, #tpu.memory_space<semaphore_mem>>
            %dma_start3A_471 = arith.constant 0 : i32
            %dma_start3A_472 = tpu.memref_slice %arg13[%select_n3A_445, %dma_start3A_471] : memref<8x128xi32, #tpu.memory_space<vmem>> -> memref<1x128xi32, #tpu.memory_space<vmem>>
            %dma_start3A_473 = tpu.memref_squeeze %dma_start3A_472 : memref<1x128xi32, #tpu.memory_space<vmem>> -> memref<128xi32, #tpu.memory_space<vmem>>
            %dma_start3A_474 = arith.constant 0 : i32
            %dma_start3A_475 = arith.constant 0 : i32
            %dma_start3A_476 = tpu.memref_slice %arg11[%dma_start3A_474, %dma_start3A_475] : memref<10112x8xf32, #tpu.memory_space<vmem_shared>> -> memref<10112x8xf32, #tpu.memory_space<vmem_shared>>
            tpu.enqueue_indirect_dma source(%arg15 : memref<128x8xf32, #tpu.memory_space<vmem>>) target(%dma_start3A_476 : memref<10112x8xf32, #tpu.memory_space<vmem_shared>>) offsets(%dma_start3A_473 : memref<128xi32, #tpu.memory_space<vmem>>) semaphore(%run_scoped3A_470 : memref<!tpu.dma_semaphore, #tpu.memory_space<semaphore_mem>>) {add = true}
            %dma_wait3A_477 = arith.constant 0 : i32
            %dma_wait3A_478 = tpu.memref_slice %arg13[%select_n3A_445, %dma_wait3A_477] : memref<8x128xi32, #tpu.memory_space<vmem>> -> memref<1x128xi32, #tpu.memory_space<vmem>>
            %dma_wait3A_479 = tpu.memref_squeeze %dma_wait3A_478 : memref<1x128xi32, #tpu.memory_space<vmem>> -> memref<128xi32, #tpu.memory_space<vmem>>
            %dma_wait3A_480 = arith.constant 0 : i32
            %dma_wait3A_481 = arith.constant 0 : i32
            %dma_wait3A_482 = tpu.memref_slice %arg11[%dma_wait3A_480, %dma_wait3A_481] : memref<10112x8xf32, #tpu.memory_space<vmem_shared>> -> memref<10112x8xf32, #tpu.memory_space<vmem_shared>>
            tpu.wait_indirect_dma semaphore(%run_scoped3A_470 : memref<!tpu.dma_semaphore, #tpu.memory_space<semaphore_mem>>) src(%arg15 : memref<128x8xf32, #tpu.memory_space<vmem>>) dst(%dma_wait3A_482 : memref<10112x8xf32, #tpu.memory_space<vmem_shared>>)
            tpu.yield
          }) : () -> ()
        } else {
        }
        %add3A_464 = arith.constant 4 : i32
        %add3A_465 = arith.addi %add3A_398, %add3A_464 : i32
        %lt3A_466 = arith.cmpi slt, %add3A_465, %add3A_2 : i32
        %convert_element_type3A_467 = arith.extui %lt3A_466 : i1 to i32
        %cond3A_468 = arith.constant 0 : i32
        %cond3A_469 = arith.cmpi ne, %convert_element_type3A_467, %cond3A_468 : i32
        scf.if %cond3A_469 {
          %add3A_470 = arith.constant 4 : i32
          %add3A_471 = arith.addi %add3A_398, %add3A_470 : i32
          %jit3A_472 = arith.constant 8 : i32
          %eq3A_473 = arith.constant 0 : i32
          %eq3A_474 = arith.cmpi eq, %jit3A_472, %eq3A_473 : i32
          %jit3A_475 = arith.constant 1 : i32
          %select_n3A_476 = arith.select %eq3A_474, %jit3A_475, %jit3A_472 : i32
          %rem3A_477 = arith.remsi %add3A_471, %select_n3A_476 : i32
          %ne3A_478 = arith.constant 0 : i32
          %ne3A_479 = arith.cmpi ne, %rem3A_477, %ne3A_478 : i32
          %lt3A_480 = arith.constant 0 : i32
          %lt3A_481 = arith.cmpi slt, %rem3A_477, %lt3A_480 : i32
          %lt3A_482 = arith.constant 0 : i32
          %lt3A_483 = arith.cmpi slt, %select_n3A_476, %lt3A_482 : i32
          %ne3A_484 = arith.xori %lt3A_481, %lt3A_483 : i1
          %and3A_485 = arith.andi %ne3A_484, %ne3A_479 : i1
          %add3A_486 = arith.addi %rem3A_477, %select_n3A_476 : i32
          %select_n3A_487 = arith.select %and3A_485, %add3A_486, %rem3A_477 : i32
          %mul3A_488 = arith.constant 16 : i32
          %mul3A_489 = arith.muli %mul3A_488, %add3A_471 : i32
          %add3A_490 = arith.addi %arg1, %mul3A_489 : i32
          %dma_start3A_491 = arith.constant 0 : i32
          %dma_start3A_492 = arith.constant 0 : i32
          %dma_start3A_493 = tpu.memref_slice %arg12[%select_n3A_487, %dma_start3A_492] : memref<8x128xi32, #tpu.memory_space<vmem>> -> memref<1x128xi32, #tpu.memory_space<vmem>>
          %dma_start3A_494 = arith.constant 0 : i32
          %dma_start3A_495 = tpu.memref_slice %arg3[%dma_start3A_491, %add3A_490, %dma_start3A_494] : memref<2x2500x128xi32, #tpu.memory_space<hbm>> -> memref<1x1x128xi32, #tpu.memory_space<hbm>>
          %dma_start3A_496 = tpu.memref_squeeze %dma_start3A_495 : memref<1x1x128xi32, #tpu.memory_space<hbm>> -> memref<1x128xi32, #tpu.memory_space<hbm>>
          %dma_start3A_497 = tpu.memref_slice %arg19[%select_n3A_487] : memref<8x!tpu.dma_semaphore, #tpu.memory_space<semaphore_mem>> -> memref<1x!tpu.dma_semaphore, #tpu.memory_space<semaphore_mem>>
          %dma_start3A_498 = tpu.memref_squeeze %dma_start3A_497 : memref<1x!tpu.dma_semaphore, #tpu.memory_space<semaphore_mem>> -> memref<!tpu.dma_semaphore, #tpu.memory_space<semaphore_mem>>
          %dma_start3A_499 = arith.constant 0 : i32
          %dma_start3A_500 = tpu.memref_slice %arg12[%select_n3A_487, %dma_start3A_499] : memref<8x128xi32, #tpu.memory_space<vmem>> -> memref<1x128xi32, #tpu.memory_space<vmem>>
          %dma_start3A_501 = arith.constant 0 : i32
          %dma_start3A_502 = tpu.memref_slice %arg3[%dma_start3A_491, %add3A_490, %dma_start3A_501] : memref<2x2500x128xi32, #tpu.memory_space<hbm>> -> memref<1x1x128xi32, #tpu.memory_space<hbm>>
          %dma_start3A_503 = tpu.memref_squeeze %dma_start3A_502 : memref<1x1x128xi32, #tpu.memory_space<hbm>> -> memref<1x128xi32, #tpu.memory_space<hbm>>
          tpu.enqueue_dma source(%dma_start3A_503 : memref<1x128xi32, #tpu.memory_space<hbm>>) target(%dma_start3A_500 : memref<1x128xi32, #tpu.memory_space<vmem>>) target_semaphore(%dma_start3A_498 : memref<!tpu.dma_semaphore, #tpu.memory_space<semaphore_mem>>)
          %mul3A_504 = arith.constant 16 : i32
          %mul3A_505 = arith.muli %mul3A_504, %add3A_471 : i32
          %add3A_506 = arith.addi %arg1, %mul3A_505 : i32
          %dma_start3A_507 = arith.constant 1 : i32
          %dma_start3A_508 = arith.constant 0 : i32
          %dma_start3A_509 = tpu.memref_slice %arg13[%select_n3A_487, %dma_start3A_508] : memref<8x128xi32, #tpu.memory_space<vmem>> -> memref<1x128xi32, #tpu.memory_space<vmem>>
          %dma_start3A_510 = arith.constant 0 : i32
          %dma_start3A_511 = tpu.memref_slice %arg3[%dma_start3A_507, %add3A_506, %dma_start3A_510] : memref<2x2500x128xi32, #tpu.memory_space<hbm>> -> memref<1x1x128xi32, #tpu.memory_space<hbm>>
          %dma_start3A_512 = tpu.memref_squeeze %dma_start3A_511 : memref<1x1x128xi32, #tpu.memory_space<hbm>> -> memref<1x128xi32, #tpu.memory_space<hbm>>
          %dma_start3A_513 = tpu.memref_slice %arg19[%select_n3A_487] : memref<8x!tpu.dma_semaphore, #tpu.memory_space<semaphore_mem>> -> memref<1x!tpu.dma_semaphore, #tpu.memory_space<semaphore_mem>>
          %dma_start3A_514 = tpu.memref_squeeze %dma_start3A_513 : memref<1x!tpu.dma_semaphore, #tpu.memory_space<semaphore_mem>> -> memref<!tpu.dma_semaphore, #tpu.memory_space<semaphore_mem>>
          %dma_start3A_515 = arith.constant 0 : i32
          %dma_start3A_516 = tpu.memref_slice %arg13[%select_n3A_487, %dma_start3A_515] : memref<8x128xi32, #tpu.memory_space<vmem>> -> memref<1x128xi32, #tpu.memory_space<vmem>>
          %dma_start3A_517 = arith.constant 0 : i32
          %dma_start3A_518 = tpu.memref_slice %arg3[%dma_start3A_507, %add3A_506, %dma_start3A_517] : memref<2x2500x128xi32, #tpu.memory_space<hbm>> -> memref<1x1x128xi32, #tpu.memory_space<hbm>>
          %dma_start3A_519 = tpu.memref_squeeze %dma_start3A_518 : memref<1x1x128xi32, #tpu.memory_space<hbm>> -> memref<1x128xi32, #tpu.memory_space<hbm>>
          tpu.enqueue_dma source(%dma_start3A_519 : memref<1x128xi32, #tpu.memory_space<hbm>>) target(%dma_start3A_516 : memref<1x128xi32, #tpu.memory_space<vmem>>) target_semaphore(%dma_start3A_514 : memref<!tpu.dma_semaphore, #tpu.memory_space<semaphore_mem>>)
        } else {
        }
      } else {
      }
      %lt3A_408 = arith.cmpi slt, %add3A_398, %add3A_2 : i32
      %convert_element_type3A_409 = arith.extui %lt3A_408 : i1 to i32
      %cond3A_410 = arith.constant 0 : i32
      %cond3A_411 = arith.cmpi ne, %convert_element_type3A_409, %cond3A_410 : i32
      scf.if %cond3A_411 {
        %jit3A_429 = arith.constant 8 : i32
        %eq3A = arith.constant 0 : i32
        %eq3A_430 = arith.cmpi eq, %jit3A_429, %eq3A : i32
        %jit3A_431 = arith.constant 1 : i32
        %select_n3A_432 = arith.select %eq3A_430, %jit3A_431, %jit3A_429 : i32
        %rem3A_433 = arith.remsi %add3A_398, %select_n3A_432 : i32
        %ne3A_434 = arith.constant 0 : i32
        %ne3A_435 = arith.cmpi ne, %rem3A_433, %ne3A_434 : i32
        %lt3A_436 = arith.constant 0 : i32
        %lt3A_437 = arith.cmpi slt, %rem3A_433, %lt3A_436 : i32
        %lt3A_438 = arith.constant 0 : i32
        %lt3A_439 = arith.cmpi slt, %select_n3A_432, %lt3A_438 : i32
        %ne3A_440 = arith.xori %lt3A_437, %lt3A_439 : i1
        %and3A_441 = arith.andi %ne3A_440, %ne3A_435 : i1
        %add3A_442 = arith.addi %rem3A_433, %select_n3A_432 : i32
        %select_n3A_443 = arith.select %and3A_441, %add3A_442, %rem3A_433 : i32
        %mul3A_444 = arith.constant 16 : i32
        %mul3A_445 = arith.muli %mul3A_444, %add3A_398 : i32
        %add3A_446 = arith.addi %arg1, %mul3A_445 : i32
        %dma_wait3A = arith.constant 0 : i32
        %dma_wait3A_447 = arith.constant 0 : i32
        %dma_wait3A_448 = tpu.memref_slice %arg12[%select_n3A_443, %dma_wait3A_447] : memref<8x128xi32, #tpu.memory_space<vmem>> -> memref<1x128xi32, #tpu.memory_space<vmem>>
        %dma_wait3A_449 = arith.constant 0 : i32
        %dma_wait3A_450 = tpu.memref_slice %arg3[%dma_wait3A, %add3A_446, %dma_wait3A_449] : memref<2x2500x128xi32, #tpu.memory_space<hbm>> -> memref<1x1x128xi32, #tpu.memory_space<hbm>>
        %dma_wait3A_451 = tpu.memref_squeeze %dma_wait3A_450 : memref<1x1x128xi32, #tpu.memory_space<hbm>> -> memref<1x128xi32, #tpu.memory_space<hbm>>
        %dma_wait3A_452 = tpu.memref_slice %arg19[%select_n3A_443] : memref<8x!tpu.dma_semaphore, #tpu.memory_space<semaphore_mem>> -> memref<1x!tpu.dma_semaphore, #tpu.memory_space<semaphore_mem>>
        %dma_wait3A_453 = tpu.memref_squeeze %dma_wait3A_452 : memref<1x!tpu.dma_semaphore, #tpu.memory_space<semaphore_mem>> -> memref<!tpu.dma_semaphore, #tpu.memory_space<semaphore_mem>>
        %dma_wait3A_454 = arith.constant 0 : i32
        %dma_wait3A_455 = tpu.memref_slice %arg12[%select_n3A_443, %dma_wait3A_454] : memref<8x128xi32, #tpu.memory_space<vmem>> -> memref<1x128xi32, #tpu.memory_space<vmem>>
        %dma_wait3A_456 = arith.constant 0 : i32
        %dma_wait3A_457 = tpu.memref_slice %arg3[%dma_wait3A, %add3A_446, %dma_wait3A_456] : memref<2x2500x128xi32, #tpu.memory_space<hbm>> -> memref<1x1x128xi32, #tpu.memory_space<hbm>>
        %dma_wait3A_458 = tpu.memref_squeeze %dma_wait3A_457 : memref<1x1x128xi32, #tpu.memory_space<hbm>> -> memref<1x128xi32, #tpu.memory_space<hbm>>
        tpu.wait_dma2 semaphore(%dma_wait3A_453 : memref<!tpu.dma_semaphore, #tpu.memory_space<semaphore_mem>>) src(%dma_wait3A_458 : memref<1x128xi32, #tpu.memory_space<hbm>>) dst(%dma_wait3A_455 : memref<1x128xi32, #tpu.memory_space<vmem>>)
        %mul3A_459 = arith.constant 16 : i32
        %mul3A_460 = arith.muli %mul3A_459, %add3A_398 : i32
        %add3A_461 = arith.addi %arg1, %mul3A_460 : i32
        %dma_wait3A_462 = arith.constant 1 : i32
        %dma_wait3A_463 = arith.constant 0 : i32
        %dma_wait3A_464 = tpu.memref_slice %arg13[%select_n3A_443, %dma_wait3A_463] : memref<8x128xi32, #tpu.memory_space<vmem>> -> memref<1x128xi32, #tpu.memory_space<vmem>>
        %dma_wait3A_465 = arith.constant 0 : i32
        %dma_wait3A_466 = tpu.memref_slice %arg3[%dma_wait3A_462, %add3A_461, %dma_wait3A_465] : memref<2x2500x128xi32, #tpu.memory_space<hbm>> -> memref<1x1x128xi32, #tpu.memory_space<hbm>>
        %dma_wait3A_467 = tpu.memref_squeeze %dma_wait3A_466 : memref<1x1x128xi32, #tpu.memory_space<hbm>> -> memref<1x128xi32, #tpu.memory_space<hbm>>
        %dma_wait3A_468 = tpu.memref_slice %arg19[%select_n3A_443] : memref<8x!tpu.dma_semaphore, #tpu.memory_space<semaphore_mem>> -> memref<1x!tpu.dma_semaphore, #tpu.memory_space<semaphore_mem>>
        %dma_wait3A_469 = tpu.memref_squeeze %dma_wait3A_468 : memref<1x!tpu.dma_semaphore, #tpu.memory_space<semaphore_mem>> -> memref<!tpu.dma_semaphore, #tpu.memory_space<semaphore_mem>>
        %dma_wait3A_470 = arith.constant 0 : i32
        %dma_wait3A_471 = tpu.memref_slice %arg13[%select_n3A_443, %dma_wait3A_470] : memref<8x128xi32, #tpu.memory_space<vmem>> -> memref<1x128xi32, #tpu.memory_space<vmem>>
        %dma_wait3A_472 = arith.constant 0 : i32
        %dma_wait3A_473 = tpu.memref_slice %arg3[%dma_wait3A_462, %add3A_461, %dma_wait3A_472] : memref<2x2500x128xi32, #tpu.memory_space<hbm>> -> memref<1x1x128xi32, #tpu.memory_space<hbm>>
        %dma_wait3A_474 = tpu.memref_squeeze %dma_wait3A_473 : memref<1x1x128xi32, #tpu.memory_space<hbm>> -> memref<1x128xi32, #tpu.memory_space<hbm>>
        tpu.wait_dma2 semaphore(%dma_wait3A_469 : memref<!tpu.dma_semaphore, #tpu.memory_space<semaphore_mem>>) src(%dma_wait3A_474 : memref<1x128xi32, #tpu.memory_space<hbm>>) dst(%dma_wait3A_471 : memref<1x128xi32, #tpu.memory_space<vmem>>)
        %dma_start3A_475 = arith.constant 2 : i32
        %dma_start3A_476 = arith.constant 2 : i32
        %dma_start3A_477 = arith.constant 0 : i32
        %dma_start3A_478 = arith.constant 0 : i32
        %dma_start3A_479 = tpu.memref_slice %arg14[%dma_start3A_475, %dma_start3A_477, %dma_start3A_478] : memref<4x128x64xf32, #tpu.memory_space<vmem>> -> memref<1x128x64xf32, #tpu.memory_space<vmem>>
        %dma_start3A_480 = tpu.memref_squeeze %dma_start3A_479 : memref<1x128x64xf32, #tpu.memory_space<vmem>> -> memref<128x64xf32, #tpu.memory_space<vmem>>
        %dma_start3A_481 = arith.constant 0 : i32
        %dma_start3A_482 = tpu.memref_slice %arg12[%select_n3A_443, %dma_start3A_481] : memref<8x128xi32, #tpu.memory_space<vmem>> -> memref<1x128xi32, #tpu.memory_space<vmem>>
        %dma_start3A_483 = tpu.memref_squeeze %dma_start3A_482 : memref<1x128xi32, #tpu.memory_space<vmem>> -> memref<128xi32, #tpu.memory_space<vmem>>
        %dma_start3A_484 = arith.constant 0 : i32
        %dma_start3A_485 = arith.constant 0 : i32
        %dma_start3A_486 = tpu.memref_slice %arg9[%dma_start3A_484, %dma_start3A_485] : memref<10000x64xf32, #tpu.memory_space<vmem_shared>> -> memref<10000x64xf32, #tpu.memory_space<vmem_shared>>
        %dma_start3A_487 = tpu.memref_slice %arg18[%dma_start3A_476] : memref<4x!tpu.dma_semaphore, #tpu.memory_space<semaphore_mem>> -> memref<1x!tpu.dma_semaphore, #tpu.memory_space<semaphore_mem>>
        %dma_start3A_488 = tpu.memref_squeeze %dma_start3A_487 : memref<1x!tpu.dma_semaphore, #tpu.memory_space<semaphore_mem>> -> memref<!tpu.dma_semaphore, #tpu.memory_space<semaphore_mem>>
        tpu.enqueue_indirect_dma source(%dma_start3A_486 : memref<10000x64xf32, #tpu.memory_space<vmem_shared>>) target(%dma_start3A_480 : memref<128x64xf32, #tpu.memory_space<vmem>>) offsets(%dma_start3A_483 : memref<128xi32, #tpu.memory_space<vmem>>) semaphore(%dma_start3A_488 : memref<!tpu.dma_semaphore, #tpu.memory_space<semaphore_mem>>)
      } else {
      }
      %mul3A_412 = arith.constant 4 : i32
      %mul3A_413 = arith.muli %while3A_363, %mul3A_412 : i32
      %add3A_414 = arith.constant 3 : i32
      %add3A_415 = arith.addi %mul3A_413, %add3A_414 : i32
      %ge3A_416 = arith.constant 4 : i32
      %ge3A_417 = arith.cmpi sge, %add3A_415, %ge3A_416 : i32
      %sub3A_418 = arith.constant 4 : i32
      %sub3A_419 = arith.subi %add3A_415, %sub3A_418 : i32
      %lt3A_420 = arith.cmpi slt, %sub3A_419, %add3A_2 : i32
      %and3A_421 = arith.andi %ge3A_417, %lt3A_420 : i1
      %convert_element_type3A_422 = arith.extui %and3A_421 : i1 to i32
      %cond3A_423 = arith.constant 0 : i32
      %cond3A_424 = arith.cmpi ne, %convert_element_type3A_422, %cond3A_423 : i32
      scf.if %cond3A_424 {
        %sub3A_429 = arith.constant 4 : i32
        %sub3A_430 = arith.subi %add3A_415, %sub3A_429 : i32
        %jit3A_431 = arith.constant 8 : i32
        %eq3A = arith.constant 0 : i32
        %eq3A_432 = arith.cmpi eq, %jit3A_431, %eq3A : i32
        %jit3A_433 = arith.constant 1 : i32
        %select_n3A_434 = arith.select %eq3A_432, %jit3A_433, %jit3A_431 : i32
        %rem3A_435 = arith.remsi %sub3A_430, %select_n3A_434 : i32
        %ne3A_436 = arith.constant 0 : i32
        %ne3A_437 = arith.cmpi ne, %rem3A_435, %ne3A_436 : i32
        %lt3A_438 = arith.constant 0 : i32
        %lt3A_439 = arith.cmpi slt, %rem3A_435, %lt3A_438 : i32
        %lt3A_440 = arith.constant 0 : i32
        %lt3A_441 = arith.cmpi slt, %select_n3A_434, %lt3A_440 : i32
        %ne3A_442 = arith.xori %lt3A_439, %lt3A_441 : i1
        %and3A_443 = arith.andi %ne3A_442, %ne3A_437 : i1
        %add3A_444 = arith.addi %rem3A_435, %select_n3A_434 : i32
        %select_n3A_445 = arith.select %and3A_443, %add3A_444, %rem3A_435 : i32
        %dma_wait3A = arith.constant 3 : i32
        %dma_wait3A_446 = arith.constant 3 : i32
        %dma_wait3A_447 = arith.constant 0 : i32
        %dma_wait3A_448 = arith.constant 0 : i32
        %dma_wait3A_449 = tpu.memref_slice %arg14[%dma_wait3A, %dma_wait3A_447, %dma_wait3A_448] : memref<4x128x64xf32, #tpu.memory_space<vmem>> -> memref<1x128x64xf32, #tpu.memory_space<vmem>>
        %dma_wait3A_450 = tpu.memref_squeeze %dma_wait3A_449 : memref<1x128x64xf32, #tpu.memory_space<vmem>> -> memref<128x64xf32, #tpu.memory_space<vmem>>
        %dma_wait3A_451 = arith.constant 0 : i32
        %dma_wait3A_452 = tpu.memref_slice %arg12[%select_n3A_445, %dma_wait3A_451] : memref<8x128xi32, #tpu.memory_space<vmem>> -> memref<1x128xi32, #tpu.memory_space<vmem>>
        %dma_wait3A_453 = tpu.memref_squeeze %dma_wait3A_452 : memref<1x128xi32, #tpu.memory_space<vmem>> -> memref<128xi32, #tpu.memory_space<vmem>>
        %dma_wait3A_454 = arith.constant 0 : i32
        %dma_wait3A_455 = arith.constant 0 : i32
        %dma_wait3A_456 = tpu.memref_slice %arg9[%dma_wait3A_454, %dma_wait3A_455] : memref<10000x64xf32, #tpu.memory_space<vmem_shared>> -> memref<10000x64xf32, #tpu.memory_space<vmem_shared>>
        %dma_wait3A_457 = tpu.memref_slice %arg18[%dma_wait3A_446] : memref<4x!tpu.dma_semaphore, #tpu.memory_space<semaphore_mem>> -> memref<1x!tpu.dma_semaphore, #tpu.memory_space<semaphore_mem>>
        %dma_wait3A_458 = tpu.memref_squeeze %dma_wait3A_457 : memref<1x!tpu.dma_semaphore, #tpu.memory_space<semaphore_mem>> -> memref<!tpu.dma_semaphore, #tpu.memory_space<semaphore_mem>>
        tpu.wait_indirect_dma semaphore(%dma_wait3A_458 : memref<!tpu.dma_semaphore, #tpu.memory_space<semaphore_mem>>) src(%dma_wait3A_456 : memref<10000x64xf32, #tpu.memory_space<vmem_shared>>) dst(%dma_wait3A_450 : memref<128x64xf32, #tpu.memory_space<vmem>>)
        %run_scoped3A = arith.constant 3 : i32
        "tpu.region"() ({
          %run_scoped3A_470 = tpu.sem_alloc : memref<!tpu.dma_semaphore, #tpu.memory_space<semaphore_mem>>
          %dma_start3A_471 = arith.constant 0 : i32
          %dma_start3A_472 = arith.constant 0 : i32
          %dma_start3A_473 = tpu.memref_slice %arg14[%run_scoped3A, %dma_start3A_471, %dma_start3A_472] : memref<4x128x64xf32, #tpu.memory_space<vmem>> -> memref<1x128x64xf32, #tpu.memory_space<vmem>>
          %dma_start3A_474 = tpu.memref_squeeze %dma_start3A_473 : memref<1x128x64xf32, #tpu.memory_space<vmem>> -> memref<128x64xf32, #tpu.memory_space<vmem>>
          %dma_start3A_475 = arith.constant 0 : i32
          %dma_start3A_476 = tpu.memref_slice %arg13[%select_n3A_445, %dma_start3A_475] : memref<8x128xi32, #tpu.memory_space<vmem>> -> memref<1x128xi32, #tpu.memory_space<vmem>>
          %dma_start3A_477 = tpu.memref_squeeze %dma_start3A_476 : memref<1x128xi32, #tpu.memory_space<vmem>> -> memref<128xi32, #tpu.memory_space<vmem>>
          %dma_start3A_478 = arith.constant 0 : i32
          %dma_start3A_479 = arith.constant 0 : i32
          %dma_start3A_480 = tpu.memref_slice %arg10[%dma_start3A_478, %dma_start3A_479] : memref<10112x64xf32, #tpu.memory_space<vmem_shared>> -> memref<10112x64xf32, #tpu.memory_space<vmem_shared>>
          tpu.enqueue_indirect_dma source(%dma_start3A_474 : memref<128x64xf32, #tpu.memory_space<vmem>>) target(%dma_start3A_480 : memref<10112x64xf32, #tpu.memory_space<vmem_shared>>) offsets(%dma_start3A_477 : memref<128xi32, #tpu.memory_space<vmem>>) semaphore(%run_scoped3A_470 : memref<!tpu.dma_semaphore, #tpu.memory_space<semaphore_mem>>) {add = true}
          %dma_wait3A_481 = arith.constant 0 : i32
          %dma_wait3A_482 = arith.constant 0 : i32
          %dma_wait3A_483 = tpu.memref_slice %arg14[%run_scoped3A, %dma_wait3A_481, %dma_wait3A_482] : memref<4x128x64xf32, #tpu.memory_space<vmem>> -> memref<1x128x64xf32, #tpu.memory_space<vmem>>
          %dma_wait3A_484 = tpu.memref_squeeze %dma_wait3A_483 : memref<1x128x64xf32, #tpu.memory_space<vmem>> -> memref<128x64xf32, #tpu.memory_space<vmem>>
          %dma_wait3A_485 = arith.constant 0 : i32
          %dma_wait3A_486 = tpu.memref_slice %arg13[%select_n3A_445, %dma_wait3A_485] : memref<8x128xi32, #tpu.memory_space<vmem>> -> memref<1x128xi32, #tpu.memory_space<vmem>>
          %dma_wait3A_487 = tpu.memref_squeeze %dma_wait3A_486 : memref<1x128xi32, #tpu.memory_space<vmem>> -> memref<128xi32, #tpu.memory_space<vmem>>
          %dma_wait3A_488 = arith.constant 0 : i32
          %dma_wait3A_489 = arith.constant 0 : i32
          %dma_wait3A_490 = tpu.memref_slice %arg10[%dma_wait3A_488, %dma_wait3A_489] : memref<10112x64xf32, #tpu.memory_space<vmem_shared>> -> memref<10112x64xf32, #tpu.memory_space<vmem_shared>>
          tpu.wait_indirect_dma semaphore(%run_scoped3A_470 : memref<!tpu.dma_semaphore, #tpu.memory_space<semaphore_mem>>) src(%dma_wait3A_484 : memref<128x64xf32, #tpu.memory_space<vmem>>) dst(%dma_wait3A_490 : memref<10112x64xf32, #tpu.memory_space<vmem_shared>>)
          tpu.yield
        }) : () -> ()
        %eq3A_459 = arith.constant 1 : i32
        %eq3A_460 = arith.cmpi eq, %arg0, %eq3A_459 : i32
        %convert_element_type3A_461 = arith.extui %eq3A_460 : i1 to i32
        %cond3A_462 = arith.constant 0 : i32
        %cond3A_463 = arith.cmpi ne, %convert_element_type3A_461, %cond3A_462 : i32
        scf.if %cond3A_463 {
          "tpu.region"() ({
            %run_scoped3A_470 = tpu.sem_alloc : memref<!tpu.dma_semaphore, #tpu.memory_space<semaphore_mem>>
            %dma_start3A_471 = arith.constant 0 : i32
            %dma_start3A_472 = tpu.memref_slice %arg13[%select_n3A_445, %dma_start3A_471] : memref<8x128xi32, #tpu.memory_space<vmem>> -> memref<1x128xi32, #tpu.memory_space<vmem>>
            %dma_start3A_473 = tpu.memref_squeeze %dma_start3A_472 : memref<1x128xi32, #tpu.memory_space<vmem>> -> memref<128xi32, #tpu.memory_space<vmem>>
            %dma_start3A_474 = arith.constant 0 : i32
            %dma_start3A_475 = arith.constant 0 : i32
            %dma_start3A_476 = tpu.memref_slice %arg11[%dma_start3A_474, %dma_start3A_475] : memref<10112x8xf32, #tpu.memory_space<vmem_shared>> -> memref<10112x8xf32, #tpu.memory_space<vmem_shared>>
            tpu.enqueue_indirect_dma source(%arg15 : memref<128x8xf32, #tpu.memory_space<vmem>>) target(%dma_start3A_476 : memref<10112x8xf32, #tpu.memory_space<vmem_shared>>) offsets(%dma_start3A_473 : memref<128xi32, #tpu.memory_space<vmem>>) semaphore(%run_scoped3A_470 : memref<!tpu.dma_semaphore, #tpu.memory_space<semaphore_mem>>) {add = true}
            %dma_wait3A_477 = arith.constant 0 : i32
            %dma_wait3A_478 = tpu.memref_slice %arg13[%select_n3A_445, %dma_wait3A_477] : memref<8x128xi32, #tpu.memory_space<vmem>> -> memref<1x128xi32, #tpu.memory_space<vmem>>
            %dma_wait3A_479 = tpu.memref_squeeze %dma_wait3A_478 : memref<1x128xi32, #tpu.memory_space<vmem>> -> memref<128xi32, #tpu.memory_space<vmem>>
            %dma_wait3A_480 = arith.constant 0 : i32
            %dma_wait3A_481 = arith.constant 0 : i32
            %dma_wait3A_482 = tpu.memref_slice %arg11[%dma_wait3A_480, %dma_wait3A_481] : memref<10112x8xf32, #tpu.memory_space<vmem_shared>> -> memref<10112x8xf32, #tpu.memory_space<vmem_shared>>
            tpu.wait_indirect_dma semaphore(%run_scoped3A_470 : memref<!tpu.dma_semaphore, #tpu.memory_space<semaphore_mem>>) src(%arg15 : memref<128x8xf32, #tpu.memory_space<vmem>>) dst(%dma_wait3A_482 : memref<10112x8xf32, #tpu.memory_space<vmem_shared>>)
            tpu.yield
          }) : () -> ()
        } else {
        }
        %add3A_464 = arith.constant 4 : i32
        %add3A_465 = arith.addi %add3A_415, %add3A_464 : i32
        %lt3A_466 = arith.cmpi slt, %add3A_465, %add3A_2 : i32
        %convert_element_type3A_467 = arith.extui %lt3A_466 : i1 to i32
        %cond3A_468 = arith.constant 0 : i32
        %cond3A_469 = arith.cmpi ne, %convert_element_type3A_467, %cond3A_468 : i32
        scf.if %cond3A_469 {
          %add3A_470 = arith.constant 4 : i32
          %add3A_471 = arith.addi %add3A_415, %add3A_470 : i32
          %jit3A_472 = arith.constant 8 : i32
          %eq3A_473 = arith.constant 0 : i32
          %eq3A_474 = arith.cmpi eq, %jit3A_472, %eq3A_473 : i32
          %jit3A_475 = arith.constant 1 : i32
          %select_n3A_476 = arith.select %eq3A_474, %jit3A_475, %jit3A_472 : i32
          %rem3A_477 = arith.remsi %add3A_471, %select_n3A_476 : i32
          %ne3A_478 = arith.constant 0 : i32
          %ne3A_479 = arith.cmpi ne, %rem3A_477, %ne3A_478 : i32
          %lt3A_480 = arith.constant 0 : i32
          %lt3A_481 = arith.cmpi slt, %rem3A_477, %lt3A_480 : i32
          %lt3A_482 = arith.constant 0 : i32
          %lt3A_483 = arith.cmpi slt, %select_n3A_476, %lt3A_482 : i32
          %ne3A_484 = arith.xori %lt3A_481, %lt3A_483 : i1
          %and3A_485 = arith.andi %ne3A_484, %ne3A_479 : i1
          %add3A_486 = arith.addi %rem3A_477, %select_n3A_476 : i32
          %select_n3A_487 = arith.select %and3A_485, %add3A_486, %rem3A_477 : i32
          %mul3A_488 = arith.constant 16 : i32
          %mul3A_489 = arith.muli %mul3A_488, %add3A_471 : i32
          %add3A_490 = arith.addi %arg1, %mul3A_489 : i32
          %dma_start3A_491 = arith.constant 0 : i32
          %dma_start3A_492 = arith.constant 0 : i32
          %dma_start3A_493 = tpu.memref_slice %arg12[%select_n3A_487, %dma_start3A_492] : memref<8x128xi32, #tpu.memory_space<vmem>> -> memref<1x128xi32, #tpu.memory_space<vmem>>
          %dma_start3A_494 = arith.constant 0 : i32
          %dma_start3A_495 = tpu.memref_slice %arg3[%dma_start3A_491, %add3A_490, %dma_start3A_494] : memref<2x2500x128xi32, #tpu.memory_space<hbm>> -> memref<1x1x128xi32, #tpu.memory_space<hbm>>
          %dma_start3A_496 = tpu.memref_squeeze %dma_start3A_495 : memref<1x1x128xi32, #tpu.memory_space<hbm>> -> memref<1x128xi32, #tpu.memory_space<hbm>>
          %dma_start3A_497 = tpu.memref_slice %arg19[%select_n3A_487] : memref<8x!tpu.dma_semaphore, #tpu.memory_space<semaphore_mem>> -> memref<1x!tpu.dma_semaphore, #tpu.memory_space<semaphore_mem>>
          %dma_start3A_498 = tpu.memref_squeeze %dma_start3A_497 : memref<1x!tpu.dma_semaphore, #tpu.memory_space<semaphore_mem>> -> memref<!tpu.dma_semaphore, #tpu.memory_space<semaphore_mem>>
          %dma_start3A_499 = arith.constant 0 : i32
          %dma_start3A_500 = tpu.memref_slice %arg12[%select_n3A_487, %dma_start3A_499] : memref<8x128xi32, #tpu.memory_space<vmem>> -> memref<1x128xi32, #tpu.memory_space<vmem>>
          %dma_start3A_501 = arith.constant 0 : i32
          %dma_start3A_502 = tpu.memref_slice %arg3[%dma_start3A_491, %add3A_490, %dma_start3A_501] : memref<2x2500x128xi32, #tpu.memory_space<hbm>> -> memref<1x1x128xi32, #tpu.memory_space<hbm>>
          %dma_start3A_503 = tpu.memref_squeeze %dma_start3A_502 : memref<1x1x128xi32, #tpu.memory_space<hbm>> -> memref<1x128xi32, #tpu.memory_space<hbm>>
          tpu.enqueue_dma source(%dma_start3A_503 : memref<1x128xi32, #tpu.memory_space<hbm>>) target(%dma_start3A_500 : memref<1x128xi32, #tpu.memory_space<vmem>>) target_semaphore(%dma_start3A_498 : memref<!tpu.dma_semaphore, #tpu.memory_space<semaphore_mem>>)
          %mul3A_504 = arith.constant 16 : i32
          %mul3A_505 = arith.muli %mul3A_504, %add3A_471 : i32
          %add3A_506 = arith.addi %arg1, %mul3A_505 : i32
          %dma_start3A_507 = arith.constant 1 : i32
          %dma_start3A_508 = arith.constant 0 : i32
          %dma_start3A_509 = tpu.memref_slice %arg13[%select_n3A_487, %dma_start3A_508] : memref<8x128xi32, #tpu.memory_space<vmem>> -> memref<1x128xi32, #tpu.memory_space<vmem>>
          %dma_start3A_510 = arith.constant 0 : i32
          %dma_start3A_511 = tpu.memref_slice %arg3[%dma_start3A_507, %add3A_506, %dma_start3A_510] : memref<2x2500x128xi32, #tpu.memory_space<hbm>> -> memref<1x1x128xi32, #tpu.memory_space<hbm>>
          %dma_start3A_512 = tpu.memref_squeeze %dma_start3A_511 : memref<1x1x128xi32, #tpu.memory_space<hbm>> -> memref<1x128xi32, #tpu.memory_space<hbm>>
          %dma_start3A_513 = tpu.memref_slice %arg19[%select_n3A_487] : memref<8x!tpu.dma_semaphore, #tpu.memory_space<semaphore_mem>> -> memref<1x!tpu.dma_semaphore, #tpu.memory_space<semaphore_mem>>
          %dma_start3A_514 = tpu.memref_squeeze %dma_start3A_513 : memref<1x!tpu.dma_semaphore, #tpu.memory_space<semaphore_mem>> -> memref<!tpu.dma_semaphore, #tpu.memory_space<semaphore_mem>>
          %dma_start3A_515 = arith.constant 0 : i32
          %dma_start3A_516 = tpu.memref_slice %arg13[%select_n3A_487, %dma_start3A_515] : memref<8x128xi32, #tpu.memory_space<vmem>> -> memref<1x128xi32, #tpu.memory_space<vmem>>
          %dma_start3A_517 = arith.constant 0 : i32
          %dma_start3A_518 = tpu.memref_slice %arg3[%dma_start3A_507, %add3A_506, %dma_start3A_517] : memref<2x2500x128xi32, #tpu.memory_space<hbm>> -> memref<1x1x128xi32, #tpu.memory_space<hbm>>
          %dma_start3A_519 = tpu.memref_squeeze %dma_start3A_518 : memref<1x1x128xi32, #tpu.memory_space<hbm>> -> memref<1x128xi32, #tpu.memory_space<hbm>>
          tpu.enqueue_dma source(%dma_start3A_519 : memref<1x128xi32, #tpu.memory_space<hbm>>) target(%dma_start3A_516 : memref<1x128xi32, #tpu.memory_space<vmem>>) target_semaphore(%dma_start3A_514 : memref<!tpu.dma_semaphore, #tpu.memory_space<semaphore_mem>>)
        } else {
        }
      } else {
      }
      %lt3A_425 = arith.cmpi slt, %add3A_415, %add3A_2 : i32
      %convert_element_type3A_426 = arith.extui %lt3A_425 : i1 to i32
      %cond3A_427 = arith.constant 0 : i32
      %cond3A_428 = arith.cmpi ne, %convert_element_type3A_426, %cond3A_427 : i32
      scf.if %cond3A_428 {
        %jit3A_429 = arith.constant 8 : i32
        %eq3A = arith.constant 0 : i32
        %eq3A_430 = arith.cmpi eq, %jit3A_429, %eq3A : i32
        %jit3A_431 = arith.constant 1 : i32
        %select_n3A_432 = arith.select %eq3A_430, %jit3A_431, %jit3A_429 : i32
        %rem3A_433 = arith.remsi %add3A_415, %select_n3A_432 : i32
        %ne3A_434 = arith.constant 0 : i32
        %ne3A_435 = arith.cmpi ne, %rem3A_433, %ne3A_434 : i32
        %lt3A_436 = arith.constant 0 : i32
        %lt3A_437 = arith.cmpi slt, %rem3A_433, %lt3A_436 : i32
        %lt3A_438 = arith.constant 0 : i32
        %lt3A_439 = arith.cmpi slt, %select_n3A_432, %lt3A_438 : i32
        %ne3A_440 = arith.xori %lt3A_437, %lt3A_439 : i1
        %and3A_441 = arith.andi %ne3A_440, %ne3A_435 : i1
        %add3A_442 = arith.addi %rem3A_433, %select_n3A_432 : i32
        %select_n3A_443 = arith.select %and3A_441, %add3A_442, %rem3A_433 : i32
        %mul3A_444 = arith.constant 16 : i32
        %mul3A_445 = arith.muli %mul3A_444, %add3A_415 : i32
        %add3A_446 = arith.addi %arg1, %mul3A_445 : i32
        %dma_wait3A = arith.constant 0 : i32
        %dma_wait3A_447 = arith.constant 0 : i32
        %dma_wait3A_448 = tpu.memref_slice %arg12[%select_n3A_443, %dma_wait3A_447] : memref<8x128xi32, #tpu.memory_space<vmem>> -> memref<1x128xi32, #tpu.memory_space<vmem>>
        %dma_wait3A_449 = arith.constant 0 : i32
        %dma_wait3A_450 = tpu.memref_slice %arg3[%dma_wait3A, %add3A_446, %dma_wait3A_449] : memref<2x2500x128xi32, #tpu.memory_space<hbm>> -> memref<1x1x128xi32, #tpu.memory_space<hbm>>
        %dma_wait3A_451 = tpu.memref_squeeze %dma_wait3A_450 : memref<1x1x128xi32, #tpu.memory_space<hbm>> -> memref<1x128xi32, #tpu.memory_space<hbm>>
        %dma_wait3A_452 = tpu.memref_slice %arg19[%select_n3A_443] : memref<8x!tpu.dma_semaphore, #tpu.memory_space<semaphore_mem>> -> memref<1x!tpu.dma_semaphore, #tpu.memory_space<semaphore_mem>>
        %dma_wait3A_453 = tpu.memref_squeeze %dma_wait3A_452 : memref<1x!tpu.dma_semaphore, #tpu.memory_space<semaphore_mem>> -> memref<!tpu.dma_semaphore, #tpu.memory_space<semaphore_mem>>
        %dma_wait3A_454 = arith.constant 0 : i32
        %dma_wait3A_455 = tpu.memref_slice %arg12[%select_n3A_443, %dma_wait3A_454] : memref<8x128xi32, #tpu.memory_space<vmem>> -> memref<1x128xi32, #tpu.memory_space<vmem>>
        %dma_wait3A_456 = arith.constant 0 : i32
        %dma_wait3A_457 = tpu.memref_slice %arg3[%dma_wait3A, %add3A_446, %dma_wait3A_456] : memref<2x2500x128xi32, #tpu.memory_space<hbm>> -> memref<1x1x128xi32, #tpu.memory_space<hbm>>
        %dma_wait3A_458 = tpu.memref_squeeze %dma_wait3A_457 : memref<1x1x128xi32, #tpu.memory_space<hbm>> -> memref<1x128xi32, #tpu.memory_space<hbm>>
        tpu.wait_dma2 semaphore(%dma_wait3A_453 : memref<!tpu.dma_semaphore, #tpu.memory_space<semaphore_mem>>) src(%dma_wait3A_458 : memref<1x128xi32, #tpu.memory_space<hbm>>) dst(%dma_wait3A_455 : memref<1x128xi32, #tpu.memory_space<vmem>>)
        %mul3A_459 = arith.constant 16 : i32
        %mul3A_460 = arith.muli %mul3A_459, %add3A_415 : i32
        %add3A_461 = arith.addi %arg1, %mul3A_460 : i32
        %dma_wait3A_462 = arith.constant 1 : i32
        %dma_wait3A_463 = arith.constant 0 : i32
        %dma_wait3A_464 = tpu.memref_slice %arg13[%select_n3A_443, %dma_wait3A_463] : memref<8x128xi32, #tpu.memory_space<vmem>> -> memref<1x128xi32, #tpu.memory_space<vmem>>
        %dma_wait3A_465 = arith.constant 0 : i32
        %dma_wait3A_466 = tpu.memref_slice %arg3[%dma_wait3A_462, %add3A_461, %dma_wait3A_465] : memref<2x2500x128xi32, #tpu.memory_space<hbm>> -> memref<1x1x128xi32, #tpu.memory_space<hbm>>
        %dma_wait3A_467 = tpu.memref_squeeze %dma_wait3A_466 : memref<1x1x128xi32, #tpu.memory_space<hbm>> -> memref<1x128xi32, #tpu.memory_space<hbm>>
        %dma_wait3A_468 = tpu.memref_slice %arg19[%select_n3A_443] : memref<8x!tpu.dma_semaphore, #tpu.memory_space<semaphore_mem>> -> memref<1x!tpu.dma_semaphore, #tpu.memory_space<semaphore_mem>>
        %dma_wait3A_469 = tpu.memref_squeeze %dma_wait3A_468 : memref<1x!tpu.dma_semaphore, #tpu.memory_space<semaphore_mem>> -> memref<!tpu.dma_semaphore, #tpu.memory_space<semaphore_mem>>
        %dma_wait3A_470 = arith.constant 0 : i32
        %dma_wait3A_471 = tpu.memref_slice %arg13[%select_n3A_443, %dma_wait3A_470] : memref<8x128xi32, #tpu.memory_space<vmem>> -> memref<1x128xi32, #tpu.memory_space<vmem>>
        %dma_wait3A_472 = arith.constant 0 : i32
        %dma_wait3A_473 = tpu.memref_slice %arg3[%dma_wait3A_462, %add3A_461, %dma_wait3A_472] : memref<2x2500x128xi32, #tpu.memory_space<hbm>> -> memref<1x1x128xi32, #tpu.memory_space<hbm>>
        %dma_wait3A_474 = tpu.memref_squeeze %dma_wait3A_473 : memref<1x1x128xi32, #tpu.memory_space<hbm>> -> memref<1x128xi32, #tpu.memory_space<hbm>>
        tpu.wait_dma2 semaphore(%dma_wait3A_469 : memref<!tpu.dma_semaphore, #tpu.memory_space<semaphore_mem>>) src(%dma_wait3A_474 : memref<1x128xi32, #tpu.memory_space<hbm>>) dst(%dma_wait3A_471 : memref<1x128xi32, #tpu.memory_space<vmem>>)
        %dma_start3A_475 = arith.constant 3 : i32
        %dma_start3A_476 = arith.constant 3 : i32
        %dma_start3A_477 = arith.constant 0 : i32
        %dma_start3A_478 = arith.constant 0 : i32
        %dma_start3A_479 = tpu.memref_slice %arg14[%dma_start3A_475, %dma_start3A_477, %dma_start3A_478] : memref<4x128x64xf32, #tpu.memory_space<vmem>> -> memref<1x128x64xf32, #tpu.memory_space<vmem>>
        %dma_start3A_480 = tpu.memref_squeeze %dma_start3A_479 : memref<1x128x64xf32, #tpu.memory_space<vmem>> -> memref<128x64xf32, #tpu.memory_space<vmem>>
        %dma_start3A_481 = arith.constant 0 : i32
        %dma_start3A_482 = tpu.memref_slice %arg12[%select_n3A_443, %dma_start3A_481] : memref<8x128xi32, #tpu.memory_space<vmem>> -> memref<1x128xi32, #tpu.memory_space<vmem>>
        %dma_start3A_483 = tpu.memref_squeeze %dma_start3A_482 : memref<1x128xi32, #tpu.memory_space<vmem>> -> memref<128xi32, #tpu.memory_space<vmem>>
        %dma_start3A_484 = arith.constant 0 : i32
        %dma_start3A_485 = arith.constant 0 : i32
        %dma_start3A_486 = tpu.memref_slice %arg9[%dma_start3A_484, %dma_start3A_485] : memref<10000x64xf32, #tpu.memory_space<vmem_shared>> -> memref<10000x64xf32, #tpu.memory_space<vmem_shared>>
        %dma_start3A_487 = tpu.memref_slice %arg18[%dma_start3A_476] : memref<4x!tpu.dma_semaphore, #tpu.memory_space<semaphore_mem>> -> memref<1x!tpu.dma_semaphore, #tpu.memory_space<semaphore_mem>>
        %dma_start3A_488 = tpu.memref_squeeze %dma_start3A_487 : memref<1x!tpu.dma_semaphore, #tpu.memory_space<semaphore_mem>> -> memref<!tpu.dma_semaphore, #tpu.memory_space<semaphore_mem>>
        tpu.enqueue_indirect_dma source(%dma_start3A_486 : memref<10000x64xf32, #tpu.memory_space<vmem_shared>>) target(%dma_start3A_480 : memref<128x64xf32, #tpu.memory_space<vmem>>) offsets(%dma_start3A_483 : memref<128xi32, #tpu.memory_space<vmem>>) semaphore(%dma_start3A_488 : memref<!tpu.dma_semaphore, #tpu.memory_space<semaphore_mem>>)
      } else {
      }
    }
    %while3A_347 = arith.constant 1 : i32
    scf.for %while3A_363 = %while3A_345 to %while3A_341 step %while3A_347  : i32 {
      %mul3A_364 = arith.constant 4 : i32
      %mul3A_365 = arith.muli %while3A_363, %mul3A_364 : i32
      %add3A_366 = arith.constant 0 : i32
      %add3A_367 = arith.addi %mul3A_365, %add3A_366 : i32
      %ge3A = arith.constant 4 : i32
      %ge3A_368 = arith.cmpi sge, %add3A_367, %ge3A : i32
      %sub3A_369 = arith.constant 4 : i32
      %sub3A_370 = arith.subi %add3A_367, %sub3A_369 : i32
      %lt3A_371 = arith.cmpi slt, %sub3A_370, %add3A_2 : i32
      %and3A_372 = arith.andi %ge3A_368, %lt3A_371 : i1
      %convert_element_type3A = arith.extui %and3A_372 : i1 to i32
      %cond3A = arith.constant 0 : i32
      %cond3A_373 = arith.cmpi ne, %convert_element_type3A, %cond3A : i32
      scf.if %cond3A_373 {
        %sub3A_429 = arith.constant 4 : i32
        %sub3A_430 = arith.subi %add3A_367, %sub3A_429 : i32
        %jit3A_431 = arith.constant 8 : i32
        %eq3A = arith.constant 0 : i32
        %eq3A_432 = arith.cmpi eq, %jit3A_431, %eq3A : i32
        %jit3A_433 = arith.constant 1 : i32
        %select_n3A_434 = arith.select %eq3A_432, %jit3A_433, %jit3A_431 : i32
        %rem3A_435 = arith.remsi %sub3A_430, %select_n3A_434 : i32
        %ne3A_436 = arith.constant 0 : i32
        %ne3A_437 = arith.cmpi ne, %rem3A_435, %ne3A_436 : i32
        %lt3A_438 = arith.constant 0 : i32
        %lt3A_439 = arith.cmpi slt, %rem3A_435, %lt3A_438 : i32
        %lt3A_440 = arith.constant 0 : i32
        %lt3A_441 = arith.cmpi slt, %select_n3A_434, %lt3A_440 : i32
        %ne3A_442 = arith.xori %lt3A_439, %lt3A_441 : i1
        %and3A_443 = arith.andi %ne3A_442, %ne3A_437 : i1
        %add3A_444 = arith.addi %rem3A_435, %select_n3A_434 : i32
        %select_n3A_445 = arith.select %and3A_443, %add3A_444, %rem3A_435 : i32
        %dma_wait3A = arith.constant 0 : i32
        %dma_wait3A_446 = arith.constant 0 : i32
        %dma_wait3A_447 = arith.constant 0 : i32
        %dma_wait3A_448 = arith.constant 0 : i32
        %dma_wait3A_449 = tpu.memref_slice %arg14[%dma_wait3A, %dma_wait3A_447, %dma_wait3A_448] : memref<4x128x64xf32, #tpu.memory_space<vmem>> -> memref<1x128x64xf32, #tpu.memory_space<vmem>>
        %dma_wait3A_450 = tpu.memref_squeeze %dma_wait3A_449 : memref<1x128x64xf32, #tpu.memory_space<vmem>> -> memref<128x64xf32, #tpu.memory_space<vmem>>
        %dma_wait3A_451 = arith.constant 0 : i32
        %dma_wait3A_452 = tpu.memref_slice %arg12[%select_n3A_445, %dma_wait3A_451] : memref<8x128xi32, #tpu.memory_space<vmem>> -> memref<1x128xi32, #tpu.memory_space<vmem>>
        %dma_wait3A_453 = tpu.memref_squeeze %dma_wait3A_452 : memref<1x128xi32, #tpu.memory_space<vmem>> -> memref<128xi32, #tpu.memory_space<vmem>>
        %dma_wait3A_454 = arith.constant 0 : i32
        %dma_wait3A_455 = arith.constant 0 : i32
        %dma_wait3A_456 = tpu.memref_slice %arg9[%dma_wait3A_454, %dma_wait3A_455] : memref<10000x64xf32, #tpu.memory_space<vmem_shared>> -> memref<10000x64xf32, #tpu.memory_space<vmem_shared>>
        %dma_wait3A_457 = tpu.memref_slice %arg18[%dma_wait3A_446] : memref<4x!tpu.dma_semaphore, #tpu.memory_space<semaphore_mem>> -> memref<1x!tpu.dma_semaphore, #tpu.memory_space<semaphore_mem>>
        %dma_wait3A_458 = tpu.memref_squeeze %dma_wait3A_457 : memref<1x!tpu.dma_semaphore, #tpu.memory_space<semaphore_mem>> -> memref<!tpu.dma_semaphore, #tpu.memory_space<semaphore_mem>>
        tpu.wait_indirect_dma semaphore(%dma_wait3A_458 : memref<!tpu.dma_semaphore, #tpu.memory_space<semaphore_mem>>) src(%dma_wait3A_456 : memref<10000x64xf32, #tpu.memory_space<vmem_shared>>) dst(%dma_wait3A_450 : memref<128x64xf32, #tpu.memory_space<vmem>>)
        %run_scoped3A = arith.constant 0 : i32
        "tpu.region"() ({
          %run_scoped3A_470 = tpu.sem_alloc : memref<!tpu.dma_semaphore, #tpu.memory_space<semaphore_mem>>
          %dma_start3A_471 = arith.constant 0 : i32
          %dma_start3A_472 = arith.constant 0 : i32
          %dma_start3A_473 = tpu.memref_slice %arg14[%run_scoped3A, %dma_start3A_471, %dma_start3A_472] : memref<4x128x64xf32, #tpu.memory_space<vmem>> -> memref<1x128x64xf32, #tpu.memory_space<vmem>>
          %dma_start3A_474 = tpu.memref_squeeze %dma_start3A_473 : memref<1x128x64xf32, #tpu.memory_space<vmem>> -> memref<128x64xf32, #tpu.memory_space<vmem>>
          %dma_start3A_475 = arith.constant 0 : i32
          %dma_start3A_476 = tpu.memref_slice %arg13[%select_n3A_445, %dma_start3A_475] : memref<8x128xi32, #tpu.memory_space<vmem>> -> memref<1x128xi32, #tpu.memory_space<vmem>>
          %dma_start3A_477 = tpu.memref_squeeze %dma_start3A_476 : memref<1x128xi32, #tpu.memory_space<vmem>> -> memref<128xi32, #tpu.memory_space<vmem>>
          %dma_start3A_478 = arith.constant 0 : i32
          %dma_start3A_479 = arith.constant 0 : i32
          %dma_start3A_480 = tpu.memref_slice %arg10[%dma_start3A_478, %dma_start3A_479] : memref<10112x64xf32, #tpu.memory_space<vmem_shared>> -> memref<10112x64xf32, #tpu.memory_space<vmem_shared>>
          tpu.enqueue_indirect_dma source(%dma_start3A_474 : memref<128x64xf32, #tpu.memory_space<vmem>>) target(%dma_start3A_480 : memref<10112x64xf32, #tpu.memory_space<vmem_shared>>) offsets(%dma_start3A_477 : memref<128xi32, #tpu.memory_space<vmem>>) semaphore(%run_scoped3A_470 : memref<!tpu.dma_semaphore, #tpu.memory_space<semaphore_mem>>) {add = true}
          %dma_wait3A_481 = arith.constant 0 : i32
          %dma_wait3A_482 = arith.constant 0 : i32
          %dma_wait3A_483 = tpu.memref_slice %arg14[%run_scoped3A, %dma_wait3A_481, %dma_wait3A_482] : memref<4x128x64xf32, #tpu.memory_space<vmem>> -> memref<1x128x64xf32, #tpu.memory_space<vmem>>
          %dma_wait3A_484 = tpu.memref_squeeze %dma_wait3A_483 : memref<1x128x64xf32, #tpu.memory_space<vmem>> -> memref<128x64xf32, #tpu.memory_space<vmem>>
          %dma_wait3A_485 = arith.constant 0 : i32
          %dma_wait3A_486 = tpu.memref_slice %arg13[%select_n3A_445, %dma_wait3A_485] : memref<8x128xi32, #tpu.memory_space<vmem>> -> memref<1x128xi32, #tpu.memory_space<vmem>>
          %dma_wait3A_487 = tpu.memref_squeeze %dma_wait3A_486 : memref<1x128xi32, #tpu.memory_space<vmem>> -> memref<128xi32, #tpu.memory_space<vmem>>
          %dma_wait3A_488 = arith.constant 0 : i32
          %dma_wait3A_489 = arith.constant 0 : i32
          %dma_wait3A_490 = tpu.memref_slice %arg10[%dma_wait3A_488, %dma_wait3A_489] : memref<10112x64xf32, #tpu.memory_space<vmem_shared>> -> memref<10112x64xf32, #tpu.memory_space<vmem_shared>>
          tpu.wait_indirect_dma semaphore(%run_scoped3A_470 : memref<!tpu.dma_semaphore, #tpu.memory_space<semaphore_mem>>) src(%dma_wait3A_484 : memref<128x64xf32, #tpu.memory_space<vmem>>) dst(%dma_wait3A_490 : memref<10112x64xf32, #tpu.memory_space<vmem_shared>>)
          tpu.yield
        }) : () -> ()
        %eq3A_459 = arith.constant 0 : i32
        %eq3A_460 = arith.cmpi eq, %arg0, %eq3A_459 : i32
        %convert_element_type3A_461 = arith.extui %eq3A_460 : i1 to i32
        %cond3A_462 = arith.constant 0 : i32
        %cond3A_463 = arith.cmpi ne, %convert_element_type3A_461, %cond3A_462 : i32
        scf.if %cond3A_463 {
          "tpu.region"() ({
            %run_scoped3A_470 = tpu.sem_alloc : memref<!tpu.dma_semaphore, #tpu.memory_space<semaphore_mem>>
            %dma_start3A_471 = arith.constant 0 : i32
            %dma_start3A_472 = tpu.memref_slice %arg13[%select_n3A_445, %dma_start3A_471] : memref<8x128xi32, #tpu.memory_space<vmem>> -> memref<1x128xi32, #tpu.memory_space<vmem>>
            %dma_start3A_473 = tpu.memref_squeeze %dma_start3A_472 : memref<1x128xi32, #tpu.memory_space<vmem>> -> memref<128xi32, #tpu.memory_space<vmem>>
            %dma_start3A_474 = arith.constant 0 : i32
            %dma_start3A_475 = arith.constant 0 : i32
            %dma_start3A_476 = tpu.memref_slice %arg11[%dma_start3A_474, %dma_start3A_475] : memref<10112x8xf32, #tpu.memory_space<vmem_shared>> -> memref<10112x8xf32, #tpu.memory_space<vmem_shared>>
            tpu.enqueue_indirect_dma source(%arg15 : memref<128x8xf32, #tpu.memory_space<vmem>>) target(%dma_start3A_476 : memref<10112x8xf32, #tpu.memory_space<vmem_shared>>) offsets(%dma_start3A_473 : memref<128xi32, #tpu.memory_space<vmem>>) semaphore(%run_scoped3A_470 : memref<!tpu.dma_semaphore, #tpu.memory_space<semaphore_mem>>) {add = true}
            %dma_wait3A_477 = arith.constant 0 : i32
            %dma_wait3A_478 = tpu.memref_slice %arg13[%select_n3A_445, %dma_wait3A_477] : memref<8x128xi32, #tpu.memory_space<vmem>> -> memref<1x128xi32, #tpu.memory_space<vmem>>
            %dma_wait3A_479 = tpu.memref_squeeze %dma_wait3A_478 : memref<1x128xi32, #tpu.memory_space<vmem>> -> memref<128xi32, #tpu.memory_space<vmem>>
            %dma_wait3A_480 = arith.constant 0 : i32
            %dma_wait3A_481 = arith.constant 0 : i32
            %dma_wait3A_482 = tpu.memref_slice %arg11[%dma_wait3A_480, %dma_wait3A_481] : memref<10112x8xf32, #tpu.memory_space<vmem_shared>> -> memref<10112x8xf32, #tpu.memory_space<vmem_shared>>
            tpu.wait_indirect_dma semaphore(%run_scoped3A_470 : memref<!tpu.dma_semaphore, #tpu.memory_space<semaphore_mem>>) src(%arg15 : memref<128x8xf32, #tpu.memory_space<vmem>>) dst(%dma_wait3A_482 : memref<10112x8xf32, #tpu.memory_space<vmem_shared>>)
            tpu.yield
          }) : () -> ()
        } else {
        }
        %add3A_464 = arith.constant 4 : i32
        %add3A_465 = arith.addi %add3A_367, %add3A_464 : i32
        %lt3A_466 = arith.cmpi slt, %add3A_465, %add3A_2 : i32
        %convert_element_type3A_467 = arith.extui %lt3A_466 : i1 to i32
        %cond3A_468 = arith.constant 0 : i32
        %cond3A_469 = arith.cmpi ne, %convert_element_type3A_467, %cond3A_468 : i32
        scf.if %cond3A_469 {
          %add3A_470 = arith.constant 4 : i32
          %add3A_471 = arith.addi %add3A_367, %add3A_470 : i32
          %jit3A_472 = arith.constant 8 : i32
          %eq3A_473 = arith.constant 0 : i32
          %eq3A_474 = arith.cmpi eq, %jit3A_472, %eq3A_473 : i32
          %jit3A_475 = arith.constant 1 : i32
          %select_n3A_476 = arith.select %eq3A_474, %jit3A_475, %jit3A_472 : i32
          %rem3A_477 = arith.remsi %add3A_471, %select_n3A_476 : i32
          %ne3A_478 = arith.constant 0 : i32
          %ne3A_479 = arith.cmpi ne, %rem3A_477, %ne3A_478 : i32
          %lt3A_480 = arith.constant 0 : i32
          %lt3A_481 = arith.cmpi slt, %rem3A_477, %lt3A_480 : i32
          %lt3A_482 = arith.constant 0 : i32
          %lt3A_483 = arith.cmpi slt, %select_n3A_476, %lt3A_482 : i32
          %ne3A_484 = arith.xori %lt3A_481, %lt3A_483 : i1
          %and3A_485 = arith.andi %ne3A_484, %ne3A_479 : i1
          %add3A_486 = arith.addi %rem3A_477, %select_n3A_476 : i32
          %select_n3A_487 = arith.select %and3A_485, %add3A_486, %rem3A_477 : i32
          %mul3A_488 = arith.constant 16 : i32
          %mul3A_489 = arith.muli %mul3A_488, %add3A_471 : i32
          %add3A_490 = arith.addi %arg1, %mul3A_489 : i32
          %dma_start3A_491 = arith.constant 0 : i32
          %dma_start3A_492 = arith.constant 0 : i32
          %dma_start3A_493 = tpu.memref_slice %arg12[%select_n3A_487, %dma_start3A_492] : memref<8x128xi32, #tpu.memory_space<vmem>> -> memref<1x128xi32, #tpu.memory_space<vmem>>
          %dma_start3A_494 = arith.constant 0 : i32
          %dma_start3A_495 = tpu.memref_slice %arg3[%dma_start3A_491, %add3A_490, %dma_start3A_494] : memref<2x2500x128xi32, #tpu.memory_space<hbm>> -> memref<1x1x128xi32, #tpu.memory_space<hbm>>
          %dma_start3A_496 = tpu.memref_squeeze %dma_start3A_495 : memref<1x1x128xi32, #tpu.memory_space<hbm>> -> memref<1x128xi32, #tpu.memory_space<hbm>>
          %dma_start3A_497 = tpu.memref_slice %arg19[%select_n3A_487] : memref<8x!tpu.dma_semaphore, #tpu.memory_space<semaphore_mem>> -> memref<1x!tpu.dma_semaphore, #tpu.memory_space<semaphore_mem>>
          %dma_start3A_498 = tpu.memref_squeeze %dma_start3A_497 : memref<1x!tpu.dma_semaphore, #tpu.memory_space<semaphore_mem>> -> memref<!tpu.dma_semaphore, #tpu.memory_space<semaphore_mem>>
          %dma_start3A_499 = arith.constant 0 : i32
          %dma_start3A_500 = tpu.memref_slice %arg12[%select_n3A_487, %dma_start3A_499] : memref<8x128xi32, #tpu.memory_space<vmem>> -> memref<1x128xi32, #tpu.memory_space<vmem>>
          %dma_start3A_501 = arith.constant 0 : i32
          %dma_start3A_502 = tpu.memref_slice %arg3[%dma_start3A_491, %add3A_490, %dma_start3A_501] : memref<2x2500x128xi32, #tpu.memory_space<hbm>> -> memref<1x1x128xi32, #tpu.memory_space<hbm>>
          %dma_start3A_503 = tpu.memref_squeeze %dma_start3A_502 : memref<1x1x128xi32, #tpu.memory_space<hbm>> -> memref<1x128xi32, #tpu.memory_space<hbm>>
          tpu.enqueue_dma source(%dma_start3A_503 : memref<1x128xi32, #tpu.memory_space<hbm>>) target(%dma_start3A_500 : memref<1x128xi32, #tpu.memory_space<vmem>>) target_semaphore(%dma_start3A_498 : memref<!tpu.dma_semaphore, #tpu.memory_space<semaphore_mem>>)
          %mul3A_504 = arith.constant 16 : i32
          %mul3A_505 = arith.muli %mul3A_504, %add3A_471 : i32
          %add3A_506 = arith.addi %arg1, %mul3A_505 : i32
          %dma_start3A_507 = arith.constant 1 : i32
          %dma_start3A_508 = arith.constant 0 : i32
          %dma_start3A_509 = tpu.memref_slice %arg13[%select_n3A_487, %dma_start3A_508] : memref<8x128xi32, #tpu.memory_space<vmem>> -> memref<1x128xi32, #tpu.memory_space<vmem>>
          %dma_start3A_510 = arith.constant 0 : i32
          %dma_start3A_511 = tpu.memref_slice %arg3[%dma_start3A_507, %add3A_506, %dma_start3A_510] : memref<2x2500x128xi32, #tpu.memory_space<hbm>> -> memref<1x1x128xi32, #tpu.memory_space<hbm>>
          %dma_start3A_512 = tpu.memref_squeeze %dma_start3A_511 : memref<1x1x128xi32, #tpu.memory_space<hbm>> -> memref<1x128xi32, #tpu.memory_space<hbm>>
          %dma_start3A_513 = tpu.memref_slice %arg19[%select_n3A_487] : memref<8x!tpu.dma_semaphore, #tpu.memory_space<semaphore_mem>> -> memref<1x!tpu.dma_semaphore, #tpu.memory_space<semaphore_mem>>
          %dma_start3A_514 = tpu.memref_squeeze %dma_start3A_513 : memref<1x!tpu.dma_semaphore, #tpu.memory_space<semaphore_mem>> -> memref<!tpu.dma_semaphore, #tpu.memory_space<semaphore_mem>>
          %dma_start3A_515 = arith.constant 0 : i32
          %dma_start3A_516 = tpu.memref_slice %arg13[%select_n3A_487, %dma_start3A_515] : memref<8x128xi32, #tpu.memory_space<vmem>> -> memref<1x128xi32, #tpu.memory_space<vmem>>
          %dma_start3A_517 = arith.constant 0 : i32
          %dma_start3A_518 = tpu.memref_slice %arg3[%dma_start3A_507, %add3A_506, %dma_start3A_517] : memref<2x2500x128xi32, #tpu.memory_space<hbm>> -> memref<1x1x128xi32, #tpu.memory_space<hbm>>
          %dma_start3A_519 = tpu.memref_squeeze %dma_start3A_518 : memref<1x1x128xi32, #tpu.memory_space<hbm>> -> memref<1x128xi32, #tpu.memory_space<hbm>>
          tpu.enqueue_dma source(%dma_start3A_519 : memref<1x128xi32, #tpu.memory_space<hbm>>) target(%dma_start3A_516 : memref<1x128xi32, #tpu.memory_space<vmem>>) target_semaphore(%dma_start3A_514 : memref<!tpu.dma_semaphore, #tpu.memory_space<semaphore_mem>>)
        } else {
        }
      } else {
      }
      %lt3A_374 = arith.cmpi slt, %add3A_367, %add3A_2 : i32
      %convert_element_type3A_375 = arith.extui %lt3A_374 : i1 to i32
      %cond3A_376 = arith.constant 0 : i32
      %cond3A_377 = arith.cmpi ne, %convert_element_type3A_375, %cond3A_376 : i32
      scf.if %cond3A_377 {
        %jit3A_429 = arith.constant 8 : i32
        %eq3A = arith.constant 0 : i32
        %eq3A_430 = arith.cmpi eq, %jit3A_429, %eq3A : i32
        %jit3A_431 = arith.constant 1 : i32
        %select_n3A_432 = arith.select %eq3A_430, %jit3A_431, %jit3A_429 : i32
        %rem3A_433 = arith.remsi %add3A_367, %select_n3A_432 : i32
        %ne3A_434 = arith.constant 0 : i32
        %ne3A_435 = arith.cmpi ne, %rem3A_433, %ne3A_434 : i32
        %lt3A_436 = arith.constant 0 : i32
        %lt3A_437 = arith.cmpi slt, %rem3A_433, %lt3A_436 : i32
        %lt3A_438 = arith.constant 0 : i32
        %lt3A_439 = arith.cmpi slt, %select_n3A_432, %lt3A_438 : i32
        %ne3A_440 = arith.xori %lt3A_437, %lt3A_439 : i1
        %and3A_441 = arith.andi %ne3A_440, %ne3A_435 : i1
        %add3A_442 = arith.addi %rem3A_433, %select_n3A_432 : i32
        %select_n3A_443 = arith.select %and3A_441, %add3A_442, %rem3A_433 : i32
        %mul3A_444 = arith.constant 16 : i32
        %mul3A_445 = arith.muli %mul3A_444, %add3A_367 : i32
        %add3A_446 = arith.addi %arg1, %mul3A_445 : i32
        %dma_wait3A = arith.constant 0 : i32
        %dma_wait3A_447 = arith.constant 0 : i32
        %dma_wait3A_448 = tpu.memref_slice %arg12[%select_n3A_443, %dma_wait3A_447] : memref<8x128xi32, #tpu.memory_space<vmem>> -> memref<1x128xi32, #tpu.memory_space<vmem>>
        %dma_wait3A_449 = arith.constant 0 : i32
        %dma_wait3A_450 = tpu.memref_slice %arg3[%dma_wait3A, %add3A_446, %dma_wait3A_449] : memref<2x2500x128xi32, #tpu.memory_space<hbm>> -> memref<1x1x128xi32, #tpu.memory_space<hbm>>
        %dma_wait3A_451 = tpu.memref_squeeze %dma_wait3A_450 : memref<1x1x128xi32, #tpu.memory_space<hbm>> -> memref<1x128xi32, #tpu.memory_space<hbm>>
        %dma_wait3A_452 = tpu.memref_slice %arg19[%select_n3A_443] : memref<8x!tpu.dma_semaphore, #tpu.memory_space<semaphore_mem>> -> memref<1x!tpu.dma_semaphore, #tpu.memory_space<semaphore_mem>>
        %dma_wait3A_453 = tpu.memref_squeeze %dma_wait3A_452 : memref<1x!tpu.dma_semaphore, #tpu.memory_space<semaphore_mem>> -> memref<!tpu.dma_semaphore, #tpu.memory_space<semaphore_mem>>
        %dma_wait3A_454 = arith.constant 0 : i32
        %dma_wait3A_455 = tpu.memref_slice %arg12[%select_n3A_443, %dma_wait3A_454] : memref<8x128xi32, #tpu.memory_space<vmem>> -> memref<1x128xi32, #tpu.memory_space<vmem>>
        %dma_wait3A_456 = arith.constant 0 : i32
        %dma_wait3A_457 = tpu.memref_slice %arg3[%dma_wait3A, %add3A_446, %dma_wait3A_456] : memref<2x2500x128xi32, #tpu.memory_space<hbm>> -> memref<1x1x128xi32, #tpu.memory_space<hbm>>
        %dma_wait3A_458 = tpu.memref_squeeze %dma_wait3A_457 : memref<1x1x128xi32, #tpu.memory_space<hbm>> -> memref<1x128xi32, #tpu.memory_space<hbm>>
        tpu.wait_dma2 semaphore(%dma_wait3A_453 : memref<!tpu.dma_semaphore, #tpu.memory_space<semaphore_mem>>) src(%dma_wait3A_458 : memref<1x128xi32, #tpu.memory_space<hbm>>) dst(%dma_wait3A_455 : memref<1x128xi32, #tpu.memory_space<vmem>>)
        %mul3A_459 = arith.constant 16 : i32
        %mul3A_460 = arith.muli %mul3A_459, %add3A_367 : i32
        %add3A_461 = arith.addi %arg1, %mul3A_460 : i32
        %dma_wait3A_462 = arith.constant 1 : i32
        %dma_wait3A_463 = arith.constant 0 : i32
        %dma_wait3A_464 = tpu.memref_slice %arg13[%select_n3A_443, %dma_wait3A_463] : memref<8x128xi32, #tpu.memory_space<vmem>> -> memref<1x128xi32, #tpu.memory_space<vmem>>
        %dma_wait3A_465 = arith.constant 0 : i32
        %dma_wait3A_466 = tpu.memref_slice %arg3[%dma_wait3A_462, %add3A_461, %dma_wait3A_465] : memref<2x2500x128xi32, #tpu.memory_space<hbm>> -> memref<1x1x128xi32, #tpu.memory_space<hbm>>
        %dma_wait3A_467 = tpu.memref_squeeze %dma_wait3A_466 : memref<1x1x128xi32, #tpu.memory_space<hbm>> -> memref<1x128xi32, #tpu.memory_space<hbm>>
        %dma_wait3A_468 = tpu.memref_slice %arg19[%select_n3A_443] : memref<8x!tpu.dma_semaphore, #tpu.memory_space<semaphore_mem>> -> memref<1x!tpu.dma_semaphore, #tpu.memory_space<semaphore_mem>>
        %dma_wait3A_469 = tpu.memref_squeeze %dma_wait3A_468 : memref<1x!tpu.dma_semaphore, #tpu.memory_space<semaphore_mem>> -> memref<!tpu.dma_semaphore, #tpu.memory_space<semaphore_mem>>
        %dma_wait3A_470 = arith.constant 0 : i32
        %dma_wait3A_471 = tpu.memref_slice %arg13[%select_n3A_443, %dma_wait3A_470] : memref<8x128xi32, #tpu.memory_space<vmem>> -> memref<1x128xi32, #tpu.memory_space<vmem>>
        %dma_wait3A_472 = arith.constant 0 : i32
        %dma_wait3A_473 = tpu.memref_slice %arg3[%dma_wait3A_462, %add3A_461, %dma_wait3A_472] : memref<2x2500x128xi32, #tpu.memory_space<hbm>> -> memref<1x1x128xi32, #tpu.memory_space<hbm>>
        %dma_wait3A_474 = tpu.memref_squeeze %dma_wait3A_473 : memref<1x1x128xi32, #tpu.memory_space<hbm>> -> memref<1x128xi32, #tpu.memory_space<hbm>>
        tpu.wait_dma2 semaphore(%dma_wait3A_469 : memref<!tpu.dma_semaphore, #tpu.memory_space<semaphore_mem>>) src(%dma_wait3A_474 : memref<1x128xi32, #tpu.memory_space<hbm>>) dst(%dma_wait3A_471 : memref<1x128xi32, #tpu.memory_space<vmem>>)
        %dma_start3A_475 = arith.constant 0 : i32
        %dma_start3A_476 = arith.constant 0 : i32
        %dma_start3A_477 = arith.constant 0 : i32
        %dma_start3A_478 = arith.constant 0 : i32
        %dma_start3A_479 = tpu.memref_slice %arg14[%dma_start3A_475, %dma_start3A_477, %dma_start3A_478] : memref<4x128x64xf32, #tpu.memory_space<vmem>> -> memref<1x128x64xf32, #tpu.memory_space<vmem>>
        %dma_start3A_480 = tpu.memref_squeeze %dma_start3A_479 : memref<1x128x64xf32, #tpu.memory_space<vmem>> -> memref<128x64xf32, #tpu.memory_space<vmem>>
        %dma_start3A_481 = arith.constant 0 : i32
        %dma_start3A_482 = tpu.memref_slice %arg12[%select_n3A_443, %dma_start3A_481] : memref<8x128xi32, #tpu.memory_space<vmem>> -> memref<1x128xi32, #tpu.memory_space<vmem>>
        %dma_start3A_483 = tpu.memref_squeeze %dma_start3A_482 : memref<1x128xi32, #tpu.memory_space<vmem>> -> memref<128xi32, #tpu.memory_space<vmem>>
        %dma_start3A_484 = arith.constant 0 : i32
        %dma_start3A_485 = arith.constant 0 : i32
        %dma_start3A_486 = tpu.memref_slice %arg9[%dma_start3A_484, %dma_start3A_485] : memref<10000x64xf32, #tpu.memory_space<vmem_shared>> -> memref<10000x64xf32, #tpu.memory_space<vmem_shared>>
        %dma_start3A_487 = tpu.memref_slice %arg18[%dma_start3A_476] : memref<4x!tpu.dma_semaphore, #tpu.memory_space<semaphore_mem>> -> memref<1x!tpu.dma_semaphore, #tpu.memory_space<semaphore_mem>>
        %dma_start3A_488 = tpu.memref_squeeze %dma_start3A_487 : memref<1x!tpu.dma_semaphore, #tpu.memory_space<semaphore_mem>> -> memref<!tpu.dma_semaphore, #tpu.memory_space<semaphore_mem>>
        tpu.enqueue_indirect_dma source(%dma_start3A_486 : memref<10000x64xf32, #tpu.memory_space<vmem_shared>>) target(%dma_start3A_480 : memref<128x64xf32, #tpu.memory_space<vmem>>) offsets(%dma_start3A_483 : memref<128xi32, #tpu.memory_space<vmem>>) semaphore(%dma_start3A_488 : memref<!tpu.dma_semaphore, #tpu.memory_space<semaphore_mem>>)
      } else {
      }
      %mul3A_378 = arith.constant 4 : i32
      %mul3A_379 = arith.muli %while3A_363, %mul3A_378 : i32
      %add3A_380 = arith.constant 1 : i32
      %add3A_381 = arith.addi %mul3A_379, %add3A_380 : i32
      %ge3A_382 = arith.constant 4 : i32
      %ge3A_383 = arith.cmpi sge, %add3A_381, %ge3A_382 : i32
      %sub3A_384 = arith.constant 4 : i32
      %sub3A_385 = arith.subi %add3A_381, %sub3A_384 : i32
      %lt3A_386 = arith.cmpi slt, %sub3A_385, %add3A_2 : i32
      %and3A_387 = arith.andi %ge3A_383, %lt3A_386 : i1
      %convert_element_type3A_388 = arith.extui %and3A_387 : i1 to i32
      %cond3A_389 = arith.constant 0 : i32
      %cond3A_390 = arith.cmpi ne, %convert_element_type3A_388, %cond3A_389 : i32
      scf.if %cond3A_390 {
        %sub3A_429 = arith.constant 4 : i32
        %sub3A_430 = arith.subi %add3A_381, %sub3A_429 : i32
        %jit3A_431 = arith.constant 8 : i32
        %eq3A = arith.constant 0 : i32
        %eq3A_432 = arith.cmpi eq, %jit3A_431, %eq3A : i32
        %jit3A_433 = arith.constant 1 : i32
        %select_n3A_434 = arith.select %eq3A_432, %jit3A_433, %jit3A_431 : i32
        %rem3A_435 = arith.remsi %sub3A_430, %select_n3A_434 : i32
        %ne3A_436 = arith.constant 0 : i32
        %ne3A_437 = arith.cmpi ne, %rem3A_435, %ne3A_436 : i32
        %lt3A_438 = arith.constant 0 : i32
        %lt3A_439 = arith.cmpi slt, %rem3A_435, %lt3A_438 : i32
        %lt3A_440 = arith.constant 0 : i32
        %lt3A_441 = arith.cmpi slt, %select_n3A_434, %lt3A_440 : i32
        %ne3A_442 = arith.xori %lt3A_439, %lt3A_441 : i1
        %and3A_443 = arith.andi %ne3A_442, %ne3A_437 : i1
        %add3A_444 = arith.addi %rem3A_435, %select_n3A_434 : i32
        %select_n3A_445 = arith.select %and3A_443, %add3A_444, %rem3A_435 : i32
        %dma_wait3A = arith.constant 1 : i32
        %dma_wait3A_446 = arith.constant 1 : i32
        %dma_wait3A_447 = arith.constant 0 : i32
        %dma_wait3A_448 = arith.constant 0 : i32
        %dma_wait3A_449 = tpu.memref_slice %arg14[%dma_wait3A, %dma_wait3A_447, %dma_wait3A_448] : memref<4x128x64xf32, #tpu.memory_space<vmem>> -> memref<1x128x64xf32, #tpu.memory_space<vmem>>
        %dma_wait3A_450 = tpu.memref_squeeze %dma_wait3A_449 : memref<1x128x64xf32, #tpu.memory_space<vmem>> -> memref<128x64xf32, #tpu.memory_space<vmem>>
        %dma_wait3A_451 = arith.constant 0 : i32
        %dma_wait3A_452 = tpu.memref_slice %arg12[%select_n3A_445, %dma_wait3A_451] : memref<8x128xi32, #tpu.memory_space<vmem>> -> memref<1x128xi32, #tpu.memory_space<vmem>>
        %dma_wait3A_453 = tpu.memref_squeeze %dma_wait3A_452 : memref<1x128xi32, #tpu.memory_space<vmem>> -> memref<128xi32, #tpu.memory_space<vmem>>
        %dma_wait3A_454 = arith.constant 0 : i32
        %dma_wait3A_455 = arith.constant 0 : i32
        %dma_wait3A_456 = tpu.memref_slice %arg9[%dma_wait3A_454, %dma_wait3A_455] : memref<10000x64xf32, #tpu.memory_space<vmem_shared>> -> memref<10000x64xf32, #tpu.memory_space<vmem_shared>>
        %dma_wait3A_457 = tpu.memref_slice %arg18[%dma_wait3A_446] : memref<4x!tpu.dma_semaphore, #tpu.memory_space<semaphore_mem>> -> memref<1x!tpu.dma_semaphore, #tpu.memory_space<semaphore_mem>>
        %dma_wait3A_458 = tpu.memref_squeeze %dma_wait3A_457 : memref<1x!tpu.dma_semaphore, #tpu.memory_space<semaphore_mem>> -> memref<!tpu.dma_semaphore, #tpu.memory_space<semaphore_mem>>
        tpu.wait_indirect_dma semaphore(%dma_wait3A_458 : memref<!tpu.dma_semaphore, #tpu.memory_space<semaphore_mem>>) src(%dma_wait3A_456 : memref<10000x64xf32, #tpu.memory_space<vmem_shared>>) dst(%dma_wait3A_450 : memref<128x64xf32, #tpu.memory_space<vmem>>)
        %run_scoped3A = arith.constant 1 : i32
        "tpu.region"() ({
          %run_scoped3A_470 = tpu.sem_alloc : memref<!tpu.dma_semaphore, #tpu.memory_space<semaphore_mem>>
          %dma_start3A_471 = arith.constant 0 : i32
          %dma_start3A_472 = arith.constant 0 : i32
          %dma_start3A_473 = tpu.memref_slice %arg14[%run_scoped3A, %dma_start3A_471, %dma_start3A_472] : memref<4x128x64xf32, #tpu.memory_space<vmem>> -> memref<1x128x64xf32, #tpu.memory_space<vmem>>
          %dma_start3A_474 = tpu.memref_squeeze %dma_start3A_473 : memref<1x128x64xf32, #tpu.memory_space<vmem>> -> memref<128x64xf32, #tpu.memory_space<vmem>>
          %dma_start3A_475 = arith.constant 0 : i32
          %dma_start3A_476 = tpu.memref_slice %arg13[%select_n3A_445, %dma_start3A_475] : memref<8x128xi32, #tpu.memory_space<vmem>> -> memref<1x128xi32, #tpu.memory_space<vmem>>
          %dma_start3A_477 = tpu.memref_squeeze %dma_start3A_476 : memref<1x128xi32, #tpu.memory_space<vmem>> -> memref<128xi32, #tpu.memory_space<vmem>>
          %dma_start3A_478 = arith.constant 0 : i32
          %dma_start3A_479 = arith.constant 0 : i32
          %dma_start3A_480 = tpu.memref_slice %arg10[%dma_start3A_478, %dma_start3A_479] : memref<10112x64xf32, #tpu.memory_space<vmem_shared>> -> memref<10112x64xf32, #tpu.memory_space<vmem_shared>>
          tpu.enqueue_indirect_dma source(%dma_start3A_474 : memref<128x64xf32, #tpu.memory_space<vmem>>) target(%dma_start3A_480 : memref<10112x64xf32, #tpu.memory_space<vmem_shared>>) offsets(%dma_start3A_477 : memref<128xi32, #tpu.memory_space<vmem>>) semaphore(%run_scoped3A_470 : memref<!tpu.dma_semaphore, #tpu.memory_space<semaphore_mem>>) {add = true}
          %dma_wait3A_481 = arith.constant 0 : i32
          %dma_wait3A_482 = arith.constant 0 : i32
          %dma_wait3A_483 = tpu.memref_slice %arg14[%run_scoped3A, %dma_wait3A_481, %dma_wait3A_482] : memref<4x128x64xf32, #tpu.memory_space<vmem>> -> memref<1x128x64xf32, #tpu.memory_space<vmem>>
          %dma_wait3A_484 = tpu.memref_squeeze %dma_wait3A_483 : memref<1x128x64xf32, #tpu.memory_space<vmem>> -> memref<128x64xf32, #tpu.memory_space<vmem>>
          %dma_wait3A_485 = arith.constant 0 : i32
          %dma_wait3A_486 = tpu.memref_slice %arg13[%select_n3A_445, %dma_wait3A_485] : memref<8x128xi32, #tpu.memory_space<vmem>> -> memref<1x128xi32, #tpu.memory_space<vmem>>
          %dma_wait3A_487 = tpu.memref_squeeze %dma_wait3A_486 : memref<1x128xi32, #tpu.memory_space<vmem>> -> memref<128xi32, #tpu.memory_space<vmem>>
          %dma_wait3A_488 = arith.constant 0 : i32
          %dma_wait3A_489 = arith.constant 0 : i32
          %dma_wait3A_490 = tpu.memref_slice %arg10[%dma_wait3A_488, %dma_wait3A_489] : memref<10112x64xf32, #tpu.memory_space<vmem_shared>> -> memref<10112x64xf32, #tpu.memory_space<vmem_shared>>
          tpu.wait_indirect_dma semaphore(%run_scoped3A_470 : memref<!tpu.dma_semaphore, #tpu.memory_space<semaphore_mem>>) src(%dma_wait3A_484 : memref<128x64xf32, #tpu.memory_space<vmem>>) dst(%dma_wait3A_490 : memref<10112x64xf32, #tpu.memory_space<vmem_shared>>)
          tpu.yield
        }) : () -> ()
        %eq3A_459 = arith.constant 1 : i32
        %eq3A_460 = arith.cmpi eq, %arg0, %eq3A_459 : i32
        %convert_element_type3A_461 = arith.extui %eq3A_460 : i1 to i32
        %cond3A_462 = arith.constant 0 : i32
        %cond3A_463 = arith.cmpi ne, %convert_element_type3A_461, %cond3A_462 : i32
        scf.if %cond3A_463 {
          "tpu.region"() ({
            %run_scoped3A_470 = tpu.sem_alloc : memref<!tpu.dma_semaphore, #tpu.memory_space<semaphore_mem>>
            %dma_start3A_471 = arith.constant 0 : i32
            %dma_start3A_472 = tpu.memref_slice %arg13[%select_n3A_445, %dma_start3A_471] : memref<8x128xi32, #tpu.memory_space<vmem>> -> memref<1x128xi32, #tpu.memory_space<vmem>>
            %dma_start3A_473 = tpu.memref_squeeze %dma_start3A_472 : memref<1x128xi32, #tpu.memory_space<vmem>> -> memref<128xi32, #tpu.memory_space<vmem>>
            %dma_start3A_474 = arith.constant 0 : i32
            %dma_start3A_475 = arith.constant 0 : i32
            %dma_start3A_476 = tpu.memref_slice %arg11[%dma_start3A_474, %dma_start3A_475] : memref<10112x8xf32, #tpu.memory_space<vmem_shared>> -> memref<10112x8xf32, #tpu.memory_space<vmem_shared>>
            tpu.enqueue_indirect_dma source(%arg15 : memref<128x8xf32, #tpu.memory_space<vmem>>) target(%dma_start3A_476 : memref<10112x8xf32, #tpu.memory_space<vmem_shared>>) offsets(%dma_start3A_473 : memref<128xi32, #tpu.memory_space<vmem>>) semaphore(%run_scoped3A_470 : memref<!tpu.dma_semaphore, #tpu.memory_space<semaphore_mem>>) {add = true}
            %dma_wait3A_477 = arith.constant 0 : i32
            %dma_wait3A_478 = tpu.memref_slice %arg13[%select_n3A_445, %dma_wait3A_477] : memref<8x128xi32, #tpu.memory_space<vmem>> -> memref<1x128xi32, #tpu.memory_space<vmem>>
            %dma_wait3A_479 = tpu.memref_squeeze %dma_wait3A_478 : memref<1x128xi32, #tpu.memory_space<vmem>> -> memref<128xi32, #tpu.memory_space<vmem>>
            %dma_wait3A_480 = arith.constant 0 : i32
            %dma_wait3A_481 = arith.constant 0 : i32
            %dma_wait3A_482 = tpu.memref_slice %arg11[%dma_wait3A_480, %dma_wait3A_481] : memref<10112x8xf32, #tpu.memory_space<vmem_shared>> -> memref<10112x8xf32, #tpu.memory_space<vmem_shared>>
            tpu.wait_indirect_dma semaphore(%run_scoped3A_470 : memref<!tpu.dma_semaphore, #tpu.memory_space<semaphore_mem>>) src(%arg15 : memref<128x8xf32, #tpu.memory_space<vmem>>) dst(%dma_wait3A_482 : memref<10112x8xf32, #tpu.memory_space<vmem_shared>>)
            tpu.yield
          }) : () -> ()
        } else {
        }
        %add3A_464 = arith.constant 4 : i32
        %add3A_465 = arith.addi %add3A_381, %add3A_464 : i32
        %lt3A_466 = arith.cmpi slt, %add3A_465, %add3A_2 : i32
        %convert_element_type3A_467 = arith.extui %lt3A_466 : i1 to i32
        %cond3A_468 = arith.constant 0 : i32
        %cond3A_469 = arith.cmpi ne, %convert_element_type3A_467, %cond3A_468 : i32
        scf.if %cond3A_469 {
          %add3A_470 = arith.constant 4 : i32
          %add3A_471 = arith.addi %add3A_381, %add3A_470 : i32
          %jit3A_472 = arith.constant 8 : i32
          %eq3A_473 = arith.constant 0 : i32
          %eq3A_474 = arith.cmpi eq, %jit3A_472, %eq3A_473 : i32
          %jit3A_475 = arith.constant 1 : i32
          %select_n3A_476 = arith.select %eq3A_474, %jit3A_475, %jit3A_472 : i32
          %rem3A_477 = arith.remsi %add3A_471, %select_n3A_476 : i32
          %ne3A_478 = arith.constant 0 : i32
          %ne3A_479 = arith.cmpi ne, %rem3A_477, %ne3A_478 : i32
          %lt3A_480 = arith.constant 0 : i32
          %lt3A_481 = arith.cmpi slt, %rem3A_477, %lt3A_480 : i32
          %lt3A_482 = arith.constant 0 : i32
          %lt3A_483 = arith.cmpi slt, %select_n3A_476, %lt3A_482 : i32
          %ne3A_484 = arith.xori %lt3A_481, %lt3A_483 : i1
          %and3A_485 = arith.andi %ne3A_484, %ne3A_479 : i1
          %add3A_486 = arith.addi %rem3A_477, %select_n3A_476 : i32
          %select_n3A_487 = arith.select %and3A_485, %add3A_486, %rem3A_477 : i32
          %mul3A_488 = arith.constant 16 : i32
          %mul3A_489 = arith.muli %mul3A_488, %add3A_471 : i32
          %add3A_490 = arith.addi %arg1, %mul3A_489 : i32
          %dma_start3A_491 = arith.constant 0 : i32
          %dma_start3A_492 = arith.constant 0 : i32
          %dma_start3A_493 = tpu.memref_slice %arg12[%select_n3A_487, %dma_start3A_492] : memref<8x128xi32, #tpu.memory_space<vmem>> -> memref<1x128xi32, #tpu.memory_space<vmem>>
          %dma_start3A_494 = arith.constant 0 : i32
          %dma_start3A_495 = tpu.memref_slice %arg3[%dma_start3A_491, %add3A_490, %dma_start3A_494] : memref<2x2500x128xi32, #tpu.memory_space<hbm>> -> memref<1x1x128xi32, #tpu.memory_space<hbm>>
          %dma_start3A_496 = tpu.memref_squeeze %dma_start3A_495 : memref<1x1x128xi32, #tpu.memory_space<hbm>> -> memref<1x128xi32, #tpu.memory_space<hbm>>
          %dma_start3A_497 = tpu.memref_slice %arg19[%select_n3A_487] : memref<8x!tpu.dma_semaphore, #tpu.memory_space<semaphore_mem>> -> memref<1x!tpu.dma_semaphore, #tpu.memory_space<semaphore_mem>>
          %dma_start3A_498 = tpu.memref_squeeze %dma_start3A_497 : memref<1x!tpu.dma_semaphore, #tpu.memory_space<semaphore_mem>> -> memref<!tpu.dma_semaphore, #tpu.memory_space<semaphore_mem>>
          %dma_start3A_499 = arith.constant 0 : i32
          %dma_start3A_500 = tpu.memref_slice %arg12[%select_n3A_487, %dma_start3A_499] : memref<8x128xi32, #tpu.memory_space<vmem>> -> memref<1x128xi32, #tpu.memory_space<vmem>>
          %dma_start3A_501 = arith.constant 0 : i32
          %dma_start3A_502 = tpu.memref_slice %arg3[%dma_start3A_491, %add3A_490, %dma_start3A_501] : memref<2x2500x128xi32, #tpu.memory_space<hbm>> -> memref<1x1x128xi32, #tpu.memory_space<hbm>>
          %dma_start3A_503 = tpu.memref_squeeze %dma_start3A_502 : memref<1x1x128xi32, #tpu.memory_space<hbm>> -> memref<1x128xi32, #tpu.memory_space<hbm>>
          tpu.enqueue_dma source(%dma_start3A_503 : memref<1x128xi32, #tpu.memory_space<hbm>>) target(%dma_start3A_500 : memref<1x128xi32, #tpu.memory_space<vmem>>) target_semaphore(%dma_start3A_498 : memref<!tpu.dma_semaphore, #tpu.memory_space<semaphore_mem>>)
          %mul3A_504 = arith.constant 16 : i32
          %mul3A_505 = arith.muli %mul3A_504, %add3A_471 : i32
          %add3A_506 = arith.addi %arg1, %mul3A_505 : i32
          %dma_start3A_507 = arith.constant 1 : i32
          %dma_start3A_508 = arith.constant 0 : i32
          %dma_start3A_509 = tpu.memref_slice %arg13[%select_n3A_487, %dma_start3A_508] : memref<8x128xi32, #tpu.memory_space<vmem>> -> memref<1x128xi32, #tpu.memory_space<vmem>>
          %dma_start3A_510 = arith.constant 0 : i32
          %dma_start3A_511 = tpu.memref_slice %arg3[%dma_start3A_507, %add3A_506, %dma_start3A_510] : memref<2x2500x128xi32, #tpu.memory_space<hbm>> -> memref<1x1x128xi32, #tpu.memory_space<hbm>>
          %dma_start3A_512 = tpu.memref_squeeze %dma_start3A_511 : memref<1x1x128xi32, #tpu.memory_space<hbm>> -> memref<1x128xi32, #tpu.memory_space<hbm>>
          %dma_start3A_513 = tpu.memref_slice %arg19[%select_n3A_487] : memref<8x!tpu.dma_semaphore, #tpu.memory_space<semaphore_mem>> -> memref<1x!tpu.dma_semaphore, #tpu.memory_space<semaphore_mem>>
          %dma_start3A_514 = tpu.memref_squeeze %dma_start3A_513 : memref<1x!tpu.dma_semaphore, #tpu.memory_space<semaphore_mem>> -> memref<!tpu.dma_semaphore, #tpu.memory_space<semaphore_mem>>
          %dma_start3A_515 = arith.constant 0 : i32
          %dma_start3A_516 = tpu.memref_slice %arg13[%select_n3A_487, %dma_start3A_515] : memref<8x128xi32, #tpu.memory_space<vmem>> -> memref<1x128xi32, #tpu.memory_space<vmem>>
          %dma_start3A_517 = arith.constant 0 : i32
          %dma_start3A_518 = tpu.memref_slice %arg3[%dma_start3A_507, %add3A_506, %dma_start3A_517] : memref<2x2500x128xi32, #tpu.memory_space<hbm>> -> memref<1x1x128xi32, #tpu.memory_space<hbm>>
          %dma_start3A_519 = tpu.memref_squeeze %dma_start3A_518 : memref<1x1x128xi32, #tpu.memory_space<hbm>> -> memref<1x128xi32, #tpu.memory_space<hbm>>
          tpu.enqueue_dma source(%dma_start3A_519 : memref<1x128xi32, #tpu.memory_space<hbm>>) target(%dma_start3A_516 : memref<1x128xi32, #tpu.memory_space<vmem>>) target_semaphore(%dma_start3A_514 : memref<!tpu.dma_semaphore, #tpu.memory_space<semaphore_mem>>)
        } else {
        }
      } else {
      }
      %lt3A_391 = arith.cmpi slt, %add3A_381, %add3A_2 : i32
      %convert_element_type3A_392 = arith.extui %lt3A_391 : i1 to i32
      %cond3A_393 = arith.constant 0 : i32
      %cond3A_394 = arith.cmpi ne, %convert_element_type3A_392, %cond3A_393 : i32
      scf.if %cond3A_394 {
        %jit3A_429 = arith.constant 8 : i32
        %eq3A = arith.constant 0 : i32
        %eq3A_430 = arith.cmpi eq, %jit3A_429, %eq3A : i32
        %jit3A_431 = arith.constant 1 : i32
        %select_n3A_432 = arith.select %eq3A_430, %jit3A_431, %jit3A_429 : i32
        %rem3A_433 = arith.remsi %add3A_381, %select_n3A_432 : i32
        %ne3A_434 = arith.constant 0 : i32
        %ne3A_435 = arith.cmpi ne, %rem3A_433, %ne3A_434 : i32
        %lt3A_436 = arith.constant 0 : i32
        %lt3A_437 = arith.cmpi slt, %rem3A_433, %lt3A_436 : i32
        %lt3A_438 = arith.constant 0 : i32
        %lt3A_439 = arith.cmpi slt, %select_n3A_432, %lt3A_438 : i32
        %ne3A_440 = arith.xori %lt3A_437, %lt3A_439 : i1
        %and3A_441 = arith.andi %ne3A_440, %ne3A_435 : i1
        %add3A_442 = arith.addi %rem3A_433, %select_n3A_432 : i32
        %select_n3A_443 = arith.select %and3A_441, %add3A_442, %rem3A_433 : i32
        %mul3A_444 = arith.constant 16 : i32
        %mul3A_445 = arith.muli %mul3A_444, %add3A_381 : i32
        %add3A_446 = arith.addi %arg1, %mul3A_445 : i32
        %dma_wait3A = arith.constant 0 : i32
        %dma_wait3A_447 = arith.constant 0 : i32
        %dma_wait3A_448 = tpu.memref_slice %arg12[%select_n3A_443, %dma_wait3A_447] : memref<8x128xi32, #tpu.memory_space<vmem>> -> memref<1x128xi32, #tpu.memory_space<vmem>>
        %dma_wait3A_449 = arith.constant 0 : i32
        %dma_wait3A_450 = tpu.memref_slice %arg3[%dma_wait3A, %add3A_446, %dma_wait3A_449] : memref<2x2500x128xi32, #tpu.memory_space<hbm>> -> memref<1x1x128xi32, #tpu.memory_space<hbm>>
        %dma_wait3A_451 = tpu.memref_squeeze %dma_wait3A_450 : memref<1x1x128xi32, #tpu.memory_space<hbm>> -> memref<1x128xi32, #tpu.memory_space<hbm>>
        %dma_wait3A_452 = tpu.memref_slice %arg19[%select_n3A_443] : memref<8x!tpu.dma_semaphore, #tpu.memory_space<semaphore_mem>> -> memref<1x!tpu.dma_semaphore, #tpu.memory_space<semaphore_mem>>
        %dma_wait3A_453 = tpu.memref_squeeze %dma_wait3A_452 : memref<1x!tpu.dma_semaphore, #tpu.memory_space<semaphore_mem>> -> memref<!tpu.dma_semaphore, #tpu.memory_space<semaphore_mem>>
        %dma_wait3A_454 = arith.constant 0 : i32
        %dma_wait3A_455 = tpu.memref_slice %arg12[%select_n3A_443, %dma_wait3A_454] : memref<8x128xi32, #tpu.memory_space<vmem>> -> memref<1x128xi32, #tpu.memory_space<vmem>>
        %dma_wait3A_456 = arith.constant 0 : i32
        %dma_wait3A_457 = tpu.memref_slice %arg3[%dma_wait3A, %add3A_446, %dma_wait3A_456] : memref<2x2500x128xi32, #tpu.memory_space<hbm>> -> memref<1x1x128xi32, #tpu.memory_space<hbm>>
        %dma_wait3A_458 = tpu.memref_squeeze %dma_wait3A_457 : memref<1x1x128xi32, #tpu.memory_space<hbm>> -> memref<1x128xi32, #tpu.memory_space<hbm>>
        tpu.wait_dma2 semaphore(%dma_wait3A_453 : memref<!tpu.dma_semaphore, #tpu.memory_space<semaphore_mem>>) src(%dma_wait3A_458 : memref<1x128xi32, #tpu.memory_space<hbm>>) dst(%dma_wait3A_455 : memref<1x128xi32, #tpu.memory_space<vmem>>)
        %mul3A_459 = arith.constant 16 : i32
        %mul3A_460 = arith.muli %mul3A_459, %add3A_381 : i32
        %add3A_461 = arith.addi %arg1, %mul3A_460 : i32
        %dma_wait3A_462 = arith.constant 1 : i32
        %dma_wait3A_463 = arith.constant 0 : i32
        %dma_wait3A_464 = tpu.memref_slice %arg13[%select_n3A_443, %dma_wait3A_463] : memref<8x128xi32, #tpu.memory_space<vmem>> -> memref<1x128xi32, #tpu.memory_space<vmem>>
        %dma_wait3A_465 = arith.constant 0 : i32
        %dma_wait3A_466 = tpu.memref_slice %arg3[%dma_wait3A_462, %add3A_461, %dma_wait3A_465] : memref<2x2500x128xi32, #tpu.memory_space<hbm>> -> memref<1x1x128xi32, #tpu.memory_space<hbm>>
        %dma_wait3A_467 = tpu.memref_squeeze %dma_wait3A_466 : memref<1x1x128xi32, #tpu.memory_space<hbm>> -> memref<1x128xi32, #tpu.memory_space<hbm>>
        %dma_wait3A_468 = tpu.memref_slice %arg19[%select_n3A_443] : memref<8x!tpu.dma_semaphore, #tpu.memory_space<semaphore_mem>> -> memref<1x!tpu.dma_semaphore, #tpu.memory_space<semaphore_mem>>
        %dma_wait3A_469 = tpu.memref_squeeze %dma_wait3A_468 : memref<1x!tpu.dma_semaphore, #tpu.memory_space<semaphore_mem>> -> memref<!tpu.dma_semaphore, #tpu.memory_space<semaphore_mem>>
        %dma_wait3A_470 = arith.constant 0 : i32
        %dma_wait3A_471 = tpu.memref_slice %arg13[%select_n3A_443, %dma_wait3A_470] : memref<8x128xi32, #tpu.memory_space<vmem>> -> memref<1x128xi32, #tpu.memory_space<vmem>>
        %dma_wait3A_472 = arith.constant 0 : i32
        %dma_wait3A_473 = tpu.memref_slice %arg3[%dma_wait3A_462, %add3A_461, %dma_wait3A_472] : memref<2x2500x128xi32, #tpu.memory_space<hbm>> -> memref<1x1x128xi32, #tpu.memory_space<hbm>>
        %dma_wait3A_474 = tpu.memref_squeeze %dma_wait3A_473 : memref<1x1x128xi32, #tpu.memory_space<hbm>> -> memref<1x128xi32, #tpu.memory_space<hbm>>
        tpu.wait_dma2 semaphore(%dma_wait3A_469 : memref<!tpu.dma_semaphore, #tpu.memory_space<semaphore_mem>>) src(%dma_wait3A_474 : memref<1x128xi32, #tpu.memory_space<hbm>>) dst(%dma_wait3A_471 : memref<1x128xi32, #tpu.memory_space<vmem>>)
        %dma_start3A_475 = arith.constant 1 : i32
        %dma_start3A_476 = arith.constant 1 : i32
        %dma_start3A_477 = arith.constant 0 : i32
        %dma_start3A_478 = arith.constant 0 : i32
        %dma_start3A_479 = tpu.memref_slice %arg14[%dma_start3A_475, %dma_start3A_477, %dma_start3A_478] : memref<4x128x64xf32, #tpu.memory_space<vmem>> -> memref<1x128x64xf32, #tpu.memory_space<vmem>>
        %dma_start3A_480 = tpu.memref_squeeze %dma_start3A_479 : memref<1x128x64xf32, #tpu.memory_space<vmem>> -> memref<128x64xf32, #tpu.memory_space<vmem>>
        %dma_start3A_481 = arith.constant 0 : i32
        %dma_start3A_482 = tpu.memref_slice %arg12[%select_n3A_443, %dma_start3A_481] : memref<8x128xi32, #tpu.memory_space<vmem>> -> memref<1x128xi32, #tpu.memory_space<vmem>>
        %dma_start3A_483 = tpu.memref_squeeze %dma_start3A_482 : memref<1x128xi32, #tpu.memory_space<vmem>> -> memref<128xi32, #tpu.memory_space<vmem>>
        %dma_start3A_484 = arith.constant 0 : i32
        %dma_start3A_485 = arith.constant 0 : i32
        %dma_start3A_486 = tpu.memref_slice %arg9[%dma_start3A_484, %dma_start3A_485] : memref<10000x64xf32, #tpu.memory_space<vmem_shared>> -> memref<10000x64xf32, #tpu.memory_space<vmem_shared>>
        %dma_start3A_487 = tpu.memref_slice %arg18[%dma_start3A_476] : memref<4x!tpu.dma_semaphore, #tpu.memory_space<semaphore_mem>> -> memref<1x!tpu.dma_semaphore, #tpu.memory_space<semaphore_mem>>
        %dma_start3A_488 = tpu.memref_squeeze %dma_start3A_487 : memref<1x!tpu.dma_semaphore, #tpu.memory_space<semaphore_mem>> -> memref<!tpu.dma_semaphore, #tpu.memory_space<semaphore_mem>>
        tpu.enqueue_indirect_dma source(%dma_start3A_486 : memref<10000x64xf32, #tpu.memory_space<vmem_shared>>) target(%dma_start3A_480 : memref<128x64xf32, #tpu.memory_space<vmem>>) offsets(%dma_start3A_483 : memref<128xi32, #tpu.memory_space<vmem>>) semaphore(%dma_start3A_488 : memref<!tpu.dma_semaphore, #tpu.memory_space<semaphore_mem>>)
      } else {
      }
      %mul3A_395 = arith.constant 4 : i32
      %mul3A_396 = arith.muli %while3A_363, %mul3A_395 : i32
      %add3A_397 = arith.constant 2 : i32
      %add3A_398 = arith.addi %mul3A_396, %add3A_397 : i32
      %ge3A_399 = arith.constant 4 : i32
      %ge3A_400 = arith.cmpi sge, %add3A_398, %ge3A_399 : i32
      %sub3A_401 = arith.constant 4 : i32
      %sub3A_402 = arith.subi %add3A_398, %sub3A_401 : i32
      %lt3A_403 = arith.cmpi slt, %sub3A_402, %add3A_2 : i32
      %and3A_404 = arith.andi %ge3A_400, %lt3A_403 : i1
      %convert_element_type3A_405 = arith.extui %and3A_404 : i1 to i32
      %cond3A_406 = arith.constant 0 : i32
      %cond3A_407 = arith.cmpi ne, %convert_element_type3A_405, %cond3A_406 : i32
      scf.if %cond3A_407 {
        %sub3A_429 = arith.constant 4 : i32
        %sub3A_430 = arith.subi %add3A_398, %sub3A_429 : i32
        %jit3A_431 = arith.constant 8 : i32
        %eq3A = arith.constant 0 : i32
        %eq3A_432 = arith.cmpi eq, %jit3A_431, %eq3A : i32
        %jit3A_433 = arith.constant 1 : i32
        %select_n3A_434 = arith.select %eq3A_432, %jit3A_433, %jit3A_431 : i32
        %rem3A_435 = arith.remsi %sub3A_430, %select_n3A_434 : i32
        %ne3A_436 = arith.constant 0 : i32
        %ne3A_437 = arith.cmpi ne, %rem3A_435, %ne3A_436 : i32
        %lt3A_438 = arith.constant 0 : i32
        %lt3A_439 = arith.cmpi slt, %rem3A_435, %lt3A_438 : i32
        %lt3A_440 = arith.constant 0 : i32
        %lt3A_441 = arith.cmpi slt, %select_n3A_434, %lt3A_440 : i32
        %ne3A_442 = arith.xori %lt3A_439, %lt3A_441 : i1
        %and3A_443 = arith.andi %ne3A_442, %ne3A_437 : i1
        %add3A_444 = arith.addi %rem3A_435, %select_n3A_434 : i32
        %select_n3A_445 = arith.select %and3A_443, %add3A_444, %rem3A_435 : i32
        %dma_wait3A = arith.constant 2 : i32
        %dma_wait3A_446 = arith.constant 2 : i32
        %dma_wait3A_447 = arith.constant 0 : i32
        %dma_wait3A_448 = arith.constant 0 : i32
        %dma_wait3A_449 = tpu.memref_slice %arg14[%dma_wait3A, %dma_wait3A_447, %dma_wait3A_448] : memref<4x128x64xf32, #tpu.memory_space<vmem>> -> memref<1x128x64xf32, #tpu.memory_space<vmem>>
        %dma_wait3A_450 = tpu.memref_squeeze %dma_wait3A_449 : memref<1x128x64xf32, #tpu.memory_space<vmem>> -> memref<128x64xf32, #tpu.memory_space<vmem>>
        %dma_wait3A_451 = arith.constant 0 : i32
        %dma_wait3A_452 = tpu.memref_slice %arg12[%select_n3A_445, %dma_wait3A_451] : memref<8x128xi32, #tpu.memory_space<vmem>> -> memref<1x128xi32, #tpu.memory_space<vmem>>
        %dma_wait3A_453 = tpu.memref_squeeze %dma_wait3A_452 : memref<1x128xi32, #tpu.memory_space<vmem>> -> memref<128xi32, #tpu.memory_space<vmem>>
        %dma_wait3A_454 = arith.constant 0 : i32
        %dma_wait3A_455 = arith.constant 0 : i32
        %dma_wait3A_456 = tpu.memref_slice %arg9[%dma_wait3A_454, %dma_wait3A_455] : memref<10000x64xf32, #tpu.memory_space<vmem_shared>> -> memref<10000x64xf32, #tpu.memory_space<vmem_shared>>
        %dma_wait3A_457 = tpu.memref_slice %arg18[%dma_wait3A_446] : memref<4x!tpu.dma_semaphore, #tpu.memory_space<semaphore_mem>> -> memref<1x!tpu.dma_semaphore, #tpu.memory_space<semaphore_mem>>
        %dma_wait3A_458 = tpu.memref_squeeze %dma_wait3A_457 : memref<1x!tpu.dma_semaphore, #tpu.memory_space<semaphore_mem>> -> memref<!tpu.dma_semaphore, #tpu.memory_space<semaphore_mem>>
        tpu.wait_indirect_dma semaphore(%dma_wait3A_458 : memref<!tpu.dma_semaphore, #tpu.memory_space<semaphore_mem>>) src(%dma_wait3A_456 : memref<10000x64xf32, #tpu.memory_space<vmem_shared>>) dst(%dma_wait3A_450 : memref<128x64xf32, #tpu.memory_space<vmem>>)
        %run_scoped3A = arith.constant 2 : i32
        "tpu.region"() ({
          %run_scoped3A_470 = tpu.sem_alloc : memref<!tpu.dma_semaphore, #tpu.memory_space<semaphore_mem>>
          %dma_start3A_471 = arith.constant 0 : i32
          %dma_start3A_472 = arith.constant 0 : i32
          %dma_start3A_473 = tpu.memref_slice %arg14[%run_scoped3A, %dma_start3A_471, %dma_start3A_472] : memref<4x128x64xf32, #tpu.memory_space<vmem>> -> memref<1x128x64xf32, #tpu.memory_space<vmem>>
          %dma_start3A_474 = tpu.memref_squeeze %dma_start3A_473 : memref<1x128x64xf32, #tpu.memory_space<vmem>> -> memref<128x64xf32, #tpu.memory_space<vmem>>
          %dma_start3A_475 = arith.constant 0 : i32
          %dma_start3A_476 = tpu.memref_slice %arg13[%select_n3A_445, %dma_start3A_475] : memref<8x128xi32, #tpu.memory_space<vmem>> -> memref<1x128xi32, #tpu.memory_space<vmem>>
          %dma_start3A_477 = tpu.memref_squeeze %dma_start3A_476 : memref<1x128xi32, #tpu.memory_space<vmem>> -> memref<128xi32, #tpu.memory_space<vmem>>
          %dma_start3A_478 = arith.constant 0 : i32
          %dma_start3A_479 = arith.constant 0 : i32
          %dma_start3A_480 = tpu.memref_slice %arg10[%dma_start3A_478, %dma_start3A_479] : memref<10112x64xf32, #tpu.memory_space<vmem_shared>> -> memref<10112x64xf32, #tpu.memory_space<vmem_shared>>
          tpu.enqueue_indirect_dma source(%dma_start3A_474 : memref<128x64xf32, #tpu.memory_space<vmem>>) target(%dma_start3A_480 : memref<10112x64xf32, #tpu.memory_space<vmem_shared>>) offsets(%dma_start3A_477 : memref<128xi32, #tpu.memory_space<vmem>>) semaphore(%run_scoped3A_470 : memref<!tpu.dma_semaphore, #tpu.memory_space<semaphore_mem>>) {add = true}
          %dma_wait3A_481 = arith.constant 0 : i32
          %dma_wait3A_482 = arith.constant 0 : i32
          %dma_wait3A_483 = tpu.memref_slice %arg14[%run_scoped3A, %dma_wait3A_481, %dma_wait3A_482] : memref<4x128x64xf32, #tpu.memory_space<vmem>> -> memref<1x128x64xf32, #tpu.memory_space<vmem>>
          %dma_wait3A_484 = tpu.memref_squeeze %dma_wait3A_483 : memref<1x128x64xf32, #tpu.memory_space<vmem>> -> memref<128x64xf32, #tpu.memory_space<vmem>>
          %dma_wait3A_485 = arith.constant 0 : i32
          %dma_wait3A_486 = tpu.memref_slice %arg13[%select_n3A_445, %dma_wait3A_485] : memref<8x128xi32, #tpu.memory_space<vmem>> -> memref<1x128xi32, #tpu.memory_space<vmem>>
          %dma_wait3A_487 = tpu.memref_squeeze %dma_wait3A_486 : memref<1x128xi32, #tpu.memory_space<vmem>> -> memref<128xi32, #tpu.memory_space<vmem>>
          %dma_wait3A_488 = arith.constant 0 : i32
          %dma_wait3A_489 = arith.constant 0 : i32
          %dma_wait3A_490 = tpu.memref_slice %arg10[%dma_wait3A_488, %dma_wait3A_489] : memref<10112x64xf32, #tpu.memory_space<vmem_shared>> -> memref<10112x64xf32, #tpu.memory_space<vmem_shared>>
          tpu.wait_indirect_dma semaphore(%run_scoped3A_470 : memref<!tpu.dma_semaphore, #tpu.memory_space<semaphore_mem>>) src(%dma_wait3A_484 : memref<128x64xf32, #tpu.memory_space<vmem>>) dst(%dma_wait3A_490 : memref<10112x64xf32, #tpu.memory_space<vmem_shared>>)
          tpu.yield
        }) : () -> ()
        %eq3A_459 = arith.constant 0 : i32
        %eq3A_460 = arith.cmpi eq, %arg0, %eq3A_459 : i32
        %convert_element_type3A_461 = arith.extui %eq3A_460 : i1 to i32
        %cond3A_462 = arith.constant 0 : i32
        %cond3A_463 = arith.cmpi ne, %convert_element_type3A_461, %cond3A_462 : i32
        scf.if %cond3A_463 {
          "tpu.region"() ({
            %run_scoped3A_470 = tpu.sem_alloc : memref<!tpu.dma_semaphore, #tpu.memory_space<semaphore_mem>>
            %dma_start3A_471 = arith.constant 0 : i32
            %dma_start3A_472 = tpu.memref_slice %arg13[%select_n3A_445, %dma_start3A_471] : memref<8x128xi32, #tpu.memory_space<vmem>> -> memref<1x128xi32, #tpu.memory_space<vmem>>
            %dma_start3A_473 = tpu.memref_squeeze %dma_start3A_472 : memref<1x128xi32, #tpu.memory_space<vmem>> -> memref<128xi32, #tpu.memory_space<vmem>>
            %dma_start3A_474 = arith.constant 0 : i32
            %dma_start3A_475 = arith.constant 0 : i32
            %dma_start3A_476 = tpu.memref_slice %arg11[%dma_start3A_474, %dma_start3A_475] : memref<10112x8xf32, #tpu.memory_space<vmem_shared>> -> memref<10112x8xf32, #tpu.memory_space<vmem_shared>>
            tpu.enqueue_indirect_dma source(%arg15 : memref<128x8xf32, #tpu.memory_space<vmem>>) target(%dma_start3A_476 : memref<10112x8xf32, #tpu.memory_space<vmem_shared>>) offsets(%dma_start3A_473 : memref<128xi32, #tpu.memory_space<vmem>>) semaphore(%run_scoped3A_470 : memref<!tpu.dma_semaphore, #tpu.memory_space<semaphore_mem>>) {add = true}
            %dma_wait3A_477 = arith.constant 0 : i32
            %dma_wait3A_478 = tpu.memref_slice %arg13[%select_n3A_445, %dma_wait3A_477] : memref<8x128xi32, #tpu.memory_space<vmem>> -> memref<1x128xi32, #tpu.memory_space<vmem>>
            %dma_wait3A_479 = tpu.memref_squeeze %dma_wait3A_478 : memref<1x128xi32, #tpu.memory_space<vmem>> -> memref<128xi32, #tpu.memory_space<vmem>>
            %dma_wait3A_480 = arith.constant 0 : i32
            %dma_wait3A_481 = arith.constant 0 : i32
            %dma_wait3A_482 = tpu.memref_slice %arg11[%dma_wait3A_480, %dma_wait3A_481] : memref<10112x8xf32, #tpu.memory_space<vmem_shared>> -> memref<10112x8xf32, #tpu.memory_space<vmem_shared>>
            tpu.wait_indirect_dma semaphore(%run_scoped3A_470 : memref<!tpu.dma_semaphore, #tpu.memory_space<semaphore_mem>>) src(%arg15 : memref<128x8xf32, #tpu.memory_space<vmem>>) dst(%dma_wait3A_482 : memref<10112x8xf32, #tpu.memory_space<vmem_shared>>)
            tpu.yield
          }) : () -> ()
        } else {
        }
        %add3A_464 = arith.constant 4 : i32
        %add3A_465 = arith.addi %add3A_398, %add3A_464 : i32
        %lt3A_466 = arith.cmpi slt, %add3A_465, %add3A_2 : i32
        %convert_element_type3A_467 = arith.extui %lt3A_466 : i1 to i32
        %cond3A_468 = arith.constant 0 : i32
        %cond3A_469 = arith.cmpi ne, %convert_element_type3A_467, %cond3A_468 : i32
        scf.if %cond3A_469 {
          %add3A_470 = arith.constant 4 : i32
          %add3A_471 = arith.addi %add3A_398, %add3A_470 : i32
          %jit3A_472 = arith.constant 8 : i32
          %eq3A_473 = arith.constant 0 : i32
          %eq3A_474 = arith.cmpi eq, %jit3A_472, %eq3A_473 : i32
          %jit3A_475 = arith.constant 1 : i32
          %select_n3A_476 = arith.select %eq3A_474, %jit3A_475, %jit3A_472 : i32
          %rem3A_477 = arith.remsi %add3A_471, %select_n3A_476 : i32
          %ne3A_478 = arith.constant 0 : i32
          %ne3A_479 = arith.cmpi ne, %rem3A_477, %ne3A_478 : i32
          %lt3A_480 = arith.constant 0 : i32
          %lt3A_481 = arith.cmpi slt, %rem3A_477, %lt3A_480 : i32
          %lt3A_482 = arith.constant 0 : i32
          %lt3A_483 = arith.cmpi slt, %select_n3A_476, %lt3A_482 : i32
          %ne3A_484 = arith.xori %lt3A_481, %lt3A_483 : i1
          %and3A_485 = arith.andi %ne3A_484, %ne3A_479 : i1
          %add3A_486 = arith.addi %rem3A_477, %select_n3A_476 : i32
          %select_n3A_487 = arith.select %and3A_485, %add3A_486, %rem3A_477 : i32
          %mul3A_488 = arith.constant 16 : i32
          %mul3A_489 = arith.muli %mul3A_488, %add3A_471 : i32
          %add3A_490 = arith.addi %arg1, %mul3A_489 : i32
          %dma_start3A_491 = arith.constant 0 : i32
          %dma_start3A_492 = arith.constant 0 : i32
          %dma_start3A_493 = tpu.memref_slice %arg12[%select_n3A_487, %dma_start3A_492] : memref<8x128xi32, #tpu.memory_space<vmem>> -> memref<1x128xi32, #tpu.memory_space<vmem>>
          %dma_start3A_494 = arith.constant 0 : i32
          %dma_start3A_495 = tpu.memref_slice %arg3[%dma_start3A_491, %add3A_490, %dma_start3A_494] : memref<2x2500x128xi32, #tpu.memory_space<hbm>> -> memref<1x1x128xi32, #tpu.memory_space<hbm>>
          %dma_start3A_496 = tpu.memref_squeeze %dma_start3A_495 : memref<1x1x128xi32, #tpu.memory_space<hbm>> -> memref<1x128xi32, #tpu.memory_space<hbm>>
          %dma_start3A_497 = tpu.memref_slice %arg19[%select_n3A_487] : memref<8x!tpu.dma_semaphore, #tpu.memory_space<semaphore_mem>> -> memref<1x!tpu.dma_semaphore, #tpu.memory_space<semaphore_mem>>
          %dma_start3A_498 = tpu.memref_squeeze %dma_start3A_497 : memref<1x!tpu.dma_semaphore, #tpu.memory_space<semaphore_mem>> -> memref<!tpu.dma_semaphore, #tpu.memory_space<semaphore_mem>>
          %dma_start3A_499 = arith.constant 0 : i32
          %dma_start3A_500 = tpu.memref_slice %arg12[%select_n3A_487, %dma_start3A_499] : memref<8x128xi32, #tpu.memory_space<vmem>> -> memref<1x128xi32, #tpu.memory_space<vmem>>
          %dma_start3A_501 = arith.constant 0 : i32
          %dma_start3A_502 = tpu.memref_slice %arg3[%dma_start3A_491, %add3A_490, %dma_start3A_501] : memref<2x2500x128xi32, #tpu.memory_space<hbm>> -> memref<1x1x128xi32, #tpu.memory_space<hbm>>
          %dma_start3A_503 = tpu.memref_squeeze %dma_start3A_502 : memref<1x1x128xi32, #tpu.memory_space<hbm>> -> memref<1x128xi32, #tpu.memory_space<hbm>>
          tpu.enqueue_dma source(%dma_start3A_503 : memref<1x128xi32, #tpu.memory_space<hbm>>) target(%dma_start3A_500 : memref<1x128xi32, #tpu.memory_space<vmem>>) target_semaphore(%dma_start3A_498 : memref<!tpu.dma_semaphore, #tpu.memory_space<semaphore_mem>>)
          %mul3A_504 = arith.constant 16 : i32
          %mul3A_505 = arith.muli %mul3A_504, %add3A_471 : i32
          %add3A_506 = arith.addi %arg1, %mul3A_505 : i32
          %dma_start3A_507 = arith.constant 1 : i32
          %dma_start3A_508 = arith.constant 0 : i32
          %dma_start3A_509 = tpu.memref_slice %arg13[%select_n3A_487, %dma_start3A_508] : memref<8x128xi32, #tpu.memory_space<vmem>> -> memref<1x128xi32, #tpu.memory_space<vmem>>
          %dma_start3A_510 = arith.constant 0 : i32
          %dma_start3A_511 = tpu.memref_slice %arg3[%dma_start3A_507, %add3A_506, %dma_start3A_510] : memref<2x2500x128xi32, #tpu.memory_space<hbm>> -> memref<1x1x128xi32, #tpu.memory_space<hbm>>
          %dma_start3A_512 = tpu.memref_squeeze %dma_start3A_511 : memref<1x1x128xi32, #tpu.memory_space<hbm>> -> memref<1x128xi32, #tpu.memory_space<hbm>>
          %dma_start3A_513 = tpu.memref_slice %arg19[%select_n3A_487] : memref<8x!tpu.dma_semaphore, #tpu.memory_space<semaphore_mem>> -> memref<1x!tpu.dma_semaphore, #tpu.memory_space<semaphore_mem>>
          %dma_start3A_514 = tpu.memref_squeeze %dma_start3A_513 : memref<1x!tpu.dma_semaphore, #tpu.memory_space<semaphore_mem>> -> memref<!tpu.dma_semaphore, #tpu.memory_space<semaphore_mem>>
          %dma_start3A_515 = arith.constant 0 : i32
          %dma_start3A_516 = tpu.memref_slice %arg13[%select_n3A_487, %dma_start3A_515] : memref<8x128xi32, #tpu.memory_space<vmem>> -> memref<1x128xi32, #tpu.memory_space<vmem>>
          %dma_start3A_517 = arith.constant 0 : i32
          %dma_start3A_518 = tpu.memref_slice %arg3[%dma_start3A_507, %add3A_506, %dma_start3A_517] : memref<2x2500x128xi32, #tpu.memory_space<hbm>> -> memref<1x1x128xi32, #tpu.memory_space<hbm>>
          %dma_start3A_519 = tpu.memref_squeeze %dma_start3A_518 : memref<1x1x128xi32, #tpu.memory_space<hbm>> -> memref<1x128xi32, #tpu.memory_space<hbm>>
          tpu.enqueue_dma source(%dma_start3A_519 : memref<1x128xi32, #tpu.memory_space<hbm>>) target(%dma_start3A_516 : memref<1x128xi32, #tpu.memory_space<vmem>>) target_semaphore(%dma_start3A_514 : memref<!tpu.dma_semaphore, #tpu.memory_space<semaphore_mem>>)
        } else {
        }
      } else {
      }
      %lt3A_408 = arith.cmpi slt, %add3A_398, %add3A_2 : i32
      %convert_element_type3A_409 = arith.extui %lt3A_408 : i1 to i32
      %cond3A_410 = arith.constant 0 : i32
      %cond3A_411 = arith.cmpi ne, %convert_element_type3A_409, %cond3A_410 : i32
      scf.if %cond3A_411 {
        %jit3A_429 = arith.constant 8 : i32
        %eq3A = arith.constant 0 : i32
        %eq3A_430 = arith.cmpi eq, %jit3A_429, %eq3A : i32
        %jit3A_431 = arith.constant 1 : i32
        %select_n3A_432 = arith.select %eq3A_430, %jit3A_431, %jit3A_429 : i32
        %rem3A_433 = arith.remsi %add3A_398, %select_n3A_432 : i32
        %ne3A_434 = arith.constant 0 : i32
        %ne3A_435 = arith.cmpi ne, %rem3A_433, %ne3A_434 : i32
        %lt3A_436 = arith.constant 0 : i32
        %lt3A_437 = arith.cmpi slt, %rem3A_433, %lt3A_436 : i32
        %lt3A_438 = arith.constant 0 : i32
        %lt3A_439 = arith.cmpi slt, %select_n3A_432, %lt3A_438 : i32
        %ne3A_440 = arith.xori %lt3A_437, %lt3A_439 : i1
        %and3A_441 = arith.andi %ne3A_440, %ne3A_435 : i1
        %add3A_442 = arith.addi %rem3A_433, %select_n3A_432 : i32
        %select_n3A_443 = arith.select %and3A_441, %add3A_442, %rem3A_433 : i32
        %mul3A_444 = arith.constant 16 : i32
        %mul3A_445 = arith.muli %mul3A_444, %add3A_398 : i32
        %add3A_446 = arith.addi %arg1, %mul3A_445 : i32
        %dma_wait3A = arith.constant 0 : i32
        %dma_wait3A_447 = arith.constant 0 : i32
        %dma_wait3A_448 = tpu.memref_slice %arg12[%select_n3A_443, %dma_wait3A_447] : memref<8x128xi32, #tpu.memory_space<vmem>> -> memref<1x128xi32, #tpu.memory_space<vmem>>
        %dma_wait3A_449 = arith.constant 0 : i32
        %dma_wait3A_450 = tpu.memref_slice %arg3[%dma_wait3A, %add3A_446, %dma_wait3A_449] : memref<2x2500x128xi32, #tpu.memory_space<hbm>> -> memref<1x1x128xi32, #tpu.memory_space<hbm>>
        %dma_wait3A_451 = tpu.memref_squeeze %dma_wait3A_450 : memref<1x1x128xi32, #tpu.memory_space<hbm>> -> memref<1x128xi32, #tpu.memory_space<hbm>>
        %dma_wait3A_452 = tpu.memref_slice %arg19[%select_n3A_443] : memref<8x!tpu.dma_semaphore, #tpu.memory_space<semaphore_mem>> -> memref<1x!tpu.dma_semaphore, #tpu.memory_space<semaphore_mem>>
        %dma_wait3A_453 = tpu.memref_squeeze %dma_wait3A_452 : memref<1x!tpu.dma_semaphore, #tpu.memory_space<semaphore_mem>> -> memref<!tpu.dma_semaphore, #tpu.memory_space<semaphore_mem>>
        %dma_wait3A_454 = arith.constant 0 : i32
        %dma_wait3A_455 = tpu.memref_slice %arg12[%select_n3A_443, %dma_wait3A_454] : memref<8x128xi32, #tpu.memory_space<vmem>> -> memref<1x128xi32, #tpu.memory_space<vmem>>
        %dma_wait3A_456 = arith.constant 0 : i32
        %dma_wait3A_457 = tpu.memref_slice %arg3[%dma_wait3A, %add3A_446, %dma_wait3A_456] : memref<2x2500x128xi32, #tpu.memory_space<hbm>> -> memref<1x1x128xi32, #tpu.memory_space<hbm>>
        %dma_wait3A_458 = tpu.memref_squeeze %dma_wait3A_457 : memref<1x1x128xi32, #tpu.memory_space<hbm>> -> memref<1x128xi32, #tpu.memory_space<hbm>>
        tpu.wait_dma2 semaphore(%dma_wait3A_453 : memref<!tpu.dma_semaphore, #tpu.memory_space<semaphore_mem>>) src(%dma_wait3A_458 : memref<1x128xi32, #tpu.memory_space<hbm>>) dst(%dma_wait3A_455 : memref<1x128xi32, #tpu.memory_space<vmem>>)
        %mul3A_459 = arith.constant 16 : i32
        %mul3A_460 = arith.muli %mul3A_459, %add3A_398 : i32
        %add3A_461 = arith.addi %arg1, %mul3A_460 : i32
        %dma_wait3A_462 = arith.constant 1 : i32
        %dma_wait3A_463 = arith.constant 0 : i32
        %dma_wait3A_464 = tpu.memref_slice %arg13[%select_n3A_443, %dma_wait3A_463] : memref<8x128xi32, #tpu.memory_space<vmem>> -> memref<1x128xi32, #tpu.memory_space<vmem>>
        %dma_wait3A_465 = arith.constant 0 : i32
        %dma_wait3A_466 = tpu.memref_slice %arg3[%dma_wait3A_462, %add3A_461, %dma_wait3A_465] : memref<2x2500x128xi32, #tpu.memory_space<hbm>> -> memref<1x1x128xi32, #tpu.memory_space<hbm>>
        %dma_wait3A_467 = tpu.memref_squeeze %dma_wait3A_466 : memref<1x1x128xi32, #tpu.memory_space<hbm>> -> memref<1x128xi32, #tpu.memory_space<hbm>>
        %dma_wait3A_468 = tpu.memref_slice %arg19[%select_n3A_443] : memref<8x!tpu.dma_semaphore, #tpu.memory_space<semaphore_mem>> -> memref<1x!tpu.dma_semaphore, #tpu.memory_space<semaphore_mem>>
        %dma_wait3A_469 = tpu.memref_squeeze %dma_wait3A_468 : memref<1x!tpu.dma_semaphore, #tpu.memory_space<semaphore_mem>> -> memref<!tpu.dma_semaphore, #tpu.memory_space<semaphore_mem>>
        %dma_wait3A_470 = arith.constant 0 : i32
        %dma_wait3A_471 = tpu.memref_slice %arg13[%select_n3A_443, %dma_wait3A_470] : memref<8x128xi32, #tpu.memory_space<vmem>> -> memref<1x128xi32, #tpu.memory_space<vmem>>
        %dma_wait3A_472 = arith.constant 0 : i32
        %dma_wait3A_473 = tpu.memref_slice %arg3[%dma_wait3A_462, %add3A_461, %dma_wait3A_472] : memref<2x2500x128xi32, #tpu.memory_space<hbm>> -> memref<1x1x128xi32, #tpu.memory_space<hbm>>
        %dma_wait3A_474 = tpu.memref_squeeze %dma_wait3A_473 : memref<1x1x128xi32, #tpu.memory_space<hbm>> -> memref<1x128xi32, #tpu.memory_space<hbm>>
        tpu.wait_dma2 semaphore(%dma_wait3A_469 : memref<!tpu.dma_semaphore, #tpu.memory_space<semaphore_mem>>) src(%dma_wait3A_474 : memref<1x128xi32, #tpu.memory_space<hbm>>) dst(%dma_wait3A_471 : memref<1x128xi32, #tpu.memory_space<vmem>>)
        %dma_start3A_475 = arith.constant 2 : i32
        %dma_start3A_476 = arith.constant 2 : i32
        %dma_start3A_477 = arith.constant 0 : i32
        %dma_start3A_478 = arith.constant 0 : i32
        %dma_start3A_479 = tpu.memref_slice %arg14[%dma_start3A_475, %dma_start3A_477, %dma_start3A_478] : memref<4x128x64xf32, #tpu.memory_space<vmem>> -> memref<1x128x64xf32, #tpu.memory_space<vmem>>
        %dma_start3A_480 = tpu.memref_squeeze %dma_start3A_479 : memref<1x128x64xf32, #tpu.memory_space<vmem>> -> memref<128x64xf32, #tpu.memory_space<vmem>>
        %dma_start3A_481 = arith.constant 0 : i32
        %dma_start3A_482 = tpu.memref_slice %arg12[%select_n3A_443, %dma_start3A_481] : memref<8x128xi32, #tpu.memory_space<vmem>> -> memref<1x128xi32, #tpu.memory_space<vmem>>
        %dma_start3A_483 = tpu.memref_squeeze %dma_start3A_482 : memref<1x128xi32, #tpu.memory_space<vmem>> -> memref<128xi32, #tpu.memory_space<vmem>>
        %dma_start3A_484 = arith.constant 0 : i32
        %dma_start3A_485 = arith.constant 0 : i32
        %dma_start3A_486 = tpu.memref_slice %arg9[%dma_start3A_484, %dma_start3A_485] : memref<10000x64xf32, #tpu.memory_space<vmem_shared>> -> memref<10000x64xf32, #tpu.memory_space<vmem_shared>>
        %dma_start3A_487 = tpu.memref_slice %arg18[%dma_start3A_476] : memref<4x!tpu.dma_semaphore, #tpu.memory_space<semaphore_mem>> -> memref<1x!tpu.dma_semaphore, #tpu.memory_space<semaphore_mem>>
        %dma_start3A_488 = tpu.memref_squeeze %dma_start3A_487 : memref<1x!tpu.dma_semaphore, #tpu.memory_space<semaphore_mem>> -> memref<!tpu.dma_semaphore, #tpu.memory_space<semaphore_mem>>
        tpu.enqueue_indirect_dma source(%dma_start3A_486 : memref<10000x64xf32, #tpu.memory_space<vmem_shared>>) target(%dma_start3A_480 : memref<128x64xf32, #tpu.memory_space<vmem>>) offsets(%dma_start3A_483 : memref<128xi32, #tpu.memory_space<vmem>>) semaphore(%dma_start3A_488 : memref<!tpu.dma_semaphore, #tpu.memory_space<semaphore_mem>>)
      } else {
      }
      %mul3A_412 = arith.constant 4 : i32
      %mul3A_413 = arith.muli %while3A_363, %mul3A_412 : i32
      %add3A_414 = arith.constant 3 : i32
      %add3A_415 = arith.addi %mul3A_413, %add3A_414 : i32
      %ge3A_416 = arith.constant 4 : i32
      %ge3A_417 = arith.cmpi sge, %add3A_415, %ge3A_416 : i32
      %sub3A_418 = arith.constant 4 : i32
      %sub3A_419 = arith.subi %add3A_415, %sub3A_418 : i32
      %lt3A_420 = arith.cmpi slt, %sub3A_419, %add3A_2 : i32
      %and3A_421 = arith.andi %ge3A_417, %lt3A_420 : i1
      %convert_element_type3A_422 = arith.extui %and3A_421 : i1 to i32
      %cond3A_423 = arith.constant 0 : i32
      %cond3A_424 = arith.cmpi ne, %convert_element_type3A_422, %cond3A_423 : i32
      scf.if %cond3A_424 {
        %sub3A_429 = arith.constant 4 : i32
        %sub3A_430 = arith.subi %add3A_415, %sub3A_429 : i32
        %jit3A_431 = arith.constant 8 : i32
        %eq3A = arith.constant 0 : i32
        %eq3A_432 = arith.cmpi eq, %jit3A_431, %eq3A : i32
        %jit3A_433 = arith.constant 1 : i32
        %select_n3A_434 = arith.select %eq3A_432, %jit3A_433, %jit3A_431 : i32
        %rem3A_435 = arith.remsi %sub3A_430, %select_n3A_434 : i32
        %ne3A_436 = arith.constant 0 : i32
        %ne3A_437 = arith.cmpi ne, %rem3A_435, %ne3A_436 : i32
        %lt3A_438 = arith.constant 0 : i32
        %lt3A_439 = arith.cmpi slt, %rem3A_435, %lt3A_438 : i32
        %lt3A_440 = arith.constant 0 : i32
        %lt3A_441 = arith.cmpi slt, %select_n3A_434, %lt3A_440 : i32
        %ne3A_442 = arith.xori %lt3A_439, %lt3A_441 : i1
        %and3A_443 = arith.andi %ne3A_442, %ne3A_437 : i1
        %add3A_444 = arith.addi %rem3A_435, %select_n3A_434 : i32
        %select_n3A_445 = arith.select %and3A_443, %add3A_444, %rem3A_435 : i32
        %dma_wait3A = arith.constant 3 : i32
        %dma_wait3A_446 = arith.constant 3 : i32
        %dma_wait3A_447 = arith.constant 0 : i32
        %dma_wait3A_448 = arith.constant 0 : i32
        %dma_wait3A_449 = tpu.memref_slice %arg14[%dma_wait3A, %dma_wait3A_447, %dma_wait3A_448] : memref<4x128x64xf32, #tpu.memory_space<vmem>> -> memref<1x128x64xf32, #tpu.memory_space<vmem>>
        %dma_wait3A_450 = tpu.memref_squeeze %dma_wait3A_449 : memref<1x128x64xf32, #tpu.memory_space<vmem>> -> memref<128x64xf32, #tpu.memory_space<vmem>>
        %dma_wait3A_451 = arith.constant 0 : i32
        %dma_wait3A_452 = tpu.memref_slice %arg12[%select_n3A_445, %dma_wait3A_451] : memref<8x128xi32, #tpu.memory_space<vmem>> -> memref<1x128xi32, #tpu.memory_space<vmem>>
        %dma_wait3A_453 = tpu.memref_squeeze %dma_wait3A_452 : memref<1x128xi32, #tpu.memory_space<vmem>> -> memref<128xi32, #tpu.memory_space<vmem>>
        %dma_wait3A_454 = arith.constant 0 : i32
        %dma_wait3A_455 = arith.constant 0 : i32
        %dma_wait3A_456 = tpu.memref_slice %arg9[%dma_wait3A_454, %dma_wait3A_455] : memref<10000x64xf32, #tpu.memory_space<vmem_shared>> -> memref<10000x64xf32, #tpu.memory_space<vmem_shared>>
        %dma_wait3A_457 = tpu.memref_slice %arg18[%dma_wait3A_446] : memref<4x!tpu.dma_semaphore, #tpu.memory_space<semaphore_mem>> -> memref<1x!tpu.dma_semaphore, #tpu.memory_space<semaphore_mem>>
        %dma_wait3A_458 = tpu.memref_squeeze %dma_wait3A_457 : memref<1x!tpu.dma_semaphore, #tpu.memory_space<semaphore_mem>> -> memref<!tpu.dma_semaphore, #tpu.memory_space<semaphore_mem>>
        tpu.wait_indirect_dma semaphore(%dma_wait3A_458 : memref<!tpu.dma_semaphore, #tpu.memory_space<semaphore_mem>>) src(%dma_wait3A_456 : memref<10000x64xf32, #tpu.memory_space<vmem_shared>>) dst(%dma_wait3A_450 : memref<128x64xf32, #tpu.memory_space<vmem>>)
        %run_scoped3A = arith.constant 3 : i32
        "tpu.region"() ({
          %run_scoped3A_470 = tpu.sem_alloc : memref<!tpu.dma_semaphore, #tpu.memory_space<semaphore_mem>>
          %dma_start3A_471 = arith.constant 0 : i32
          %dma_start3A_472 = arith.constant 0 : i32
          %dma_start3A_473 = tpu.memref_slice %arg14[%run_scoped3A, %dma_start3A_471, %dma_start3A_472] : memref<4x128x64xf32, #tpu.memory_space<vmem>> -> memref<1x128x64xf32, #tpu.memory_space<vmem>>
          %dma_start3A_474 = tpu.memref_squeeze %dma_start3A_473 : memref<1x128x64xf32, #tpu.memory_space<vmem>> -> memref<128x64xf32, #tpu.memory_space<vmem>>
          %dma_start3A_475 = arith.constant 0 : i32
          %dma_start3A_476 = tpu.memref_slice %arg13[%select_n3A_445, %dma_start3A_475] : memref<8x128xi32, #tpu.memory_space<vmem>> -> memref<1x128xi32, #tpu.memory_space<vmem>>
          %dma_start3A_477 = tpu.memref_squeeze %dma_start3A_476 : memref<1x128xi32, #tpu.memory_space<vmem>> -> memref<128xi32, #tpu.memory_space<vmem>>
          %dma_start3A_478 = arith.constant 0 : i32
          %dma_start3A_479 = arith.constant 0 : i32
          %dma_start3A_480 = tpu.memref_slice %arg10[%dma_start3A_478, %dma_start3A_479] : memref<10112x64xf32, #tpu.memory_space<vmem_shared>> -> memref<10112x64xf32, #tpu.memory_space<vmem_shared>>
          tpu.enqueue_indirect_dma source(%dma_start3A_474 : memref<128x64xf32, #tpu.memory_space<vmem>>) target(%dma_start3A_480 : memref<10112x64xf32, #tpu.memory_space<vmem_shared>>) offsets(%dma_start3A_477 : memref<128xi32, #tpu.memory_space<vmem>>) semaphore(%run_scoped3A_470 : memref<!tpu.dma_semaphore, #tpu.memory_space<semaphore_mem>>) {add = true}
          %dma_wait3A_481 = arith.constant 0 : i32
          %dma_wait3A_482 = arith.constant 0 : i32
          %dma_wait3A_483 = tpu.memref_slice %arg14[%run_scoped3A, %dma_wait3A_481, %dma_wait3A_482] : memref<4x128x64xf32, #tpu.memory_space<vmem>> -> memref<1x128x64xf32, #tpu.memory_space<vmem>>
          %dma_wait3A_484 = tpu.memref_squeeze %dma_wait3A_483 : memref<1x128x64xf32, #tpu.memory_space<vmem>> -> memref<128x64xf32, #tpu.memory_space<vmem>>
          %dma_wait3A_485 = arith.constant 0 : i32
          %dma_wait3A_486 = tpu.memref_slice %arg13[%select_n3A_445, %dma_wait3A_485] : memref<8x128xi32, #tpu.memory_space<vmem>> -> memref<1x128xi32, #tpu.memory_space<vmem>>
          %dma_wait3A_487 = tpu.memref_squeeze %dma_wait3A_486 : memref<1x128xi32, #tpu.memory_space<vmem>> -> memref<128xi32, #tpu.memory_space<vmem>>
          %dma_wait3A_488 = arith.constant 0 : i32
          %dma_wait3A_489 = arith.constant 0 : i32
          %dma_wait3A_490 = tpu.memref_slice %arg10[%dma_wait3A_488, %dma_wait3A_489] : memref<10112x64xf32, #tpu.memory_space<vmem_shared>> -> memref<10112x64xf32, #tpu.memory_space<vmem_shared>>
          tpu.wait_indirect_dma semaphore(%run_scoped3A_470 : memref<!tpu.dma_semaphore, #tpu.memory_space<semaphore_mem>>) src(%dma_wait3A_484 : memref<128x64xf32, #tpu.memory_space<vmem>>) dst(%dma_wait3A_490 : memref<10112x64xf32, #tpu.memory_space<vmem_shared>>)
          tpu.yield
        }) : () -> ()
        %eq3A_459 = arith.constant 1 : i32
        %eq3A_460 = arith.cmpi eq, %arg0, %eq3A_459 : i32
        %convert_element_type3A_461 = arith.extui %eq3A_460 : i1 to i32
        %cond3A_462 = arith.constant 0 : i32
        %cond3A_463 = arith.cmpi ne, %convert_element_type3A_461, %cond3A_462 : i32
        scf.if %cond3A_463 {
          "tpu.region"() ({
            %run_scoped3A_470 = tpu.sem_alloc : memref<!tpu.dma_semaphore, #tpu.memory_space<semaphore_mem>>
            %dma_start3A_471 = arith.constant 0 : i32
            %dma_start3A_472 = tpu.memref_slice %arg13[%select_n3A_445, %dma_start3A_471] : memref<8x128xi32, #tpu.memory_space<vmem>> -> memref<1x128xi32, #tpu.memory_space<vmem>>
            %dma_start3A_473 = tpu.memref_squeeze %dma_start3A_472 : memref<1x128xi32, #tpu.memory_space<vmem>> -> memref<128xi32, #tpu.memory_space<vmem>>
            %dma_start3A_474 = arith.constant 0 : i32
            %dma_start3A_475 = arith.constant 0 : i32
            %dma_start3A_476 = tpu.memref_slice %arg11[%dma_start3A_474, %dma_start3A_475] : memref<10112x8xf32, #tpu.memory_space<vmem_shared>> -> memref<10112x8xf32, #tpu.memory_space<vmem_shared>>
            tpu.enqueue_indirect_dma source(%arg15 : memref<128x8xf32, #tpu.memory_space<vmem>>) target(%dma_start3A_476 : memref<10112x8xf32, #tpu.memory_space<vmem_shared>>) offsets(%dma_start3A_473 : memref<128xi32, #tpu.memory_space<vmem>>) semaphore(%run_scoped3A_470 : memref<!tpu.dma_semaphore, #tpu.memory_space<semaphore_mem>>) {add = true}
            %dma_wait3A_477 = arith.constant 0 : i32
            %dma_wait3A_478 = tpu.memref_slice %arg13[%select_n3A_445, %dma_wait3A_477] : memref<8x128xi32, #tpu.memory_space<vmem>> -> memref<1x128xi32, #tpu.memory_space<vmem>>
            %dma_wait3A_479 = tpu.memref_squeeze %dma_wait3A_478 : memref<1x128xi32, #tpu.memory_space<vmem>> -> memref<128xi32, #tpu.memory_space<vmem>>
            %dma_wait3A_480 = arith.constant 0 : i32
            %dma_wait3A_481 = arith.constant 0 : i32
            %dma_wait3A_482 = tpu.memref_slice %arg11[%dma_wait3A_480, %dma_wait3A_481] : memref<10112x8xf32, #tpu.memory_space<vmem_shared>> -> memref<10112x8xf32, #tpu.memory_space<vmem_shared>>
            tpu.wait_indirect_dma semaphore(%run_scoped3A_470 : memref<!tpu.dma_semaphore, #tpu.memory_space<semaphore_mem>>) src(%arg15 : memref<128x8xf32, #tpu.memory_space<vmem>>) dst(%dma_wait3A_482 : memref<10112x8xf32, #tpu.memory_space<vmem_shared>>)
            tpu.yield
          }) : () -> ()
        } else {
        }
        %add3A_464 = arith.constant 4 : i32
        %add3A_465 = arith.addi %add3A_415, %add3A_464 : i32
        %lt3A_466 = arith.cmpi slt, %add3A_465, %add3A_2 : i32
        %convert_element_type3A_467 = arith.extui %lt3A_466 : i1 to i32
        %cond3A_468 = arith.constant 0 : i32
        %cond3A_469 = arith.cmpi ne, %convert_element_type3A_467, %cond3A_468 : i32
        scf.if %cond3A_469 {
          %add3A_470 = arith.constant 4 : i32
          %add3A_471 = arith.addi %add3A_415, %add3A_470 : i32
          %jit3A_472 = arith.constant 8 : i32
          %eq3A_473 = arith.constant 0 : i32
          %eq3A_474 = arith.cmpi eq, %jit3A_472, %eq3A_473 : i32
          %jit3A_475 = arith.constant 1 : i32
          %select_n3A_476 = arith.select %eq3A_474, %jit3A_475, %jit3A_472 : i32
          %rem3A_477 = arith.remsi %add3A_471, %select_n3A_476 : i32
          %ne3A_478 = arith.constant 0 : i32
          %ne3A_479 = arith.cmpi ne, %rem3A_477, %ne3A_478 : i32
          %lt3A_480 = arith.constant 0 : i32
          %lt3A_481 = arith.cmpi slt, %rem3A_477, %lt3A_480 : i32
          %lt3A_482 = arith.constant 0 : i32
          %lt3A_483 = arith.cmpi slt, %select_n3A_476, %lt3A_482 : i32
          %ne3A_484 = arith.xori %lt3A_481, %lt3A_483 : i1
          %and3A_485 = arith.andi %ne3A_484, %ne3A_479 : i1
          %add3A_486 = arith.addi %rem3A_477, %select_n3A_476 : i32
          %select_n3A_487 = arith.select %and3A_485, %add3A_486, %rem3A_477 : i32
          %mul3A_488 = arith.constant 16 : i32
          %mul3A_489 = arith.muli %mul3A_488, %add3A_471 : i32
          %add3A_490 = arith.addi %arg1, %mul3A_489 : i32
          %dma_start3A_491 = arith.constant 0 : i32
          %dma_start3A_492 = arith.constant 0 : i32
          %dma_start3A_493 = tpu.memref_slice %arg12[%select_n3A_487, %dma_start3A_492] : memref<8x128xi32, #tpu.memory_space<vmem>> -> memref<1x128xi32, #tpu.memory_space<vmem>>
          %dma_start3A_494 = arith.constant 0 : i32
          %dma_start3A_495 = tpu.memref_slice %arg3[%dma_start3A_491, %add3A_490, %dma_start3A_494] : memref<2x2500x128xi32, #tpu.memory_space<hbm>> -> memref<1x1x128xi32, #tpu.memory_space<hbm>>
          %dma_start3A_496 = tpu.memref_squeeze %dma_start3A_495 : memref<1x1x128xi32, #tpu.memory_space<hbm>> -> memref<1x128xi32, #tpu.memory_space<hbm>>
          %dma_start3A_497 = tpu.memref_slice %arg19[%select_n3A_487] : memref<8x!tpu.dma_semaphore, #tpu.memory_space<semaphore_mem>> -> memref<1x!tpu.dma_semaphore, #tpu.memory_space<semaphore_mem>>
          %dma_start3A_498 = tpu.memref_squeeze %dma_start3A_497 : memref<1x!tpu.dma_semaphore, #tpu.memory_space<semaphore_mem>> -> memref<!tpu.dma_semaphore, #tpu.memory_space<semaphore_mem>>
          %dma_start3A_499 = arith.constant 0 : i32
          %dma_start3A_500 = tpu.memref_slice %arg12[%select_n3A_487, %dma_start3A_499] : memref<8x128xi32, #tpu.memory_space<vmem>> -> memref<1x128xi32, #tpu.memory_space<vmem>>
          %dma_start3A_501 = arith.constant 0 : i32
          %dma_start3A_502 = tpu.memref_slice %arg3[%dma_start3A_491, %add3A_490, %dma_start3A_501] : memref<2x2500x128xi32, #tpu.memory_space<hbm>> -> memref<1x1x128xi32, #tpu.memory_space<hbm>>
          %dma_start3A_503 = tpu.memref_squeeze %dma_start3A_502 : memref<1x1x128xi32, #tpu.memory_space<hbm>> -> memref<1x128xi32, #tpu.memory_space<hbm>>
          tpu.enqueue_dma source(%dma_start3A_503 : memref<1x128xi32, #tpu.memory_space<hbm>>) target(%dma_start3A_500 : memref<1x128xi32, #tpu.memory_space<vmem>>) target_semaphore(%dma_start3A_498 : memref<!tpu.dma_semaphore, #tpu.memory_space<semaphore_mem>>)
          %mul3A_504 = arith.constant 16 : i32
          %mul3A_505 = arith.muli %mul3A_504, %add3A_471 : i32
          %add3A_506 = arith.addi %arg1, %mul3A_505 : i32
          %dma_start3A_507 = arith.constant 1 : i32
          %dma_start3A_508 = arith.constant 0 : i32
          %dma_start3A_509 = tpu.memref_slice %arg13[%select_n3A_487, %dma_start3A_508] : memref<8x128xi32, #tpu.memory_space<vmem>> -> memref<1x128xi32, #tpu.memory_space<vmem>>
          %dma_start3A_510 = arith.constant 0 : i32
          %dma_start3A_511 = tpu.memref_slice %arg3[%dma_start3A_507, %add3A_506, %dma_start3A_510] : memref<2x2500x128xi32, #tpu.memory_space<hbm>> -> memref<1x1x128xi32, #tpu.memory_space<hbm>>
          %dma_start3A_512 = tpu.memref_squeeze %dma_start3A_511 : memref<1x1x128xi32, #tpu.memory_space<hbm>> -> memref<1x128xi32, #tpu.memory_space<hbm>>
          %dma_start3A_513 = tpu.memref_slice %arg19[%select_n3A_487] : memref<8x!tpu.dma_semaphore, #tpu.memory_space<semaphore_mem>> -> memref<1x!tpu.dma_semaphore, #tpu.memory_space<semaphore_mem>>
          %dma_start3A_514 = tpu.memref_squeeze %dma_start3A_513 : memref<1x!tpu.dma_semaphore, #tpu.memory_space<semaphore_mem>> -> memref<!tpu.dma_semaphore, #tpu.memory_space<semaphore_mem>>
          %dma_start3A_515 = arith.constant 0 : i32
          %dma_start3A_516 = tpu.memref_slice %arg13[%select_n3A_487, %dma_start3A_515] : memref<8x128xi32, #tpu.memory_space<vmem>> -> memref<1x128xi32, #tpu.memory_space<vmem>>
          %dma_start3A_517 = arith.constant 0 : i32
          %dma_start3A_518 = tpu.memref_slice %arg3[%dma_start3A_507, %add3A_506, %dma_start3A_517] : memref<2x2500x128xi32, #tpu.memory_space<hbm>> -> memref<1x1x128xi32, #tpu.memory_space<hbm>>
          %dma_start3A_519 = tpu.memref_squeeze %dma_start3A_518 : memref<1x1x128xi32, #tpu.memory_space<hbm>> -> memref<1x128xi32, #tpu.memory_space<hbm>>
          tpu.enqueue_dma source(%dma_start3A_519 : memref<1x128xi32, #tpu.memory_space<hbm>>) target(%dma_start3A_516 : memref<1x128xi32, #tpu.memory_space<vmem>>) target_semaphore(%dma_start3A_514 : memref<!tpu.dma_semaphore, #tpu.memory_space<semaphore_mem>>)
        } else {
        }
      } else {
      }
      %lt3A_425 = arith.cmpi slt, %add3A_415, %add3A_2 : i32
      %convert_element_type3A_426 = arith.extui %lt3A_425 : i1 to i32
      %cond3A_427 = arith.constant 0 : i32
      %cond3A_428 = arith.cmpi ne, %convert_element_type3A_426, %cond3A_427 : i32
      scf.if %cond3A_428 {
        %jit3A_429 = arith.constant 8 : i32
        %eq3A = arith.constant 0 : i32
        %eq3A_430 = arith.cmpi eq, %jit3A_429, %eq3A : i32
        %jit3A_431 = arith.constant 1 : i32
        %select_n3A_432 = arith.select %eq3A_430, %jit3A_431, %jit3A_429 : i32
        %rem3A_433 = arith.remsi %add3A_415, %select_n3A_432 : i32
        %ne3A_434 = arith.constant 0 : i32
        %ne3A_435 = arith.cmpi ne, %rem3A_433, %ne3A_434 : i32
        %lt3A_436 = arith.constant 0 : i32
        %lt3A_437 = arith.cmpi slt, %rem3A_433, %lt3A_436 : i32
        %lt3A_438 = arith.constant 0 : i32
        %lt3A_439 = arith.cmpi slt, %select_n3A_432, %lt3A_438 : i32
        %ne3A_440 = arith.xori %lt3A_437, %lt3A_439 : i1
        %and3A_441 = arith.andi %ne3A_440, %ne3A_435 : i1
        %add3A_442 = arith.addi %rem3A_433, %select_n3A_432 : i32
        %select_n3A_443 = arith.select %and3A_441, %add3A_442, %rem3A_433 : i32
        %mul3A_444 = arith.constant 16 : i32
        %mul3A_445 = arith.muli %mul3A_444, %add3A_415 : i32
        %add3A_446 = arith.addi %arg1, %mul3A_445 : i32
        %dma_wait3A = arith.constant 0 : i32
        %dma_wait3A_447 = arith.constant 0 : i32
        %dma_wait3A_448 = tpu.memref_slice %arg12[%select_n3A_443, %dma_wait3A_447] : memref<8x128xi32, #tpu.memory_space<vmem>> -> memref<1x128xi32, #tpu.memory_space<vmem>>
        %dma_wait3A_449 = arith.constant 0 : i32
        %dma_wait3A_450 = tpu.memref_slice %arg3[%dma_wait3A, %add3A_446, %dma_wait3A_449] : memref<2x2500x128xi32, #tpu.memory_space<hbm>> -> memref<1x1x128xi32, #tpu.memory_space<hbm>>
        %dma_wait3A_451 = tpu.memref_squeeze %dma_wait3A_450 : memref<1x1x128xi32, #tpu.memory_space<hbm>> -> memref<1x128xi32, #tpu.memory_space<hbm>>
        %dma_wait3A_452 = tpu.memref_slice %arg19[%select_n3A_443] : memref<8x!tpu.dma_semaphore, #tpu.memory_space<semaphore_mem>> -> memref<1x!tpu.dma_semaphore, #tpu.memory_space<semaphore_mem>>
        %dma_wait3A_453 = tpu.memref_squeeze %dma_wait3A_452 : memref<1x!tpu.dma_semaphore, #tpu.memory_space<semaphore_mem>> -> memref<!tpu.dma_semaphore, #tpu.memory_space<semaphore_mem>>
        %dma_wait3A_454 = arith.constant 0 : i32
        %dma_wait3A_455 = tpu.memref_slice %arg12[%select_n3A_443, %dma_wait3A_454] : memref<8x128xi32, #tpu.memory_space<vmem>> -> memref<1x128xi32, #tpu.memory_space<vmem>>
        %dma_wait3A_456 = arith.constant 0 : i32
        %dma_wait3A_457 = tpu.memref_slice %arg3[%dma_wait3A, %add3A_446, %dma_wait3A_456] : memref<2x2500x128xi32, #tpu.memory_space<hbm>> -> memref<1x1x128xi32, #tpu.memory_space<hbm>>
        %dma_wait3A_458 = tpu.memref_squeeze %dma_wait3A_457 : memref<1x1x128xi32, #tpu.memory_space<hbm>> -> memref<1x128xi32, #tpu.memory_space<hbm>>
        tpu.wait_dma2 semaphore(%dma_wait3A_453 : memref<!tpu.dma_semaphore, #tpu.memory_space<semaphore_mem>>) src(%dma_wait3A_458 : memref<1x128xi32, #tpu.memory_space<hbm>>) dst(%dma_wait3A_455 : memref<1x128xi32, #tpu.memory_space<vmem>>)
        %mul3A_459 = arith.constant 16 : i32
        %mul3A_460 = arith.muli %mul3A_459, %add3A_415 : i32
        %add3A_461 = arith.addi %arg1, %mul3A_460 : i32
        %dma_wait3A_462 = arith.constant 1 : i32
        %dma_wait3A_463 = arith.constant 0 : i32
        %dma_wait3A_464 = tpu.memref_slice %arg13[%select_n3A_443, %dma_wait3A_463] : memref<8x128xi32, #tpu.memory_space<vmem>> -> memref<1x128xi32, #tpu.memory_space<vmem>>
        %dma_wait3A_465 = arith.constant 0 : i32
        %dma_wait3A_466 = tpu.memref_slice %arg3[%dma_wait3A_462, %add3A_461, %dma_wait3A_465] : memref<2x2500x128xi32, #tpu.memory_space<hbm>> -> memref<1x1x128xi32, #tpu.memory_space<hbm>>
        %dma_wait3A_467 = tpu.memref_squeeze %dma_wait3A_466 : memref<1x1x128xi32, #tpu.memory_space<hbm>> -> memref<1x128xi32, #tpu.memory_space<hbm>>
        %dma_wait3A_468 = tpu.memref_slice %arg19[%select_n3A_443] : memref<8x!tpu.dma_semaphore, #tpu.memory_space<semaphore_mem>> -> memref<1x!tpu.dma_semaphore, #tpu.memory_space<semaphore_mem>>
        %dma_wait3A_469 = tpu.memref_squeeze %dma_wait3A_468 : memref<1x!tpu.dma_semaphore, #tpu.memory_space<semaphore_mem>> -> memref<!tpu.dma_semaphore, #tpu.memory_space<semaphore_mem>>
        %dma_wait3A_470 = arith.constant 0 : i32
        %dma_wait3A_471 = tpu.memref_slice %arg13[%select_n3A_443, %dma_wait3A_470] : memref<8x128xi32, #tpu.memory_space<vmem>> -> memref<1x128xi32, #tpu.memory_space<vmem>>
        %dma_wait3A_472 = arith.constant 0 : i32
        %dma_wait3A_473 = tpu.memref_slice %arg3[%dma_wait3A_462, %add3A_461, %dma_wait3A_472] : memref<2x2500x128xi32, #tpu.memory_space<hbm>> -> memref<1x1x128xi32, #tpu.memory_space<hbm>>
        %dma_wait3A_474 = tpu.memref_squeeze %dma_wait3A_473 : memref<1x1x128xi32, #tpu.memory_space<hbm>> -> memref<1x128xi32, #tpu.memory_space<hbm>>
        tpu.wait_dma2 semaphore(%dma_wait3A_469 : memref<!tpu.dma_semaphore, #tpu.memory_space<semaphore_mem>>) src(%dma_wait3A_474 : memref<1x128xi32, #tpu.memory_space<hbm>>) dst(%dma_wait3A_471 : memref<1x128xi32, #tpu.memory_space<vmem>>)
        %dma_start3A_475 = arith.constant 3 : i32
        %dma_start3A_476 = arith.constant 3 : i32
        %dma_start3A_477 = arith.constant 0 : i32
        %dma_start3A_478 = arith.constant 0 : i32
        %dma_start3A_479 = tpu.memref_slice %arg14[%dma_start3A_475, %dma_start3A_477, %dma_start3A_478] : memref<4x128x64xf32, #tpu.memory_space<vmem>> -> memref<1x128x64xf32, #tpu.memory_space<vmem>>
        %dma_start3A_480 = tpu.memref_squeeze %dma_start3A_479 : memref<1x128x64xf32, #tpu.memory_space<vmem>> -> memref<128x64xf32, #tpu.memory_space<vmem>>
        %dma_start3A_481 = arith.constant 0 : i32
        %dma_start3A_482 = tpu.memref_slice %arg12[%select_n3A_443, %dma_start3A_481] : memref<8x128xi32, #tpu.memory_space<vmem>> -> memref<1x128xi32, #tpu.memory_space<vmem>>
        %dma_start3A_483 = tpu.memref_squeeze %dma_start3A_482 : memref<1x128xi32, #tpu.memory_space<vmem>> -> memref<128xi32, #tpu.memory_space<vmem>>
        %dma_start3A_484 = arith.constant 0 : i32
        %dma_start3A_485 = arith.constant 0 : i32
        %dma_start3A_486 = tpu.memref_slice %arg9[%dma_start3A_484, %dma_start3A_485] : memref<10000x64xf32, #tpu.memory_space<vmem_shared>> -> memref<10000x64xf32, #tpu.memory_space<vmem_shared>>
        %dma_start3A_487 = tpu.memref_slice %arg18[%dma_start3A_476] : memref<4x!tpu.dma_semaphore, #tpu.memory_space<semaphore_mem>> -> memref<1x!tpu.dma_semaphore, #tpu.memory_space<semaphore_mem>>
        %dma_start3A_488 = tpu.memref_squeeze %dma_start3A_487 : memref<1x!tpu.dma_semaphore, #tpu.memory_space<semaphore_mem>> -> memref<!tpu.dma_semaphore, #tpu.memory_space<semaphore_mem>>
        tpu.enqueue_indirect_dma source(%dma_start3A_486 : memref<10000x64xf32, #tpu.memory_space<vmem_shared>>) target(%dma_start3A_480 : memref<128x64xf32, #tpu.memory_space<vmem>>) offsets(%dma_start3A_483 : memref<128xi32, #tpu.memory_space<vmem>>) semaphore(%dma_start3A_488 : memref<!tpu.dma_semaphore, #tpu.memory_space<semaphore_mem>>)
      } else {
      }
    }
    %barrier3A_348 = arith.constant 0 : index
    tpu.barrier barrier_id(%barrier3A_348)
    %mul3A_349 = arith.constant 632 : i32
    %mul3A_350 = arith.muli %arg1, %mul3A_349 : i32
    %mul3A_351 = arith.constant 10112 : i32
    %mul3A_352 = arith.muli %arg0, %mul3A_351 : i32
    %mul3A_353 = arith.constant 632 : i32
    %mul3A_354 = arith.muli %arg1, %mul3A_353 : i32
    %add3A_355 = arith.addi %mul3A_352, %mul3A_354 : i32
    "tpu.region"() ({
      %run_scoped3A = tpu.sem_alloc : memref<!tpu.dma_semaphore, #tpu.memory_space<semaphore_mem>>
      %dma_start3A_363 = arith.constant 0 : i32
      %dma_start3A_364 = tpu.memref_slice %arg7[%add3A_355, %dma_start3A_363] : memref<20224x64xf32, #tpu.memory_space<hbm>> -> memref<632x64xf32, #tpu.memory_space<hbm>>
      %dma_start3A_365 = arith.constant 0 : i32
      %dma_start3A_366 = tpu.memref_slice %arg10[%mul3A_350, %dma_start3A_365] : memref<10112x64xf32, #tpu.memory_space<vmem_shared>> -> memref<632x64xf32, #tpu.memory_space<vmem_shared>>
      tpu.enqueue_dma source(%dma_start3A_366 : memref<632x64xf32, #tpu.memory_space<vmem_shared>>) target(%dma_start3A_364 : memref<632x64xf32, #tpu.memory_space<hbm>>) target_semaphore(%run_scoped3A : memref<!tpu.dma_semaphore, #tpu.memory_space<semaphore_mem>>)
      %dma_wait3A = arith.constant 0 : i32
      %dma_wait3A_367 = tpu.memref_slice %arg7[%add3A_355, %dma_wait3A] : memref<20224x64xf32, #tpu.memory_space<hbm>> -> memref<632x64xf32, #tpu.memory_space<hbm>>
      %dma_wait3A_368 = arith.constant 0 : i32
      %dma_wait3A_369 = tpu.memref_slice %arg10[%mul3A_350, %dma_wait3A_368] : memref<10112x64xf32, #tpu.memory_space<vmem_shared>> -> memref<632x64xf32, #tpu.memory_space<vmem_shared>>
      tpu.wait_dma2 semaphore(%run_scoped3A : memref<!tpu.dma_semaphore, #tpu.memory_space<semaphore_mem>>) src(%dma_wait3A_369 : memref<632x64xf32, #tpu.memory_space<vmem_shared>>) dst(%dma_wait3A_367 : memref<632x64xf32, #tpu.memory_space<hbm>>)
      tpu.yield
    }) : () -> ()
    %mul3A_356 = arith.constant 632 : i32
    %mul3A_357 = arith.muli %arg1, %mul3A_356 : i32
    %mul3A_358 = arith.constant 10112 : i32
    %mul3A_359 = arith.muli %arg0, %mul3A_358 : i32
    %mul3A_360 = arith.constant 632 : i32
    %mul3A_361 = arith.muli %arg1, %mul3A_360 : i32
    %add3A_362 = arith.addi %mul3A_359, %mul3A_361 : i32
    "tpu.region"() ({
      %run_scoped3A = tpu.sem_alloc : memref<!tpu.dma_semaphore, #tpu.memory_space<semaphore_mem>>
      %dma_start3A_363 = arith.constant 0 : i32
      %dma_start3A_364 = tpu.memref_slice %arg8[%add3A_362, %dma_start3A_363] : memref<20224x8xf32, #tpu.memory_space<hbm>> -> memref<632x8xf32, #tpu.memory_space<hbm>>
      %dma_start3A_365 = arith.constant 0 : i32
      %dma_start3A_366 = tpu.memref_slice %arg11[%mul3A_357, %dma_start3A_365] : memref<10112x8xf32, #tpu.memory_space<vmem_shared>> -> memref<632x8xf32, #tpu.memory_space<vmem_shared>>
      tpu.enqueue_dma source(%dma_start3A_366 : memref<632x8xf32, #tpu.memory_space<vmem_shared>>) target(%dma_start3A_364 : memref<632x8xf32, #tpu.memory_space<hbm>>) target_semaphore(%run_scoped3A : memref<!tpu.dma_semaphore, #tpu.memory_space<semaphore_mem>>)
      %dma_wait3A = arith.constant 0 : i32
      %dma_wait3A_367 = tpu.memref_slice %arg8[%add3A_362, %dma_wait3A] : memref<20224x8xf32, #tpu.memory_space<hbm>> -> memref<632x8xf32, #tpu.memory_space<hbm>>
      %dma_wait3A_368 = arith.constant 0 : i32
      %dma_wait3A_369 = tpu.memref_slice %arg11[%mul3A_357, %dma_wait3A_368] : memref<10112x8xf32, #tpu.memory_space<vmem_shared>> -> memref<632x8xf32, #tpu.memory_space<vmem_shared>>
      tpu.wait_dma2 semaphore(%run_scoped3A : memref<!tpu.dma_semaphore, #tpu.memory_space<semaphore_mem>>) src(%dma_wait3A_369 : memref<632x8xf32, #tpu.memory_space<vmem_shared>>) dst(%dma_wait3A_367 : memref<632x8xf32, #tpu.memory_space<hbm>>)
      tpu.yield
    }) : () -> ()
    return
  }
}

module attributes {stable_mosaic.version = 14 : i64} {
  func.func @_tc_body(%arg0: memref<20224x64xf32, #tpu.memory_space<vmem>>, %arg1: memref<20224x8xf32, #tpu.memory_space<vmem>>, %arg2: memref<10000x128xf32, #tpu.memory_space<vmem>>, %arg3: memref<128x128xf32, #tpu.memory_space<vmem>>, %arg4: memref<1x128xf32, #tpu.memory_space<vmem>>, %arg5: memref<1x128xf32, #tpu.memory_space<vmem>>, %arg6: memref<1x128xf32, #tpu.memory_space<vmem>>, %arg7: memref<10000x128xf32, #tpu.memory_space<vmem>>) attributes {dimension_semantics = [], scalar_prefetch = 0 : i64, scratch_operands = 0 : i64, tpu.core_type = #tpu.core_type<tc>} {
    %get3A = arith.constant 0 : index
    %get3A_0 = arith.constant 0 : index
    %get3A_1 = vector.load %arg0[%get3A, %get3A_0] : memref<20224x64xf32, #tpu.memory_space<vmem>>, vector<10000x64xf32>
    %get3A_2 = arith.constant 10112 : index
    %get3A_3 = arith.constant 0 : index
    %get3A_4 = vector.load %arg0[%get3A_2, %get3A_3] : memref<20224x64xf32, #tpu.memory_space<vmem>>, vector<10000x64xf32>
    %concatenate3A = tpu.concatenate %get3A_1, %get3A_4 in 1 : vector<10000x64xf32>, vector<10000x64xf32> -> vector<10000x128xf32>
    %get3A_5 = arith.constant 0 : index
    %get3A_6 = arith.constant 0 : index
    %get3A_7 = vector.load %arg1[%get3A_5, %get3A_6] : memref<20224x8xf32, #tpu.memory_space<vmem>>, vector<10000x1xf32>
    %get3A_8 = arith.constant 10112 : index
    %get3A_9 = arith.constant 0 : index
    %get3A_10 = vector.load %arg1[%get3A_8, %get3A_9] : memref<20224x8xf32, #tpu.memory_space<vmem>>, vector<10000x1xf32>
    %add3A = arith.addf %get3A_7, %get3A_10 : vector<10000x1xf32>
    %max3A = arith.constant 1.000000e+00 : f32
    %max3A_11 = vector.broadcast %max3A : f32 to vector<10000x1xf32>
    %max3A_12 = arith.maximumf %add3A, %max3A_11 : vector<10000x1xf32>
    %div3A = vector.broadcast %max3A_12 : vector<10000x1xf32> to vector<10000x128xf32>
    %div3A_13 = arith.divf %concatenate3A, %div3A : vector<10000x128xf32>
    %get3A_14 = arith.constant 0 : index
    %get3A_15 = arith.constant 0 : index
    %get3A_16 = vector.load %arg3[%get3A_14, %get3A_15] : memref<128x128xf32, #tpu.memory_space<vmem>>, vector<128x128xf32>
    %dot_general3A = arith.constant dense<0.000000e+00> : vector<10000x128xf32>
    %dot_general3A_17 = tpu.matmul %div3A_13, %get3A_16, %dot_general3A {dimension_numbers = #tpu.dot_dimension_numbers<[1], [0], [0], [1], [0, 0, 1, 1], [], []>, transpose_lhs_hint = false} : vector<10000x128xf32>, vector<128x128xf32>, vector<10000x128xf32> -> vector<10000x128xf32>
    %get3A_18 = arith.constant 0 : index
    %get3A_19 = arith.constant 0 : index
    %get3A_20 = vector.load %arg4[%get3A_18, %get3A_19] : memref<1x128xf32, #tpu.memory_space<vmem>>, vector<1x128xf32>
    %add3A_21 = vector.broadcast %get3A_20 : vector<1x128xf32> to vector<10000x128xf32>
    %add3A_22 = arith.addf %dot_general3A_17, %add3A_21 : vector<10000x128xf32>
    %reduce_sum3A = arith.constant dense<0.000000e+00> : vector<128xf32>
    %reduce_sum3A_23 = vector.multi_reduction <add>, %add3A_22, %reduce_sum3A [0] : vector<10000x128xf32> to vector<128xf32>
    %broadcast_in_dim3A = vector.shape_cast %reduce_sum3A_23 : vector<128xf32> to vector<1x128xf32>
    %div3A_24 = arith.constant 1.000000e+04 : f32
    %div3A_25 = vector.broadcast %div3A_24 : f32 to vector<1x128xf32>
    %div3A_26 = arith.divf %broadcast_in_dim3A, %div3A_25 : vector<1x128xf32>
    %sub3A = vector.broadcast %div3A_26 : vector<1x128xf32> to vector<10000x128xf32>
    %sub3A_27 = arith.subf %add3A_22, %sub3A : vector<10000x128xf32>
    %sub3A_28 = vector.broadcast %div3A_26 : vector<1x128xf32> to vector<10000x128xf32>
    %sub3A_29 = arith.subf %add3A_22, %sub3A_28 : vector<10000x128xf32>
    %mul3A = arith.mulf %sub3A_27, %sub3A_29 : vector<10000x128xf32>
    %reduce_sum3A_30 = arith.constant dense<0.000000e+00> : vector<128xf32>
    %reduce_sum3A_31 = vector.multi_reduction <add>, %mul3A, %reduce_sum3A_30 [0] : vector<10000x128xf32> to vector<128xf32>
    %broadcast_in_dim3A_32 = vector.shape_cast %reduce_sum3A_31 : vector<128xf32> to vector<1x128xf32>
    %div3A_33 = arith.constant 1.000000e+04 : f32
    %div3A_34 = vector.broadcast %div3A_33 : f32 to vector<1x128xf32>
    %div3A_35 = arith.divf %broadcast_in_dim3A_32, %div3A_34 : vector<1x128xf32>
    %sub3A_36 = vector.broadcast %div3A_26 : vector<1x128xf32> to vector<10000x128xf32>
    %sub3A_37 = arith.subf %add3A_22, %sub3A_36 : vector<10000x128xf32>
    %add3A_38 = arith.constant 9.99999974E-6 : f32
    %add3A_39 = vector.broadcast %add3A_38 : f32 to vector<1x128xf32>
    %add3A_40 = arith.addf %div3A_35, %add3A_39 : vector<1x128xf32>
    %rsqrt3A = math.rsqrt %add3A_40 : vector<1x128xf32>
    %mul3A_41 = vector.broadcast %rsqrt3A : vector<1x128xf32> to vector<10000x128xf32>
    %mul3A_42 = arith.mulf %sub3A_37, %mul3A_41 : vector<10000x128xf32>
    %get3A_43 = arith.constant 0 : index
    %get3A_44 = arith.constant 0 : index
    %get3A_45 = vector.load %arg5[%get3A_43, %get3A_44] : memref<1x128xf32, #tpu.memory_space<vmem>>, vector<1x128xf32>
    %mul3A_46 = vector.broadcast %get3A_45 : vector<1x128xf32> to vector<10000x128xf32>
    %mul3A_47 = arith.mulf %mul3A_42, %mul3A_46 : vector<10000x128xf32>
    %get3A_48 = arith.constant 0 : index
    %get3A_49 = arith.constant 0 : index
    %get3A_50 = vector.load %arg6[%get3A_48, %get3A_49] : memref<1x128xf32, #tpu.memory_space<vmem>>, vector<1x128xf32>
    %add3A_51 = vector.broadcast %get3A_50 : vector<1x128xf32> to vector<10000x128xf32>
    %add3A_52 = arith.addf %mul3A_47, %add3A_51 : vector<10000x128xf32>
    %get3A_53 = arith.constant 0 : index
    %get3A_54 = arith.constant 0 : index
    %get3A_55 = vector.load %arg2[%get3A_53, %get3A_54] : memref<10000x128xf32, #tpu.memory_space<vmem>>, vector<10000x128xf32>
    %max3A_56 = arith.constant 0.000000e+00 : f32
    %max3A_57 = vector.broadcast %max3A_56 : f32 to vector<10000x128xf32>
    %max3A_58 = arith.maximumf %add3A_52, %max3A_57 : vector<10000x128xf32>
    %add3A_59 = arith.addf %get3A_55, %max3A_58 : vector<10000x128xf32>
    %swap3A = arith.constant 0 : index
    %swap3A_60 = arith.constant 0 : index
    %swap3A_61 = vector.load %arg7[%swap3A, %swap3A_60] : memref<10000x128xf32, #tpu.memory_space<vmem>>, vector<10000x128xf32>
    tpu.vector_store %arg7[%swap3A, %swap3A_60], %add3A_59 {strides = array<i32>} : memref<10000x128xf32, #tpu.memory_space<vmem>>, vector<10000x128xf32>,
    return
  }
}

</mosaic_0001>

<sc_bundles>
// kernel: kernel.4.cloned.1.call-start
scs
__scs_entry_jumppad:
0x0: {  	(pc) =	sbr.rel $0x88, $3  }
0x1: {  	(tag) =	ssettag $0x0;
	lr =	simm.s32 $0x1  }
0x2: {  	[smem:$0x3F9B] =	sst lr;
	_ =	strace $0xD0000000  }
0x3: {  	_ = 	snop  }
0x4: {  	_ = 	snop  }
0x5: {  	_ = 	snop  }
0x6: {  	_ = 	snop  }
0x7: {  	_ = 	snop  }
__scs_overlays_trampoline_lowered:
0x8: {  	[smem:$0x3FAA] =	sst s0  }
0x9: {  	[smem:$0x3FAB] =	sst s1  }
0xa: {  	[smem:$0x3FAC] =	sst s2  }
0xb: {  	[smem:$0x3FAD] =	sst s3  }
0xc: {  	[smem:$0x3FAE] =	sst s4  }
0xd: {  	[smem:$0x3FAF] =	sst s5  }
0xe: {  	[smem:$0x3FB0] =	sst s6  }
0xf: {  	[smem:$0x3FB1] =	sst s7  }
0x10: {  	[smem:$0x3FB2] =	sst s8  }
0x11: {  	[smem:$0x3FB3] =	sst s9;
	s0 =	simm.s32 @!p0 $0x0  }
0x12: {  	s1 =	sld [smem:$0x3F99];
	s0 =	simm.s32 @p0 $0x1  }
0x13: {  	[smem:$0x3FB4] =	sst s0;
	s0 =	simm.s32 @!p1 $0x0  }
0x14: {  	s2 =	sld [smem:$0x3F98];
	s0 =	simm.s32 @p1 $0x1  }
0x15: {  	[smem:$0x3FB5] =	sst s0;
	s0 =	simm.s32 @!p2 $0x0  }
0x16: {  	s3 =	sld [smem:$0x3FDB];
	s0 =	simm.s32 @p2 $0x1  }
0x17: {  	s4 =	simm.s32 $0x1BF5;
	[smem:$0x3FB7] =	sst s0  }
0x18: {  	s0 =	sld [smem:$0x3F9A];
	_ =	swait.ge [sflag:s4], $0x0  }
0x19: {  	s7 =	sld [smem:$0x3F9B]  }
0x1a: {  	s8 =	sadd.s32 $0xFFFFE003, lr  }
0x1b: {  	s9 =	sadd.s32 $0xFFFFFEF7, lr;
	s5 =	simm.s32 $0xFFFFFFFF;
	p2 =	slt.u32 s8, $0xFFFFF086  }
0x1c: {  	p1 =	slt.u32 s9, $0xF7A;
	s5 =	simm.s32 @!p2 $0x0  }
0x1d: {  	s5 =	simm.s32 @p1 $0x1;
	p0 =	seq.s32 s7, s2  }
0x1e: {  	s7 =	smul.u32 @!p0 $0xF7A, s2;
	p2 =	seq.s32 @!p0 s5, $0x0  }
0x1f: {  	s9 =	smul.u32 $0xF7A, s1;
	s8 =	simm.s32 @!p0 $0x1BF5;
	p2 =	por !p2, p0  }
0x20: {  	[sflag:s8] =	ssyncset.s32 @!p0 $0xFFFFF086;
	s6 =	sadd.s32 @!p0 s3, s7;
	s7 =	simm.s32 @!p0 $0x108  }
0x21: {  	s3 =	sadd.s32 s3, s9;
	s6 =	sadd.s32 @!p0 $0x88, s6;
	s7 =	simm.s32 @p2 $0x1082  }
0x22: {  	[simem:s7], [sflag:s8] =	dma.local @!p0 [hbm:s6], $0xF7A  }
0x23: {  	s9 =	sor.u32 $0xD0000000, s2;
	s6 =	simm.s32 $0x108;
	_ =	swait.ge @!p0 [sflag:s8], $0x0  }
0x24: {  	s3 =	sadd.s32 $0x88, s3;
	s6 =	simm.s32 @!p1 $0x1082;
	[sflag:s4] =	ssyncset.s32 $0xFFFFF086  }
0x25: {  	[simem:s6], [sflag:s4] =	dma.local [hbm:s3], $0xF7A  }
0x26: {  	[smem:$0x3F9B] =	sst s1;
	(tag) =	ssettag s2;
	_ =	strace s9  }
0x27: {  	s1 =	sld [smem:$0x3FAB]  }
0x28: {  	s2 =	sld [smem:$0x3FAC]  }
0x29: {  	s4 =	sld [smem:$0x3FAE]  }
0x2a: {  	p0 =	seq.s32 s5, $0x0;
	s5 =	sld [smem:$0x3FAF]  }
0x2b: {  	s6 =	sld [smem:$0x3FB0]  }
0x2c: {  	s7 =	sld [smem:$0x3FB1]  }
0x2d: {  	s3 =	simm.s32 $0x108;
	s8 =	sld [smem:$0x3FB2]  }
0x2e: {  	s3 =	simm.s32 @!p0 $0x1082;
	s9 =	sld [smem:$0x3FB3]  }
0x2f: {  	lr =	sadd.s32 s0, s3;
	s0 =	sld [smem:$0x3FAA]  }
0x30: {  	s3 =	sld [smem:$0x3FAD]  }
0x31: {  	[smem:$0x3FB6] =	sst s10  }
0x32: {  	s10 =	sld [smem:$0x3FB4];
	_ =	sdelay $0x3  }
0x33: {  	p0 =	seq.s32 s10, $0x1;
	s10 =	sld [smem:$0x3FB6];
	_ =	sdelay $0x3  }
0x34: {  	[smem:$0x3FB6] =	sst s10  }
0x35: {  	s10 =	sld [smem:$0x3FB5];
	_ =	sdelay $0x3  }
0x36: {  	p1 =	seq.s32 s10, $0x1;
	s10 =	sld [smem:$0x3FB6];
	_ =	sdelay $0x3  }
0x37: {  	[smem:$0x3FB6] =	sst s10  }
0x38: {  	s10 =	sld [smem:$0x3FB7]  }
0x39: {  	_ = 	snop;
	(pc) =	sbr.ind lr, $3  }
0x3a: {  	_ = 	snop  }
0x3b: {  	_ = 	snop  }
0x3c: {  	p2 =	seq.s32 s10, $0x1;
	s10 =	sld [smem:$0x3FB6]  }
0x3d: {  	_ =	shalt  }
0x3e: {  	_ =	shalt  }
0x3f: {  	_ =	shalt  }
0x40: {  	_ =	shalt  }
0x41: {  	_ =	shalt  }
0x42: {  	_ =	shalt  }
0x43: {  	_ =	shalt  }
0x44: {  	_ =	shalt  }
0x45: {  	_ =	shalt  }
0x46: {  	_ =	shalt  }
0x47: {  	_ =	shalt  }
0x48: {  	_ =	shalt  }
0x49: {  	_ =	shalt  }
0x4a: {  	_ =	shalt  }
0x4b: {  	_ =	shalt  }
0x4c: {  	_ =	shalt  }
0x4d: {  	_ =	shalt  }
0x4e: {  	_ =	shalt  }
0x4f: {  	_ =	shalt  }
0x50: {  	_ =	shalt  }
0x51: {  	_ =	shalt  }
0x52: {  	_ =	shalt  }
0x53: {  	_ =	shalt  }
0x54: {  	_ =	shalt  }
0x55: {  	_ =	shalt  }
0x56: {  	_ =	shalt  }
0x57: {  	_ =	shalt  }
0x58: {  	_ =	shalt  }
0x59: {  	_ =	shalt  }
0x5a: {  	_ =	shalt  }
0x5b: {  	_ =	shalt  }
0x5c: {  	_ =	shalt  }
0x5d: {  	_ =	shalt  }
0x5e: {  	_ =	shalt  }
0x5f: {  	_ =	shalt  }
0x60: {  	_ =	shalt  }
0x61: {  	_ =	shalt  }
0x62: {  	_ =	shalt  }
0x63: {  	_ =	shalt  }
0x64: {  	_ =	shalt  }
0x65: {  	_ =	shalt  }
0x66: {  	_ =	shalt  }
0x67: {  	_ =	shalt  }
0x68: {  	_ =	shalt  }
0x69: {  	_ =	shalt  }
0x6a: {  	_ =	shalt  }
0x6b: {  	_ =	shalt  }
0x6c: {  	_ =	shalt  }
0x6d: {  	_ =	shalt  }
0x6e: {  	_ =	shalt  }
0x6f: {  	_ =	shalt  }
0x70: {  	_ =	shalt  }
0x71: {  	_ =	shalt  }
0x72: {  	_ =	shalt  }
0x73: {  	_ =	shalt  }
0x74: {  	_ =	shalt  }
0x75: {  	_ =	shalt  }
0x76: {  	_ =	shalt  }
0x77: {  	_ =	shalt  }
0x78: {  	_ =	shalt  }
0x79: {  	_ =	shalt  }
0x7a: {  	_ =	shalt  }
0x7b: {  	_ =	shalt  }
0x7c: {  	_ =	shalt  }
0x7d: {  	_ =	shalt  }
0x7e: {  	_ =	shalt  }
0x7f: {  	_ =	shalt  }
0x80: {  	_ =	shalt  }
0x81: {  	_ =	shalt  }
0x82: {  	_ =	shalt  }
0x83: {  	_ =	shalt  }
0x84: {  	_ =	shalt  }
0x85: {  	_ =	shalt  }
0x86: {  	_ =	shalt  }
0x87: {  	_ =	shalt  }
.Lfunc_end0:
.L_simem_size_0:
called_computation_lowered:
.L_overlay_start_0:
0x88: {  	s2 =	sld [smem:$0x3FD9]  }
0x89: {  	s3 =	sld [smem:$0x3FFE];
	_ =	sdelay $0x1  }
0x8a: {  	s1 =	srdreg.scid  }
0x8b: {  	s0 =	sand.u32 $0x1, s1  }
0x8c: {  	s17 =	sshll.u32 s0, $0xA;
	s2 =	sadd.s32 s3, s2  }
0x8d: {  	s2 =	sadd.s32 s2, s17  }
0x8e: {  	[smem:$0x3FC2] =	sst s2  }
0x8f: {  	_ = 	snop  }
0x90: {  	s2 =	sld [smem:$0x3FC9]  }
0x91: {  	s18 =	sld [smem:$0x3FD0];
	(tm) =	ssettm $0x1  }
0x92: {  	s4 =	sld [smem:$0x3FFB];
	_ =	sdelay $0x3  }
0x93: {  	_ =	strace s4  }
0x94: {  	s4 =	sld [smem:$0x3FFC];
	_ =	sdelay $0x3  }
0x95: {  	_ =	strace s4  }
0x96: {  	s4 =	sld [smem:$0x3FFD];
	_ =	sdelay $0x3  }
0x97: {  	_ =	strace s4  }
0x98: {  	_ =	strace $0x8FFFFFFF  }
0x99: {  	s19 =	sld [smem:$0x3FDB];
	_ =	sdelay $0x1  }
0x9a: {  	s5 =	simm.s32 $_scs_section_size  }
0x9b: {  	s6 =	simm.s32 $_size__tile_overlayer_lowered;
	s7 =	simm.s32 $_tile_overlayer_lowered  }
0x9c: {  	s22 =	simm.s32 $0x1BFF;
	s21 =	sshll.u32 s7, $0x1;
	s4 =	sadd.s32 s5, s19  }
0x9d: {  	s8 =	simm.s32 $0x0;
	s20 =	sshll.u32 s6, $0x1;
	s6 =	sadd.s32 s21, s4  }
0x9e: {  	[timem:s8], [sflag:s22] =	dma.local [hbm:s6], s20  }
0x9f: {  	_ =	swait.ge [sflag:s22], s20  }
0xa0: {  	s5 =	ssub.s32 $0x0, s20;
	[sflag:s22] =	ssyncset.done $0x0  }
0xa1: {  	[sflag:s22] =	ssyncadd.s32 s5;
	_ =	sdelay $0x1  }
0xa2: {  	s23 =	simm.s32 $0x1B8B  }
0xa3: {  	_ =	swait.ge [sflag:s23], $0x1  }
0xa4: {  	[sflag:s23] =	ssyncset.done $0x0  }
0xa5: {  	s25 =	simm.s32 $0x1B8E;
	s24 =	sld [smem:$0x3FFE];
	[sflag:s23] =	ssyncadd.s32 $0xFFFFFFFF  }
0xa6: {  	s26 =	simm.s32 $execute0_lowered;
	[smem:$0x3FD2] =	sst s25  }
0xa7: {  	s6 =	sshll.u32 s26, $0x1;
	_ =	strace $0x80000046;
	[dreg:$0x1] =	wrdreg $0xFFFFFFFF  }
0xa8: {  	s28 =	simm.s32 $_size_execute0_lowered;
	s4 =	sadd.s32 s4, s6;
	[dreg:$0x0] =	wrdreg $0x0  }
0xa9: {  	s6 =	sshll.u32 s28, $0x1;
	[dreg:$0x2] =	wrdreg s4  }
0xaa: {  	[dreg:$0x3] =	wrdreg s6  }
0xab: {  	[dreg:$0x4] =	wrdreg $0xC0  }
0xac: {  	_ =	task [dreg:s8], $0x5FFFF  }
0xad: {  	[dreg:$0x1] =	wrdreg $0xFFFFFFFF  }
0xae: {  	[dreg:$0x0] =	wrdreg $0x60  }
0xaf: {  	[dreg:$0x2] =	wrdreg s2  }
0xb0: {  	[dreg:$0x3] =	wrdreg s18  }
0xb1: {  	[dreg:$0x4] =	wrdreg s24  }
0xb2: {  	[dreg:$0x5] =	wrdreg $0x0  }
0xb3: {  	[dreg:$0x6] =	wrdreg $0x9C400  }
0xb4: {  	[dreg:$0x7] =	wrdreg $0x13A400  }
0xb5: {  	[dreg:$0x8] =	wrdreg $0x9  }
0xb6: {  	_ =	task.clear_ibuf [dreg:s8], $0x9FFFF;
	_ =	strace $0x90000046  }
0xb7: {  	s29 =	simm.s32 $0x9;
	_ =	strace $0x80000048  }
0xb8: {  	_ =	swait.ge [sflag:s29], $0x1  }
0xb9: {  	[sflag:s29] =	ssyncadd.s32 $0xFFFFFFFF  }
0xba: {  	_ =	strace $0x90000048  }
0xbb: {  	_ =	sfence  }
0xbc: {  	s30 =	sld [smem:$0x0];
	_ =	sdelay $0x2  }
0xbd: {  	s31 =	sshll.u32 s1, $0xD;
	s1 =	sshrl.u32 s1, $0x2  }
0xbe: {  	s3 =	sand.u32 $0x4000, s31;
	s1 =	sadd.s32 s1, s30  }
0xbf: {  	s0 =	sor.u32 s3, s0;
	s1 =	sshll.u32 s1, $0x11  }
0xc0: {  	s0 =	sor.u32 s1, s0  }
0xc1: {  	s0 =	sadd.s32 $0x8F2B, s0  }
0xc2: {  	[sflag:s0] =	ssyncadd.remote.s32 $0x1  }
0xc3: {  	_ =	sfence.sel $0xFFFF  }
0xc4: {  	[dreg:$0x0] =	wrdreg $0xFFFFFFFF;
	(pc) =	sbr.abs _section_cstart, $3  }
0xc5: {  	[dreg:$0x1] =	wrdreg $0xFFFFFFFF  }
0xc6: {  	_ =	task.clear_ibuf [dreg:s8], $0x2FFFF;
	_ =	strace $0x9FFFFFFF  }
0xc7: {  	(tm) =	ssettm $0x7FFFFFFF  }
tec
execute0_lowered:
.L_overlay_start_1:
0x0: {  	(tag) =	ssettag $0x1  }
0x1: {  	s0 =	rddreg [dreg:$0x0]  }
0x2: {  	s2 =	rddreg [dreg:$0x1]  }
0x3: {  	s7 =	rddreg [dreg:$0x2]  }
0x4: {  	s1 =	rddreg [dreg:$0x3]  }
0x5: {  	s3 =	rddreg [dreg:$0x4]  }
0x6: {  	s4 =	rddreg [dreg:$0x5]  }
0x7: {  	s6 =	srdreg.scid;
	s15 =	stileid.u32  }
0x8: {  	s5 =	simm.s32 $0x0;
	s6 =	sand.u32 $0x1, s6;
	s8 =	smul.u32 $0x278, s15  }
0x9: {  	[smem:$0x7FF] =	sst s5;
	s10 =	sadd.s32 $0x1E00, s7;
	s13 =	sadd.s32 $0x1C00, s7  }
0xa: {  	s11 =	sadd.s32 $0x1A00, s7;
	p0 =	slt.u32 s15, $0x4;
	s18 =	smul.u32 $0x27100, s15  }
0xb: {  	s19 =	sshll.u32 s15, $0x4;
	_ =	strace $0x80000047;
	[dreg:$0x8] =	wrdreg s10  }
0xc: {  	s21 =	sshll.u32 s15, $0x6;
	s9 =	smul.u32 $0x2780, s6;
	[dreg:$0x9] =	wrdreg s13  }
0xd: {  	s14 =	ssub.s32 $0x2, s6;
	[dreg:$0xa] =	wrdreg s11;
	s10 =	simm.s32 $0x9D  }
0xe: {  	s13 =	smul.u32 $0x13880, s15;
	s11 =	sadd.s32 s2, s19;
	s20 =	sshll.u32 s6, $0x6  }
0xf: {  	s12 =	sshrl.u32 s14, $0x1;
	s10 =	simm.s32 @!p0 $0x9C;
	s22 =	sadd.s32 $0x80, s8  }
0x10: {  	s25 =	sadd.s32 $0x100, s8;
	s29 =	sadd.s32 $0x180, s8;
	s28 =	sadd.s32 $0xA340, s11  }
0x11: {  	s9 =	sadd.s32 s8, s9;
	s2 =	sor.u32 s20, s13;
	s13 =	sor.u32 $0x1C0D, s21  }
0x12: {  	s26 =	sshll.u32 s25, $0x6;
	s31 =	sshll.u32 s29, $0x6;
	s17 =	sshll.u32 s9, $0x3  }
0x13: {  	s2 =	sshrl.u32 s2, $0x3;
	s16 =	sadd.s32 s17, s7;
	s7 =	sadd.s32 s9, s7  }
0x14: {  	s9 =	ssub.s32 s14, s12;
	s12 =	sshrl.u32 s18, $0x2;
	s14 =	smul.u32 $0x27800, s15  }
0x15: {  	s15 =	smul.u32 $0x4F00, s15;
	s0 =	sadd.s32 s0, s2;
	s17 =	sshll.u32 s22, $0x6  }
0x16: {  	s2 =	sshll.u32 s25, $0x3;
	s25 =	sadd.s32 $0x100, s11;
	s12 =	sadd.s32 s12, s1  }
0x17: {  	[dreg:$0xb] =	wrdreg s0;
	s24 =	sadd.s32 s17, s3;
	s0 =	sshll.u32 s22, $0x3  }
0x18: {  	s17 =	simm.s32 $0xA4;
	s30 =	sadd.s32 s2, s4;
	[dreg:$0x19] =	wrdreg s25  }
0x19: {  	s2 =	sshll.u32 s29, $0x3;
	s20 =	sadd.s32 $0x2200, s16;
	[dreg:$0xc] =	wrdreg s24  }
0x1a: {  	s21 =	sadd.s32 $0x29A00, s7;
	s22 =	smax.u32 s9, $0x1;
	[dreg:$0xf] =	wrdreg s30  }
0x1b: {  	s29 =	sadd.s32 $0x200, s11;
	s9 =	sadd.s32 $0x400, s11;
	[dreg:$0x14] =	wrdreg s20  }
0x1c: {  	s16 =	sadd.s32 $0x500, s11;
	s25 =	simm.s32 $0x0;
	[dreg:$0x15] =	wrdreg s21  }
0x1d: {  	s23 =	sshrl.u32 s14, $0x2;
	s15 =	sshrl.u32 s15, $0x2;
	[dreg:$0x16] =	wrdreg s22  }
0x1e: {  	s0 =	sadd.s32 s0, s4;
	s17 =	simm.s32 @!p0 $0xA0;
	[dreg:$0x1b] =	wrdreg s29  }
0x1f: {  	s24 =	sadd.s32 $0x9C40, s11;
	s30 =	sadd.s32 $0x9E40, s11;
	[dreg:$0xd] =	wrdreg s0  }
0x20: {  	s20 =	sadd.s32 $0x700, s11;
	s22 =	simm.s32 $0xD;
	[dreg:$0x7] =	wrdreg s17  }
0x21: {  	s14 =	sadd.s32 s23, s3;
	s15 =	sadd.s32 s15, s4;
	[dreg:$0x18] =	wrdreg s24  }
0x22: {  	s0 =	sadd.s32 s26, s3;
	s17 =	sadd.s32 $0x200, s8;
	[dreg:$0x1c] =	wrdreg s30  }
0x23: {  	s23 =	sshrl.u32 s12, $0x3;
	s26 =	sadd.s32 $0x9D40, s11;
	[dreg:$0xe] =	wrdreg s0  }
0x24: {  	s8 =	sadd.s32 $0x9F40, s11;
	s12 =	sadd.s32 $0xA040, s11;
	[dreg:$0x17] =	wrdreg s23  }
0x25: {  	s24 =	simm.s32 $0x1DA00;
	s0 =	sadd.s32 s31, s3;
	[dreg:$0x1a] =	wrdreg s26  }
0x26: {  	s18 =	sshll.u32 s17, $0x6;
	s31 =	sadd.s32 $0x300, s11;
	[dreg:$0x10] =	wrdreg s0  }
0x27: {  	s23 =	simm.s32 $0x1DE00;
	s0 =	sadd.s32 s2, s4;
	[dreg:$0x1d] =	wrdreg s31  }
0x28: {  	s2 =	sshll.u32 s17, $0x3;
	[dreg:$0x11] =	wrdreg s0;
	s0 =	sadd.s32 s18, s3  }
0x29: {  	s17 =	sadd.s32 $0xA140, s11;
	s19 =	sadd.s32 s2, s4;
	[dreg:$0x12] =	wrdreg s0  }
0x2a: {  	s18 =	sadd.s32 $0x600, s11;
	[dreg:$0x13] =	wrdreg s19;
	s19 =	sadd.s32 $0xA240, s11  }
.LBB2_1:
0x2b: {  	s0 =	simm.s32 $0x14E00  }
0x2c: {  	[tilespmem:s0], [sflag:$0x5] =	stream.linear.gather [hbm4b:s11+s5], $0x80, $0x38;
	[tilespmem:$0x1FE00] =	vst v63  }
0x2d: {  	s7 =	rddreg [dreg:$0x18];
	s2 =	simm.s32 $0x15200  }
0x2e: {  	[tilespmem:s2], [sflag:$0x5] =	stream.linear.gather [hbm4b:s7+s5], $0x80, $0x38;
	[tilespmem:$0x1FE00] =	vst v63  }
0x2f: {  	s21 =	rddreg [dreg:$0x19];
	s26 =	simm.s32 $0x14E80  }
0x30: {  	[tilespmem:s26], [sflag:$0x6] =	stream.linear.gather [hbm4b:s21+s5], $0x80, $0x38;
	[tilespmem:$0x1FE00] =	vst v63  }
0x31: {  	s30 =	rddreg [dreg:$0x1a];
	s31 =	simm.s32 $0x15280  }
0x32: {  	[tilespmem:s31], [sflag:$0x6] =	stream.linear.gather [hbm4b:s30+s5], $0x80, $0x38;
	[tilespmem:$0x1FE00] =	vst v63  }
0x33: {  	s2 =	rddreg [dreg:$0x1b];
	s7 =	simm.s32 $0x14F00  }
0x34: {  	[tilespmem:s7], [sflag:$0x7] =	stream.linear.gather [hbm4b:s2+s5], $0x80, $0x38;
	[tilespmem:$0x1FE00] =	vst v63  }
0x35: {  	s21 =	rddreg [dreg:$0x1c];
	s26 =	simm.s32 $0x15300  }
0x36: {  	[tilespmem:s26], [sflag:$0x7] =	stream.linear.gather [hbm4b:s21+s5], $0x80, $0x38;
	[tilespmem:$0x1FE00] =	vst v63  }
0x37: {  	s30 =	rddreg [dreg:$0x1d];
	s31 =	simm.s32 $0x14F80  }
0x38: {  	[tilespmem:s31], [sflag:$0x8] =	stream.linear.gather [hbm4b:s30+s5], $0x80, $0x38;
	[tilespmem:$0x1FE00] =	vst v63  }
0x39: {  	s7 =	simm.s32 $0x15380  }
0x3a: {  	[tilespmem:s7], [sflag:$0x8] =	stream.linear.gather [hbm4b:s8+s5], $0x80, $0x38;
	[tilespmem:$0x1FE00] =	vst v63  }
0x3b: {  	s21 =	simm.s32 $0x15000  }
0x3c: {  	[tilespmem:s21], [sflag:$0x9] =	stream.linear.gather [hbm4b:s9+s5], $0x80, $0x38;
	[tilespmem:$0x1FE00] =	vst v63  }
0x3d: {  	s26 =	simm.s32 $0x15400  }
0x3e: {  	[tilespmem:s26], [sflag:$0x9] =	stream.linear.gather [hbm4b:s12+s5], $0x80, $0x38;
	[tilespmem:$0x1FE00] =	vst v63  }
0x3f: {  	s30 =	simm.s32 $0x15080  }
0x40: {  	[tilespmem:s30], [sflag:$0xA] =	stream.linear.gather [hbm4b:s16+s5], $0x80, $0x38;
	[tilespmem:$0x1FE00] =	vst v63  }
0x41: {  	s31 =	simm.s32 $0x15480  }
0x42: {  	[tilespmem:s31], [sflag:$0xA] =	stream.linear.gather [hbm4b:s17+s5], $0x80, $0x38;
	[tilespmem:$0x1FE00] =	vst v63  }
0x43: {  	s2 =	simm.s32 $0x15100  }
0x44: {  	[tilespmem:s2], [sflag:$0xB] =	stream.linear.gather [hbm4b:s18+s5], $0x80, $0x38;
	[tilespmem:$0x1FE00] =	vst v63  }
0x45: {  	s7 =	simm.s32 $0x15500  }
0x46: {  	[tilespmem:s7], [sflag:$0xB] =	stream.linear.gather [hbm4b:s19+s5], $0x80, $0x38;
	[tilespmem:$0x1FE00] =	vst v63  }
0x47: {  	s21 =	simm.s32 $0x15180;
	s30 =	rddreg [dreg:$0xb]  }
0x48: {  	[tilespmem:s21], [sflag:$0xC] =	stream.linear.gather [hbm4b:s20+s5], $0x80, $0x38;
	[tilespmem:$0x1FE00] =	vst v63  }
0x49: {  	s26 =	simm.s32 $0x15580;
	s31 =	rddreg [dreg:$0x17]  }
0x4a: {  	[tilespmem:s26], [sflag:$0xC] =	stream.linear.gather [hbm4b:s28+s5], $0x80, $0x38;
	[tilespmem:$0x1FE00] =	vst v63  }
0x4b: {  	s7 =	simm.s32 $0x1;
	s21 =	simm.s32 $0x8;
	s26 =	simm.s32 $0x10  }
0x4c: {  	[spmem:s31@s21], [sflag:s13] =	dma.strided [hbm:s30@s26], $0x1388, s7, $0x8   }
0x4d: {  	_ =	swait.ge [sflag:s22], $0x1388  }
0x4e: {  	[sflag:s22] =	ssyncset.done $0x0  }
0x4f: {  	s2 =	rddreg [dreg:$0x8];
	[sflag:s22] =	ssyncadd.s32 $0xFFFFEC78  }
0x50: {  	[tilespmem:s23], [sflag:$0xD] =	stream.linear.gather [hbm4b:s2+s5], $0x2000, $0x38;
	[tilespmem:$0x1FE00] =	vst v63  }
0x51: {  	_ =	swait.ge [sflag:s22], $0x2000  }
0x52: {  	[sflag:s22] =	ssyncset.done $0x0  }
0x53: {  	s7 =	rddreg [dreg:$0x9];
	[sflag:s22] =	ssyncadd.s32 $0xFFFFE000  }
0x54: {  	[tilespmem:s24], [sflag:$0xD] =	stream.linear.gather [hbm4b:s7+s5], $0x400, $0x38;
	[tilespmem:$0x1FE00] =	vst v63  }
0x55: {  	_ =	swait.ge [sflag:s22], $0x400  }
0x56: {  	[sflag:s22] =	ssyncset.done $0x0  }
0x57: {  	[sflag:s22] =	ssyncadd.s32 $0xFFFFFC00  }
0x58: {  	[spmem:s14] =	stream.linear.scatter [tilespmem:s23], [sflag:$0xD], $0x2000, $0x38;
	[tilespmem:$0x1FE00] =	vst v63  }
0x59: {  	_ =	swait.ge [sflag:s22], $0x2000  }
0x5a: {  	[sflag:s22] =	ssyncset.done $0x0  }
0x5b: {  	[sflag:s22] =	ssyncadd.s32 $0xFFFFE000  }
0x5c: {  	[spmem:s15] =	stream.linear.scatter [tilespmem:s24], [sflag:$0xD], $0x400, $0x38;
	[tilespmem:$0x1FE00] =	vst v63  }
0x5d: {  	_ =	swait.ge [sflag:s22], $0x400  }
0x5e: {  	[sflag:s22] =	ssyncset.done $0x0  }
0x5f: {  	s21 =	rddreg [dreg:$0xc];
	[sflag:s22] =	ssyncadd.s32 $0xFFFFFC00  }
0x60: {  	[spmem:s21] =	stream.linear.scatter [tilespmem:s23], [sflag:$0xD], $0x2000, $0x38;
	[tilespmem:$0x1FE00] =	vst v63  }
0x61: {  	_ =	swait.ge [sflag:s22], $0x2000  }
0x62: {  	[sflag:s22] =	ssyncset.done $0x0  }
0x63: {  	s26 =	rddreg [dreg:$0xd];
	[sflag:s22] =	ssyncadd.s32 $0xFFFFE000  }
0x64: {  	[spmem:s26] =	stream.linear.scatter [tilespmem:s24], [sflag:$0xD], $0x400, $0x38;
	[tilespmem:$0x1FE00] =	vst v63  }
0x65: {  	_ =	swait.ge [sflag:s22], $0x400  }
0x66: {  	[sflag:s22] =	ssyncset.done $0x0  }
0x67: {  	s30 =	rddreg [dreg:$0xe];
	[sflag:s22] =	ssyncadd.s32 $0xFFFFFC00  }
0x68: {  	[spmem:s30] =	stream.linear.scatter [tilespmem:s23], [sflag:$0xD], $0x2000, $0x38;
	[tilespmem:$0x1FE00] =	vst v63  }
0x69: {  	_ =	swait.ge [sflag:s22], $0x2000  }
0x6a: {  	[sflag:s22] =	ssyncset.done $0x0  }
0x6b: {  	s31 =	rddreg [dreg:$0xf];
	[sflag:s22] =	ssyncadd.s32 $0xFFFFE000  }
0x6c: {  	[spmem:s31] =	stream.linear.scatter [tilespmem:s24], [sflag:$0xD], $0x400, $0x38;
	[tilespmem:$0x1FE00] =	vst v63  }
0x6d: {  	_ =	swait.ge [sflag:s22], $0x400  }
0x6e: {  	[sflag:s22] =	ssyncset.done $0x0  }
0x6f: {  	s2 =	rddreg [dreg:$0x10];
	[sflag:s22] =	ssyncadd.s32 $0xFFFFFC00  }
0x70: {  	[spmem:s2] =	stream.linear.scatter [tilespmem:s23], [sflag:$0xD], $0x2000, $0x38;
	[tilespmem:$0x1FE00] =	vst v63  }
0x71: {  	_ =	swait.ge [sflag:s22], $0x2000  }
0x72: {  	[sflag:s22] =	ssyncset.done $0x0  }
0x73: {  	s7 =	rddreg [dreg:$0x11];
	[sflag:s22] =	ssyncadd.s32 $0xFFFFE000  }
0x74: {  	[spmem:s7] =	stream.linear.scatter [tilespmem:s24], [sflag:$0xD], $0x400, $0x38;
	[tilespmem:$0x1FE00] =	vst v63  }
0x75: {  	_ =	swait.ge [sflag:s22], $0x400  }
0x76: {  	[sflag:s22] =	ssyncset.done $0x0  }
0x77: {  	s21 =	rddreg [dreg:$0x12];
	[sflag:s22] =	ssyncadd.s32 $0xFFFFFC00  }
0x78: {  	[spmem:s21] =	stream.linear.scatter [tilespmem:s23], [sflag:$0xD], $0x1E00, $0x38;
	[tilespmem:$0x1FE00] =	vst v63  }
0x79: {  	_ =	swait.ge [sflag:s22], $0x1E00  }
0x7a: {  	[sflag:s22] =	ssyncset.done $0x0  }
0x7b: {  	s26 =	rddreg [dreg:$0x13];
	[sflag:s22] =	ssyncadd.s32 $0xFFFFE200  }
0x7c: {  	[spmem:s26] =	stream.linear.scatter [tilespmem:s24], [sflag:$0xD], $0x3C0, $0x38;
	[tilespmem:$0x1FE00] =	vst v63  }
0x7d: {  	_ =	swait.ge [sflag:s22], $0x3C0  }
0x7e: {  	[sflag:s22] =	ssyncset.done $0x0  }
0x7f: {  	s31 =	simm.s32 $0x1D600;
	s30 =	rddreg [dreg:$0xa];
	[sflag:s22] =	ssyncadd.s32 $0xFFFFFC40  }
0x80: {  	[tilespmem:s31], [sflag:$0xD] =	stream.linear.gather [hbm4b:s30+s5], $0x400, $0x38;
	[tilespmem:$0x1FE00] =	vst v63  }
0x81: {  	_ =	swait.ge [sflag:s22], $0x400  }
0x82: {  	[sflag:s22] =	ssyncset.done $0x0  }
0x83: {  	s29 =	simm.s32 $0x0;
	[sflag:s22] =	ssyncadd.s32 $0xFFFFFC00  }
0x84: {  	s21 =	smov.u32 s28;
	s26 =	simm.s32 $0x380;
	[bflag:$0x0] =	sbarrier.arrive $0xFFFF  }
.LBB2_2:
0x85: {  	p0 =	seq.s32 s29, $0x0;
	s30 =	sadd.s32 $0xFFFFFFFC, s29  }
0x86: {  	p1 =	sge.s32 @!p0 s30, s10  }
0x87: {  	p2 =	por p1, p0  }
0x88: {  	s30 =	simm.s32 @!p2 $0x1  }
0x89: {  	_ =	swait.ge @!p2 [sflag:s30], $0x2000  }
0x8a: {  	s31 =	sadd.s32 @!p2 $0xFFFFFA80, s26;
	[sflag:s30] =	ssyncset.done @!p2 $0x0  }
0x8b: {  	[sflag:s30] =	ssyncadd.s32 @!p2 $0xFFFFE000;
	s30 =	sand.u32 @!p2 $0x200, s31  }
0x8c: {  	s0 =	simm.s32 @!p2 $0x15600;
	s31 =	simm.s32 @!p2 $0x80;
	s30 =	sadd.s32 @!p2 $0x15200, s30  }
0x8d: {  	[spmem:s3] =	stream.indirect.scatter.add.f32 @!p2 [tilespmem:s0], [sflag:$0xD], $0x40, s30, s31, $0xb8;
	[tilespmem:$0x1FE00] =	vst v63  }
0x8e: {  	p3 =	sne.s32 @!p2 s6, $0x0;
	s0 =	simm.s32 @!p2 $0xD  }
0x8f: {  	p3 =	por @!p0 p3, p1;
	_ =	swait.ge @!p2 [sflag:s0], $0x2000  }
0x90: {  	p3 =	por p3, p0;
	[sflag:s0] =	ssyncset.done @!p2 $0x0  }
0x91: {  	s31 =	simm.s32 @!p3 $0x1D600;
	[sflag:s0] =	ssyncadd.s32 @!p2 $0xFFFFE000;
	s0 =	simm.s32 @!p3 $0x80  }
0x92: {  	[spmem:s4] =	stream.indirect.scatter.add.f32 @!p3 [tilespmem:s31], [sflag:$0xD], $0x8, s30, s0, $0xb8;
	[tilespmem:$0x1FE00] =	vst v63  }
0x93: {  	s0 =	sadd.s32 @!p2 $0x4, s29  }
0x94: {  	p2 =	sge.u32 @!p2 s0, s10  }
0x95: {  	s30 =	simm.s32 @!p3 $0xD;
	p1 =	por @!p0 p2, p1  }
0x96: {  	_ =	swait.ge @!p3 [sflag:s30], $0x400;
	p1 =	por p1, p0  }
0x97: {  	[sflag:s30] =	ssyncset.done @!p3 $0x0;
	s0 =	sand.u32 @!p1 $0x4, s0  }
0x98: {  	[sflag:s30] =	ssyncadd.s32 @!p3 $0xFFFFFC00;
	s30 =	sadd.s32 @!p1 $0x5, s0;
	s0 =	sshll.u32 @!p1 s0, $0x7  }
0x99: {  	s2 =	sadd.s32 @!p1 $0xFFFF60C0, s21;
	s7 =	simm.s32 @!p1 $0x0;
	s31 =	sadd.s32 @!p1 $0x14E00, s0  }
0x9a: {  	[tilespmem:s31], [sflag:s30] =	stream.linear.gather @!p1 [hbm4b:s2+s7], $0x80, $0x38;
	[tilespmem:$0x1FE00] =	vst v63  }
0x9b: {  	s0 =	sadd.s32 @!p1 $0x15200, s0;
	s2 =	sadd.s32 @!p1 $0xFFFFFD00, s21  }
0x9c: {  	[tilespmem:s0], [sflag:s30] =	stream.linear.gather @!p1 [hbm4b:s2+s7], $0x80, $0x38;
	[tilespmem:$0x1FE00] =	vst v63  }
0x9d: {  	p1 =	sge.u32 s29, s10  }
0x9e: {  	s0 =	sand.u32 @!p1 $0x4, s29  }
0x9f: {  	s2 =	sadd.s32 @!p1 $0x5, s0  }
0xa0: {  	_ =	swait.ge @!p1 [sflag:s2], $0x80  }
0xa1: {  	[sflag:s2] =	ssyncset.done @!p1 $0x0  }
0xa2: {  	[sflag:s2] =	ssyncadd.s32 @!p1 $0xFFFFFF80  }
0xa3: {  	_ =	swait.ge @!p1 [sflag:s2], $0x80  }
0xa4: {  	s7 =	simm.s32 @!p1 $0x15600;
	s0 =	sshll.u32 @!p1 s0, $0x7;
	[sflag:s2] =	ssyncset.done @!p1 $0x0  }
0xa5: {  	s0 =	sadd.s32 @!p1 $0x14E00, s0;
	[sflag:s2] =	ssyncadd.s32 @!p1 $0xFFFFFF80;
	s2 =	simm.s32 @!p1 $0x80  }
0xa6: {  	[tilespmem:s7], [sflag:$0x1] =	stream.indirect.gather @!p1 [spmem:s1], $0x40, s0, s2, $0xb8;
	[tilespmem:$0x1FE00] =	vst v63  }
0xa7: {  	s0 =	sadd.s32 $0xFFFFFFFD, s29  }
0xa8: {  	p1 =	sge.s32 @!p0 s0, s10  }
0xa9: {  	p2 =	por p1, p0  }
0xaa: {  	s0 =	simm.s32 @!p2 $0x2  }
0xab: {  	_ =	swait.ge @!p2 [sflag:s0], $0x2000  }
0xac: {  	s2 =	sadd.s32 @!p2 $0xFFFFFB00, s26;
	[sflag:s0] =	ssyncset.done @!p2 $0x0  }
0xad: {  	[sflag:s0] =	ssyncadd.s32 @!p2 $0xFFFFE000;
	s0 =	sand.u32 @!p2 $0x280, s2  }
0xae: {  	s7 =	simm.s32 @!p2 $0x17600;
	s2 =	simm.s32 @!p2 $0x80;
	s0 =	sadd.s32 @!p2 $0x15200, s0  }
0xaf: {  	[spmem:s3] =	stream.indirect.scatter.add.f32 @!p2 [tilespmem:s7], [sflag:$0xD], $0x40, s0, s2, $0xb8;
	[tilespmem:$0x1FE00] =	vst v63  }
0xb0: {  	p3 =	seq.s32 @!p2 s6, $0x0;
	s2 =	simm.s32 @!p2 $0xD  }
0xb1: {  	p3 =	por @!p0 p3, p1;
	_ =	swait.ge @!p2 [sflag:s2], $0x2000  }
0xb2: {  	p3 =	por p3, p0;
	[sflag:s2] =	ssyncset.done @!p2 $0x0  }
0xb3: {  	s7 =	simm.s32 @!p3 $0x1D600;
	[sflag:s2] =	ssyncadd.s32 @!p2 $0xFFFFE000;
	s2 =	simm.s32 @!p3 $0x80  }
0xb4: {  	[spmem:s4] =	stream.indirect.scatter.add.f32 @!p3 [tilespmem:s7], [sflag:$0xD], $0x8, s0, s2, $0xb8;
	[tilespmem:$0x1FE00] =	vst v63  }
0xb5: {  	s0 =	sadd.s32 @!p2 $0x5, s29  }
0xb6: {  	p2 =	sge.u32 @!p2 s0, s10  }
0xb7: {  	s2 =	simm.s32 @!p3 $0xD;
	p1 =	por @!p0 p2, p1  }
0xb8: {  	_ =	swait.ge @!p3 [sflag:s2], $0x400;
	p1 =	por p1, p0  }
0xb9: {  	[sflag:s2] =	ssyncset.done @!p3 $0x0;
	s0 =	sand.u32 @!p1 $0x5, s0  }
0xba: {  	[sflag:s2] =	ssyncadd.s32 @!p3 $0xFFFFFC00;
	s2 =	sadd.s32 @!p1 $0x5, s0;
	s0 =	sshll.u32 @!p1 s0, $0x7  }
0xbb: {  	s30 =	sadd.s32 @!p1 $0xFFFF61C0, s21;
	s31 =	simm.s32 @!p1 $0x0;
	s7 =	sadd.s32 @!p1 $0x14E00, s0  }
0xbc: {  	[tilespmem:s7], [sflag:s2] =	stream.linear.gather @!p1 [hbm4b:s30+s31], $0x80, $0x38;
	[tilespmem:$0x1FE00] =	vst v63  }
0xbd: {  	s0 =	sadd.s32 @!p1 $0x15200, s0;
	s7 =	sadd.s32 $0x1, s29;
	s30 =	sadd.s32 @!p1 $0xFFFFFE00, s21  }
0xbe: {  	[tilespmem:s0], [sflag:s2] =	stream.linear.gather @!p1 [hbm4b:s30+s31], $0x80, $0x38;
	[tilespmem:$0x1FE00] =	vst v63  }
0xbf: {  	p1 =	sge.u32 s7, s10  }
0xc0: {  	s0 =	sand.u32 @!p1 $0x5, s7  }
0xc1: {  	s2 =	sadd.s32 @!p1 $0x5, s0  }
0xc2: {  	_ =	swait.ge @!p1 [sflag:s2], $0x80  }
0xc3: {  	[sflag:s2] =	ssyncset.done @!p1 $0x0  }
0xc4: {  	[sflag:s2] =	ssyncadd.s32 @!p1 $0xFFFFFF80  }
0xc5: {  	_ =	swait.ge @!p1 [sflag:s2], $0x80  }
0xc6: {  	s7 =	simm.s32 @!p1 $0x17600;
	s0 =	sshll.u32 @!p1 s0, $0x7;
	[sflag:s2] =	ssyncset.done @!p1 $0x0  }
0xc7: {  	s0 =	sadd.s32 @!p1 $0x14E00, s0;
	[sflag:s2] =	ssyncadd.s32 @!p1 $0xFFFFFF80;
	s2 =	simm.s32 @!p1 $0x80  }
0xc8: {  	[tilespmem:s7], [sflag:$0x2] =	stream.indirect.gather @!p1 [spmem:s1], $0x40, s0, s2, $0xb8;
	[tilespmem:$0x1FE00] =	vst v63  }
0xc9: {  	s0 =	sadd.s32 $0xFFFFFFFE, s29  }
0xca: {  	p1 =	sge.s32 @!p0 s0, s10  }
0xcb: {  	p2 =	por p1, p0  }
0xcc: {  	s0 =	simm.s32 @!p2 $0x3  }
0xcd: {  	_ =	swait.ge @!p2 [sflag:s0], $0x2000  }
0xce: {  	s2 =	sadd.s32 @!p2 $0xFFFFFB80, s26;
	[sflag:s0] =	ssyncset.done @!p2 $0x0  }
0xcf: {  	[sflag:s0] =	ssyncadd.s32 @!p2 $0xFFFFE000;
	s0 =	sand.u32 @!p2 $0x300, s2  }
0xd0: {  	s7 =	simm.s32 @!p2 $0x19600;
	s2 =	simm.s32 @!p2 $0x80;
	s0 =	sadd.s32 @!p2 $0x15200, s0  }
0xd1: {  	[spmem:s3] =	stream.indirect.scatter.add.f32 @!p2 [tilespmem:s7], [sflag:$0xD], $0x40, s0, s2, $0xb8;
	[tilespmem:$0x1FE00] =	vst v63  }
0xd2: {  	p3 =	sne.s32 @!p2 s6, $0x0;
	s2 =	simm.s32 @!p2 $0xD  }
0xd3: {  	p3 =	por @!p0 p3, p1;
	_ =	swait.ge @!p2 [sflag:s2], $0x2000  }
0xd4: {  	p3 =	por p3, p0;
	[sflag:s2] =	ssyncset.done @!p2 $0x0  }
0xd5: {  	s7 =	simm.s32 @!p3 $0x1D600;
	[sflag:s2] =	ssyncadd.s32 @!p2 $0xFFFFE000;
	s2 =	simm.s32 @!p3 $0x80  }
0xd6: {  	[spmem:s4] =	stream.indirect.scatter.add.f32 @!p3 [tilespmem:s7], [sflag:$0xD], $0x8, s0, s2, $0xb8;
	[tilespmem:$0x1FE00] =	vst v63  }
0xd7: {  	s0 =	sadd.s32 @!p2 $0x6, s29  }
0xd8: {  	p2 =	sge.u32 @!p2 s0, s10  }
0xd9: {  	s2 =	simm.s32 @!p3 $0xD;
	p1 =	por @!p0 p2, p1  }
0xda: {  	_ =	swait.ge @!p3 [sflag:s2], $0x400;
	p1 =	por p1, p0  }
0xdb: {  	[sflag:s2] =	ssyncset.done @!p3 $0x0;
	s0 =	sand.u32 @!p1 $0x6, s0  }
0xdc: {  	[sflag:s2] =	ssyncadd.s32 @!p3 $0xFFFFFC00;
	s2 =	sadd.s32 @!p1 $0x5, s0;
	s0 =	sshll.u32 @!p1 s0, $0x7  }
0xdd: {  	s30 =	sadd.s32 @!p1 $0xFFFF62C0, s21;
	s31 =	simm.s32 @!p1 $0x0;
	s7 =	sadd.s32 @!p1 $0x14E00, s0  }
0xde: {  	[tilespmem:s7], [sflag:s2] =	stream.linear.gather @!p1 [hbm4b:s30+s31], $0x80, $0x38;
	[tilespmem:$0x1FE00] =	vst v63  }
0xdf: {  	s0 =	sadd.s32 @!p1 $0x15200, s0;
	s7 =	sadd.s32 $0x2, s29;
	s30 =	sadd.s32 @!p1 $0xFFFFFF00, s21  }
0xe0: {  	[tilespmem:s0], [sflag:s2] =	stream.linear.gather @!p1 [hbm4b:s30+s31], $0x80, $0x38;
	[tilespmem:$0x1FE00] =	vst v63  }
0xe1: {  	p1 =	sge.u32 s7, s10  }
0xe2: {  	s0 =	sand.u32 @!p1 $0x6, s7  }
0xe3: {  	s2 =	sadd.s32 @!p1 $0x5, s0  }
0xe4: {  	_ =	swait.ge @!p1 [sflag:s2], $0x80  }
0xe5: {  	[sflag:s2] =	ssyncset.done @!p1 $0x0  }
0xe6: {  	[sflag:s2] =	ssyncadd.s32 @!p1 $0xFFFFFF80  }
0xe7: {  	_ =	swait.ge @!p1 [sflag:s2], $0x80  }
0xe8: {  	s7 =	simm.s32 @!p1 $0x19600;
	s0 =	sshll.u32 @!p1 s0, $0x7;
	[sflag:s2] =	ssyncset.done @!p1 $0x0  }
0xe9: {  	s0 =	sadd.s32 @!p1 $0x14E00, s0;
	[sflag:s2] =	ssyncadd.s32 @!p1 $0xFFFFFF80;
	s2 =	simm.s32 @!p1 $0x80  }
0xea: {  	[tilespmem:s7], [sflag:$0x3] =	stream.indirect.gather @!p1 [spmem:s1], $0x40, s0, s2, $0xb8;
	[tilespmem:$0x1FE00] =	vst v63  }
0xeb: {  	p1 =	sgt.s32 @!p0 s29, s10  }
0xec: {  	p2 =	por p1, p0  }
0xed: {  	s0 =	simm.s32 @!p2 $0x4  }
0xee: {  	_ =	swait.ge @!p2 [sflag:s0], $0x2000  }
0xef: {  	[sflag:s0] =	ssyncset.done @!p2 $0x0  }
0xf0: {  	[sflag:s0] =	ssyncadd.s32 @!p2 $0xFFFFE000;
	s0 =	sand.u32 @!p2 $0x380, s26  }
0xf1: {  	s2 =	simm.s32 @!p2 $0x80;
	s7 =	simm.s32 @!p2 $0x1B600;
	s0 =	sadd.s32 @!p2 $0x15200, s0  }
0xf2: {  	[spmem:s3] =	stream.indirect.scatter.add.f32 @!p2 [tilespmem:s7], [sflag:$0xD], $0x40, s0, s2, $0xb8;
	[tilespmem:$0x1FE00] =	vst v63  }
0xf3: {  	p3 =	seq.s32 @!p2 s6, $0x0;
	s2 =	simm.s32 @!p2 $0xD  }
0xf4: {  	p3 =	por @!p0 p3, p1;
	_ =	swait.ge @!p2 [sflag:s2], $0x2000  }
0xf5: {  	p3 =	por p3, p0;
	[sflag:s2] =	ssyncset.done @!p2 $0x0  }
0xf6: {  	s7 =	simm.s32 @!p3 $0x1D600;
	[sflag:s2] =	ssyncadd.s32 @!p2 $0xFFFFE000;
	s2 =	simm.s32 @!p3 $0x80  }
0xf7: {  	[spmem:s4] =	stream.indirect.scatter.add.f32 @!p3 [tilespmem:s7], [sflag:$0xD], $0x8, s0, s2, $0xb8;
	[tilespmem:$0x1FE00] =	vst v63  }
0xf8: {  	s0 =	sadd.s32 @!p2 $0x7, s29  }
0xf9: {  	p2 =	sge.u32 @!p2 s0, s10  }
0xfa: {  	s2 =	simm.s32 @!p3 $0xD;
	p1 =	por @!p0 p2, p1  }
0xfb: {  	_ =	swait.ge @!p3 [sflag:s2], $0x400;
	p0 =	por p1, p0  }
0xfc: {  	[sflag:s2] =	ssyncset.done @!p3 $0x0;
	s0 =	sand.u32 @!p0 $0x7, s0  }
0xfd: {  	[sflag:s2] =	ssyncadd.s32 @!p3 $0xFFFFFC00;
	s2 =	sadd.s32 @!p0 $0x5, s0;
	s0 =	sshll.u32 @!p0 s0, $0x7  }
0xfe: {  	s30 =	sadd.s32 @!p0 $0xFFFF63C0, s21;
	s31 =	simm.s32 @!p0 $0x0;
	s7 =	sadd.s32 @!p0 $0x14E00, s0  }
0xff: {  	[tilespmem:s7], [sflag:s2] =	stream.linear.gather @!p0 [hbm4b:s30+s31], $0x80, $0x38;
	[tilespmem:$0x1FE00] =	vst v63  }
0x100: {  	s0 =	sadd.s32 @!p0 $0x15200, s0;
	s7 =	sadd.s32 $0x3, s29  }
0x101: {  	[tilespmem:s0], [sflag:s2] =	stream.linear.gather @!p0 [hbm4b:s21+s31], $0x80, $0x38;
	[tilespmem:$0x1FE00] =	vst v63  }
0x102: {  	p0 =	sge.u32 s7, s10  }
0x103: {  	s0 =	sand.u32 @!p0 $0x7, s7  }
0x104: {  	s2 =	sadd.s32 @!p0 $0x5, s0  }
0x105: {  	_ =	swait.ge @!p0 [sflag:s2], $0x80  }
0x106: {  	[sflag:s2] =	ssyncset.done @!p0 $0x0  }
0x107: {  	[sflag:s2] =	ssyncadd.s32 @!p0 $0xFFFFFF80  }
0x108: {  	s29 =	sadd.s32 $0x4, s29;
	s0 =	sshll.u32 @!p0 s0, $0x7;
	_ =	swait.ge @!p0 [sflag:s2], $0x80  }
0x109: {  	s7 =	simm.s32 @!p0 $0x1B600;
	s0 =	sadd.s32 @!p0 $0x14E00, s0;
	[sflag:s2] =	ssyncset.done @!p0 $0x0  }
0x10a: {  	s31 =	rddreg [dreg:$0x7];
	[sflag:s2] =	ssyncadd.s32 @!p0 $0xFFFFFF80;
	s2 =	simm.s32 @!p0 $0x80  }
0x10b: {  	[tilespmem:s7], [sflag:$0x4] =	stream.indirect.gather @!p0 [spmem:s1], $0x40, s0, s2, $0xb8;
	[tilespmem:$0x1FE00] =	vst v63  }
0x10c: {  	p0 =	sne.s32 s31, s29  }
.Ltmp0:
0x10d: {  	_ = 	snop;
	(pc) =	sbr.rel @p0 .LBB2_2-.Ltmp0, $2  }
0x10e: {  	_ =	sdelay $0x2  }
0x10f: {  	s26 =	sadd.s32 $0x200, s26;
	s21 =	sadd.s32 $0x400, s21  }
0x110: {  	[bflag:$0x0] =	sbarrier.arrive $0xFFFF  }
0x111: {  	s0 =	sshrl.u32 s14, $0x3;
	s2 =	rddreg [dreg:$0x14]  }
0x112: {  	[hbm:s2], [sflag:s13] =	dma.local [spmem:s0], $0x13C0  }
0x113: {  	_ =	swait.ge [sflag:s22], $0x13C0  }
0x114: {  	[sflag:s22] =	ssyncset.done $0x0  }
0x115: {  	s29 =	sshrl.u32 s15, $0x3;
	s30 =	rddreg [dreg:$0x15];
	[sflag:s22] =	ssyncadd.s32 $0xFFFFEC40  }
0x116: {  	[hbm:s30], [sflag:s13] =	dma.local [spmem:s29], $0x278  }
0x117: {  	_ =	swait.ge [sflag:s22], $0x278  }
0x118: {  	s25 =	sadd.s32 $0x1, s25;
	s31 =	rddreg [dreg:$0x16]  }
0x119: {  	p0 =	sne.s32 s25, s31  }
.Ltmp1:
0x11a: {  	_ = 	snop;
	(pc) =	sbr.rel @p0 .LBB2_1-.Ltmp1, $3  }
0x11b: {  	_ =	sdelay $0x1  }
0x11c: {  	[sflag:s22] =	ssyncset.done $0x0  }
0x11d: {  	[sflag:s22] =	ssyncadd.s32 $0xFFFFFD88  }
0x11e: {  	_ =	sfence.sel $0x180000  }
0x11f: {  	[bflag:$0x0] =	sbarrier.arrive $0xFFFF  }
0x120: {  	_ =	strace $0x90000047  }
0x121: {  	s0 =	stileid.u32;
	[bflag:$0x2] =	sbarrier.arrive $0xFFFF  }
0x122: {  	p0 =	sne.s32 s0, $0x0;
	s0 =	rddreg [dreg:$0x6]  }
0x123: {  	s0 =	sadd.s32 @!p0 $0x100000, s0  }
0x124: {  	[sflag:s0] =	ssyncadd.tile.s32 @!p0 $0x1;
	_ =	shalt  }
.Lfunc_end2:
_tile_overlayer_lowered:
.L_overlay_start_2:
0x125: {  	(tag) =	ssettag $0x2  }
0x126: {  	s0 =	rddreg [dreg:$0x0];
	s2 =	stileid.u32  }
0x127: {  	s1 =	rddreg [dreg:$0x1];
	p0 =	sne.s32 s2, $0x0  }
0x128: {  	s3 =	rddreg [dreg:$0x2];
	[bflag:$0x3] =	sbarrier.arrive $0xFFFF;
	s2 =	simm.s32 @!p0 $0x1C0D  }
0x129: {  	[timem:s3], [sflag:s2] =	dma.local @!p0 [hbm:s0], s1  }
0x12a: {  	s0 =	simm.s32 @!p0 $0xD  }
0x12b: {  	_ =	swait.ge @!p0 [sflag:s0], s1  }
0x12c: {  	s1 =	ssub.s32 @!p0 $0x0, s1;
	[sflag:s0] =	ssyncset.done @!p0 $0x0  }
0x12d: {  	[sflag:s0] =	ssyncadd.s32 @!p0 s1  }
0x12e: {  	[bflag:$0x3] =	sbarrier.arrive $0xFFFF  }
0x12f: {  	_ =	shalt  }

</sc_bundles>
